<compile_context>
chip_gen: v7x
topology: tpu7x:2x2x1
jax: 0.10.2.dev20260603
libtpu: 0.0.44.dev20260713+nightly
codegen_flags: <defaults>
</compile_context>

<pallas_src>
import functools

import jax
import jax.numpy as jnp
from jax import lax
from jax.experimental import pallas as pl
from jax.experimental.pallas import tpu as pltpu
from jax.experimental.pallas import tpu_sc as plsc

N = 10000
E = 320000
D = 128
CLASSES = 40

N_PAD = 10112
N_SC = 2
N_TILES = 16
NW = N_SC * N_TILES
CHUNK = 128
EPW = E // NW
CHUNKS_PER_W = 78
TAIL = EPW - CHUNKS_PER_W * CHUNK
RPT = N_PAD // N_TILES

W2 = 48
WD = 16

_MESH = plsc.VectorSubcoreMesh(core_axis_name="c", subcore_axis_name="s")


def _make_agg(width, tc_tiling):

  @functools.partial(
      pl.kernel,
      out_type=jax.ShapeDtypeStruct((N_SC * N_PAD, width), jnp.float32),
      mesh=_MESH,
      compiler_params=pltpu.CompilerParams(use_tc_tiling_on_sc=tc_tiling),
      scratch_types=[
          [pltpu.VMEM((CHUNK,), jnp.int32)] * 3,
          [pltpu.VMEM((CHUNK,), jnp.int32)] * 3,
          [pltpu.VMEM((CHUNK, width), jnp.float32)] * 3,
          pltpu.VMEM((TAIL,), jnp.int32),
          pltpu.VMEM_SHARED((N_PAD, width), jnp.float32),
          pltpu.SemaphoreType.DMA,
          pltpu.SemaphoreType.DMA,
          pltpu.SemaphoreType.DMA,
          pltpu.SemaphoreType.DMA,
      ],
  )
  def agg(t_hbm, ei_hbm, zeros_hbm, out_hbm,
          srcb, dstb, rowsb, dtail, acc_sh, gsem, ssem, dsem, ksem):
    c = lax.axis_index("c")
    s = lax.axis_index("s")
    wid = c * N_TILES + s
    r0 = s * RPT
    e0 = wid * EPW
    pltpu.sync_copy(zeros_hbm.at[pl.ds(r0, RPT)], acc_sh.at[pl.ds(r0, RPT)])
    plsc.subcore_barrier()

    def idxload(i, b):
      pltpu.async_copy(ei_hbm.at[pl.ds(e0 + i * CHUNK, CHUNK)], srcb[b], ksem)
      pltpu.async_copy(ei_hbm.at[pl.ds(E + e0 + i * CHUNK, CHUNK)], dstb[b], dsem)

    def wait_idx(b):
      pltpu.make_async_copy(ei_hbm.at[pl.ds(e0, CHUNK)], srcb[b], ksem).wait()
      pltpu.make_async_copy(ei_hbm.at[pl.ds(e0, CHUNK)], dstb[b], dsem).wait()

    def gather(b):
      pltpu.async_copy(t_hbm.at[srcb[b]], rowsb[b], gsem)

    def wait_gather(b):
      pltpu.make_async_copy(t_hbm.at[srcb[0]], rowsb[b], gsem).wait()

    def wait_scatter():
      pltpu.make_async_copy(rowsb[0], acc_sh.at[dstb[0]], ssem).wait()

    idxload(0, 0)
    idxload(1, 1)
    wait_idx(0)
    gather(0)

    def body(g, carry):
      for b in range(3):
        i = 3 * g + b

        @pl.when(i + 1 < CHUNKS_PER_W)
        def _():
          wait_idx((b + 1) % 3)
          gather((b + 1) % 3)

        wait_gather(b)
        pltpu.async_copy(rowsb[b], acc_sh.at[dstb[b]], ssem, add=True)

        @pl.when(i >= 1)
        def _():
          wait_scatter()

        @pl.when(i + 2 < CHUNKS_PER_W)
        def _():
          idxload(i + 2, (b + 2) % 3)
      return carry

    lax.fori_loop(0, CHUNKS_PER_W // 3, body, 0)
    wait_scatter()
    et = e0 + CHUNKS_PER_W * CHUNK
    pltpu.async_copy(ei_hbm.at[pl.ds(et, TAIL)],
                     srcb[0].at[pl.ds(0, TAIL)], ksem)
    pltpu.async_copy(ei_hbm.at[pl.ds(E + et, TAIL)], dtail, dsem)
    pltpu.make_async_copy(ei_hbm.at[pl.ds(e0, TAIL)],
                          srcb[0].at[pl.ds(0, TAIL)], ksem).wait()
    pltpu.make_async_copy(ei_hbm.at[pl.ds(e0, TAIL)], dtail, dsem).wait()
    pltpu.async_copy(t_hbm.at[srcb[0].at[pl.ds(0, TAIL)]],
                     rowsb[0].at[pl.ds(0, TAIL)], gsem)
    pltpu.make_async_copy(t_hbm.at[srcb[0].at[pl.ds(0, TAIL)]],
                          rowsb[0].at[pl.ds(0, TAIL)], gsem).wait()
    pltpu.sync_copy(rowsb[0].at[pl.ds(0, TAIL)], acc_sh.at[dtail], add=True)
    plsc.subcore_barrier()
    pltpu.sync_copy(acc_sh.at[pl.ds(r0, RPT)],
                    out_hbm.at[pl.ds(c * N_PAD + r0, RPT)])

  return agg


@functools.partial(
    pl.kernel,
    out_type=jax.ShapeDtypeStruct((N_SC * N_PAD, WD), jnp.float32),
    mesh=_MESH,
    compiler_params=pltpu.CompilerParams(use_tc_tiling_on_sc=False),
    scratch_types=[
        pltpu.VMEM((CHUNK, WD), jnp.float32),
        [pltpu.VMEM((CHUNK,), jnp.int32)] * 3,
        pltpu.VMEM((TAIL,), jnp.int32),
        pltpu.VMEM_SHARED((N_PAD, WD), jnp.float32),
        pltpu.SemaphoreType.DMA,
        pltpu.SemaphoreType.DMA,
    ],
)
def _deg(ones_hbm, ei_hbm, zeros_hbm, out_hbm,
         ones_v, dstb, dtail, acc_sh, dsem, ssem):
  c = lax.axis_index("c")
  s = lax.axis_index("s")
  wid = c * N_TILES + s
  r0 = s * RPT
  e0 = wid * EPW
  pltpu.sync_copy(zeros_hbm.at[pl.ds(r0, RPT)], acc_sh.at[pl.ds(r0, RPT)])
  pltpu.sync_copy(ones_hbm, ones_v)
  plsc.subcore_barrier()

  def dstload(i, b):
    pltpu.async_copy(ei_hbm.at[pl.ds(E + e0 + i * CHUNK, CHUNK)], dstb[b], dsem)

  def wait_dstload(b):
    pltpu.make_async_copy(ei_hbm.at[pl.ds(e0, CHUNK)], dstb[b], dsem).wait()

  def wait_scatter():
    pltpu.make_async_copy(ones_v, acc_sh.at[dstb[0]], ssem).wait()

  dstload(0, 0)
  dstload(1, 1)

  def body(g, carry):
    for b in range(3):
      i = 3 * g + b
      wait_dstload(b)
      pltpu.async_copy(ones_v, acc_sh.at[dstb[b]], ssem, add=True)

      @pl.when(i >= 1)
      def _():
        wait_scatter()

      @pl.when(i + 2 < CHUNKS_PER_W)
      def _():
        dstload(i + 2, (b + 2) % 3)
    return carry

  lax.fori_loop(0, CHUNKS_PER_W // 3, body, 0)
  wait_scatter()
  et = e0 + CHUNKS_PER_W * CHUNK
  pltpu.async_copy(ei_hbm.at[pl.ds(E + et, TAIL)], dtail, dsem)
  pltpu.make_async_copy(ei_hbm.at[pl.ds(e0, TAIL)], dtail, dsem).wait()
  pltpu.sync_copy(ones_v.at[pl.ds(0, TAIL)], acc_sh.at[dtail], add=True)
  plsc.subcore_barrier()
  pltpu.sync_copy(acc_sh.at[pl.ds(r0, RPT)],
                  out_hbm.at[pl.ds(c * N_PAD + r0, RPT)])


_agg0 = _make_agg(D, True)
_agg2 = _make_agg(W2, False)


_R = 5056
_G = N_PAD // _R


def _mm0(x_pad, wn0):
  def body(x_ref, w_ref, o_ref):
    o_ref[...] = jnp.dot(x_ref[...], w_ref[...],
                         preferred_element_type=jnp.float32)

  return pl.pallas_call(
      body,
      grid=(_G,),
      in_specs=[pl.BlockSpec((_R, D), lambda i: (i, 0)),
                pl.BlockSpec((D, D), lambda i: (0, 0))],
      out_specs=pl.BlockSpec((_R, D), lambda i: (i, 0)),
      out_shape=jax.ShapeDtypeStruct((N_PAD, D), jnp.float32),
  )(x_pad, wn0)


def _combine0(x_pad, s0, sdeg, wself0, b0, wneigh1):
  def body(x_ref, sa_ref, sb_ref, da_ref, db_ref, ws_ref, b_ref, wn_ref,
           h1_ref, t1_ref, rdeg_ref):
    deg = da_ref[...] + db_ref[...]
    rdeg = 1.0 / jnp.maximum(deg, 1.0)
    neigh = (sa_ref[...] + sb_ref[...]) * rdeg
    h1 = jnp.maximum(
        jnp.dot(x_ref[...], ws_ref[...], preferred_element_type=jnp.float32)
        + neigh + b_ref[...], 0.0)
    h1_ref[...] = h1
    t1_ref[...] = jnp.dot(h1, wn_ref[...], preferred_element_type=jnp.float32)
    rdeg_ref[...] = rdeg

  return pl.pallas_call(
      body,
      grid=(_G,),
      in_specs=[
          pl.BlockSpec((_R, D), lambda i: (i, 0)),
          pl.BlockSpec((_R, D), lambda i: (i, 0)),
          pl.BlockSpec((_R, D), lambda i: (i + _G, 0)),
          pl.BlockSpec((_R, 1), lambda i: (i, 0)),
          pl.BlockSpec((_R, 1), lambda i: (i + _G, 0)),
          pl.BlockSpec((D, D), lambda i: (0, 0)),
          pl.BlockSpec((1, D), lambda i: (0, 0)),
          pl.BlockSpec((D, D), lambda i: (0, 0)),
      ],
      out_specs=[
          pl.BlockSpec((_R, D), lambda i: (i, 0)),
          pl.BlockSpec((_R, D), lambda i: (i, 0)),
          pl.BlockSpec((_R, 1), lambda i: (i, 0)),
      ],
      out_shape=[
          jax.ShapeDtypeStruct((N_PAD, D), jnp.float32),
          jax.ShapeDtypeStruct((N_PAD, D), jnp.float32),
          jax.ShapeDtypeStruct((N_PAD, 1), jnp.float32),
      ],
  )(x_pad, s0, s0, sdeg, sdeg, wself0, b0, wneigh1)


def _combine1(h1, s1, rdeg, wself1, b1, wneigh2_pad, wself2):
  def body(h_ref, sa_ref, sb_ref, rd_ref, ws_ref, b_ref, wn_ref, w2_ref,
           t2_ref, u2_ref):
    neigh = (sa_ref[...] + sb_ref[...]) * rd_ref[...]
    h2 = jnp.maximum(
        jnp.dot(h_ref[...], ws_ref[...], preferred_element_type=jnp.float32)
        + neigh + b_ref[...], 0.0)
    t2_ref[...] = jnp.dot(h2, wn_ref[...], preferred_element_type=jnp.float32)
    u2_ref[...] = jnp.dot(h2, w2_ref[...], preferred_element_type=jnp.float32)

  return pl.pallas_call(
      body,
      grid=(_G,),
      in_specs=[
          pl.BlockSpec((_R, D), lambda i: (i, 0)),
          pl.BlockSpec((_R, D), lambda i: (i, 0)),
          pl.BlockSpec((_R, D), lambda i: (i + _G, 0)),
          pl.BlockSpec((_R, 1), lambda i: (i, 0)),
          pl.BlockSpec((D, D), lambda i: (0, 0)),
          pl.BlockSpec((1, D), lambda i: (0, 0)),
          pl.BlockSpec((D, W2), lambda i: (0, 0)),
          pl.BlockSpec((D, CLASSES), lambda i: (0, 0)),
      ],
      out_specs=[
          pl.BlockSpec((_R, W2), lambda i: (i, 0)),
          pl.BlockSpec((_R, CLASSES), lambda i: (i, 0)),
      ],
      out_shape=[
          jax.ShapeDtypeStruct((N_PAD, W2), jnp.float32),
          jax.ShapeDtypeStruct((N_PAD, CLASSES), jnp.float32),
      ],
  )(h1, s1, s1, rdeg, wself1, b1, wneigh2_pad, wself2)


def _combine2(u2, s2, rdeg, b2):
  def body(u_ref, sa_ref, sb_ref, rd_ref, b_ref, o_ref):
    sm = (sa_ref[...] + sb_ref[...])[:, :CLASSES]
    o_ref[...] = u_ref[...] + sm * rd_ref[...] + b_ref[...]

  return pl.pallas_call(
      body,
      grid=(_G,),
      in_specs=[
          pl.BlockSpec((_R, CLASSES), lambda i: (i, 0)),
          pl.BlockSpec((_R, W2), lambda i: (i, 0)),
          pl.BlockSpec((_R, W2), lambda i: (i + _G, 0)),
          pl.BlockSpec((_R, 1), lambda i: (i, 0)),
          pl.BlockSpec((1, CLASSES), lambda i: (0, 0)),
      ],
      out_specs=pl.BlockSpec((_R, CLASSES), lambda i: (i, 0)),
      out_shape=jax.ShapeDtypeStruct((N, CLASSES), jnp.float32),
  )(u2, s2, s2, rdeg, b2)


def kernel(x, edge_index, Wself0, Wneigh0, b0, Wself1, Wneigh1, b1,
           Wself2, Wneigh2, b2):
  x_pad = jnp.pad(x, ((0, N_PAD - N), (0, 0)))
  wn2_pad = jnp.pad(Wneigh2, ((0, 0), (0, W2 - CLASSES)))
  z128 = jnp.zeros((N_PAD, D), jnp.float32)
  z48 = jnp.zeros((N_PAD, W2), jnp.float32)
  z16 = jnp.zeros((N_PAD, WD), jnp.float32)
  ones16 = jnp.ones((CHUNK, WD), jnp.float32)

  ei_flat = edge_index.reshape(2 * E)
  sdeg = _deg(ones16, ei_flat, z16)
  deg2 = sdeg[:, 0:1]
  t0 = _mm0(x_pad, Wneigh0)
  s0 = _agg0(t0, ei_flat, z128)
  h1, t1, rdeg = _combine0(x_pad, s0, deg2, Wself0, b0.reshape(1, D), Wneigh1)
  s1 = _agg0(t1, ei_flat, z128)
  t2, u2 = _combine1(h1, s1, rdeg, Wself1, b1.reshape(1, D), wn2_pad, Wself2)
  s2 = _agg2(t2, ei_flat, z48)
  return _combine2(u2, s2, rdeg, b2.reshape(1, CLASSES))

# --- scband reference (transcript-rebuilt; emitter-appended) ---
"""Pipeline reference for scband-sageprop-85452669321863 (READ-ONLY COPY).

The authoritative reference and input builder live on the scoring server;
editing this copy changes nothing except your own understanding.
"""

import jax, jax.numpy as jnp
import numpy as np

N = 10000
E = 320000
D_IN = 128
HIDDEN = 128
CLASSES = 40


def setup_inputs(seed: int = 0) -> dict:
    key = jax.random.key(seed)
    ks = jax.random.split(key, 12)
    x = jax.random.normal(ks[0], (N, D_IN), dtype=jnp.float32)
    edge_index = jax.random.randint(ks[1], (2, E), 0, N, dtype=jnp.int32)
    def lin(k, fin, fout):
        return jax.random.normal(k, (fin, fout), dtype=jnp.float32) * (1.0 / np.sqrt(fin))
    Wself0 = lin(ks[2], D_IN, HIDDEN)
    Wneigh0 = lin(ks[3], D_IN, HIDDEN)
    b0 = jnp.zeros((HIDDEN,), dtype=jnp.float32)
    Wself1 = lin(ks[4], HIDDEN, HIDDEN)
    Wneigh1 = lin(ks[5], HIDDEN, HIDDEN)
    b1 = jnp.zeros((HIDDEN,), dtype=jnp.float32)
    Wself2 = lin(ks[6], HIDDEN, CLASSES)
    Wneigh2 = lin(ks[7], HIDDEN, CLASSES)
    b2 = jnp.zeros((CLASSES,), dtype=jnp.float32)
    return {"x": x, "edge_index": edge_index,
            "Wself0": Wself0, "Wneigh0": Wneigh0, "b0": b0,
            "Wself1": Wself1, "Wneigh1": Wneigh1, "b1": b1,
            "Wself2": Wself2, "Wneigh2": Wneigh2, "b2": b2}


def _sage_layer(h, edge_index, Wself, Wneigh, b):
    # DGL SAGEConv(aggregator_type='mean'):
    #   h_neigh = mean over in-edges of h[src]; out = fc_self(h) + fc_neigh(h_neigh)
    src = edge_index[0]
    dst = edge_index[1]
    msg = jnp.take(h, src, axis=0)
    summed = jax.ops.segment_sum(msg, dst, num_segments=h.shape[0])
    deg = jax.ops.segment_sum(jnp.ones((edge_index.shape[1],), h.dtype), dst, num_segments=h.shape[0])
    neigh = summed / jnp.maximum(deg, 1.0)[:, None]
    return h @ Wself + neigh @ Wneigh + b


def reference(x, edge_index, Wself0, Wneigh0, b0, Wself1, Wneigh1, b1, Wself2, Wneigh2, b2):
    # dropout is identity in eval mode
    h = _sage_layer(x, edge_index, Wself0, Wneigh0, b0)
    h = jax.nn.relu(h)
    h = _sage_layer(h, edge_index, Wself1, Wneigh1, b1)
    h = jax.nn.relu(h)
    h = _sage_layer(h, edge_index, Wself2, Wneigh2, b2)
    return h

if __name__ == "__main__":
    import jax
    _d = setup_inputs()
    print(jax.jit(kernel)(*tuple(_d.values())))

</pallas_src>

<mosaic_0001>
#map = affine_map<(d0, d1) -> (0, 0)>
#map1 = affine_map<(d0, d1) -> (0)>
module attributes {stable_mosaic.version = 14 : i64} {
  func.func @_deg(%arg0: i32, %arg1: i32, %arg2: memref<128x16xf32, #tpu.memory_space<hbm>>, %arg3: memref<640000xi32, #tpu.memory_space<hbm>>, %arg4: memref<10112x16xf32, #tpu.memory_space<hbm>>, %arg5: memref<20224x16xf32, #tpu.memory_space<hbm>>, %arg6: memref<128x16xf32, #tpu.memory_space<vmem>>, %arg7: memref<128xi32, #tpu.memory_space<vmem>>, %arg8: memref<128xi32, #tpu.memory_space<vmem>>, %arg9: memref<128xi32, #tpu.memory_space<vmem>>, %arg10: memref<16xi32, #tpu.memory_space<vmem>>, %arg11: memref<10112x16xf32, #tpu.memory_space<vmem_shared>>, %arg12: memref<!tpu.dma_semaphore, #tpu.memory_space<semaphore_mem>>, %arg13: memref<!tpu.dma_semaphore, #tpu.memory_space<semaphore_mem>>) attributes {dimension_semantics = [#tpu.dimension_semantics<core_parallel>, #tpu.dimension_semantics<subcore_parallel>], iteration_bounds = array<i64: 2, 16>, scalar_prefetch = 0 : i64, scratch_operands = 8 : i64, tpu.core_type = #tpu.core_type<sc_vector_subcore>, window_params = [{transform_indices = #map}, {transform_indices = #map1}, {transform_indices = #map}, {transform_indices = #map}]} {
    %mul3A = arith.constant 16 : i32
    %mul3A_0 = arith.muli %arg0, %mul3A : i32
    %add3A = arith.addi %mul3A_0, %arg1 : i32
    %mul3A_1 = arith.constant 632 : i32
    %mul3A_2 = arith.muli %arg1, %mul3A_1 : i32
    %mul3A_3 = arith.constant 10000 : i32
    %mul3A_4 = arith.muli %add3A, %mul3A_3 : i32
    "tpu.region"() ({
      %run_scoped3A = tpu.sem_alloc : memref<!tpu.dma_semaphore, #tpu.memory_space<semaphore_mem>>
      %dma_start3A_35 = arith.constant 0 : i32
      %dma_start3A_36 = tpu.memref_slice %arg11[%mul3A_2, %dma_start3A_35] : memref<10112x16xf32, #tpu.memory_space<vmem_shared>> -> memref<632x16xf32, #tpu.memory_space<vmem_shared>>
      %dma_start3A_37 = arith.constant 0 : i32
      %dma_start3A_38 = tpu.memref_slice %arg4[%mul3A_2, %dma_start3A_37] : memref<10112x16xf32, #tpu.memory_space<hbm>> -> memref<632x16xf32, #tpu.memory_space<hbm>>
      tpu.enqueue_dma source(%dma_start3A_38 : memref<632x16xf32, #tpu.memory_space<hbm>>) target(%dma_start3A_36 : memref<632x16xf32, #tpu.memory_space<vmem_shared>>) target_semaphore(%run_scoped3A : memref<!tpu.dma_semaphore, #tpu.memory_space<semaphore_mem>>)
      %dma_wait3A_39 = arith.constant 0 : i32
      %dma_wait3A_40 = tpu.memref_slice %arg11[%mul3A_2, %dma_wait3A_39] : memref<10112x16xf32, #tpu.memory_space<vmem_shared>> -> memref<632x16xf32, #tpu.memory_space<vmem_shared>>
      %dma_wait3A_41 = arith.constant 0 : i32
      %dma_wait3A_42 = tpu.memref_slice %arg4[%mul3A_2, %dma_wait3A_41] : memref<10112x16xf32, #tpu.memory_space<hbm>> -> memref<632x16xf32, #tpu.memory_space<hbm>>
      tpu.wait_dma2 semaphore(%run_scoped3A : memref<!tpu.dma_semaphore, #tpu.memory_space<semaphore_mem>>) src(%dma_wait3A_42 : memref<632x16xf32, #tpu.memory_space<hbm>>) dst(%dma_wait3A_40 : memref<632x16xf32, #tpu.memory_space<vmem_shared>>)
      tpu.yield
    }) : () -> ()
    "tpu.region"() ({
      %run_scoped3A = tpu.sem_alloc : memref<!tpu.dma_semaphore, #tpu.memory_space<semaphore_mem>>
      tpu.enqueue_dma source(%arg2 : memref<128x16xf32, #tpu.memory_space<hbm>>) target(%arg6 : memref<128x16xf32, #tpu.memory_space<vmem>>) target_semaphore(%run_scoped3A : memref<!tpu.dma_semaphore, #tpu.memory_space<semaphore_mem>>)
      tpu.wait_dma2 semaphore(%run_scoped3A : memref<!tpu.dma_semaphore, #tpu.memory_space<semaphore_mem>>) src(%arg2 : memref<128x16xf32, #tpu.memory_space<hbm>>) dst(%arg6 : memref<128x16xf32, #tpu.memory_space<vmem>>)
      tpu.yield
    }) : () -> ()
    %barrier3A = arith.constant 0 : index
    tpu.barrier barrier_id(%barrier3A)
    %add3A_5 = arith.constant 320000 : i32
    %add3A_6 = arith.addi %add3A_5, %mul3A_4 : i32
    %add3A_7 = arith.constant 0 : i32
    %add3A_8 = arith.addi %add3A_6, %add3A_7 : i32
    %dma_start3A = tpu.memref_slice %arg3[%add3A_8] : memref<640000xi32, #tpu.memory_space<hbm>> -> memref<128xi32, #tpu.memory_space<hbm>>
    %dma_start3A_9 = tpu.memref_slice %arg3[%add3A_8] : memref<640000xi32, #tpu.memory_space<hbm>> -> memref<128xi32, #tpu.memory_space<hbm>>
    tpu.enqueue_dma source(%dma_start3A_9 : memref<128xi32, #tpu.memory_space<hbm>>) target(%arg7 : memref<128xi32, #tpu.memory_space<vmem>>) target_semaphore(%arg12 : memref<!tpu.dma_semaphore, #tpu.memory_space<semaphore_mem>>)
    %add3A_10 = arith.constant 320000 : i32
    %add3A_11 = arith.addi %add3A_10, %mul3A_4 : i32
    %add3A_12 = arith.constant 128 : i32
    %add3A_13 = arith.addi %add3A_11, %add3A_12 : i32
    %dma_start3A_14 = tpu.memref_slice %arg3[%add3A_13] : memref<640000xi32, #tpu.memory_space<hbm>> -> memref<128xi32, #tpu.memory_space<hbm>>
    %dma_start3A_15 = tpu.memref_slice %arg3[%add3A_13] : memref<640000xi32, #tpu.memory_space<hbm>> -> memref<128xi32, #tpu.memory_space<hbm>>
    tpu.enqueue_dma source(%dma_start3A_15 : memref<128xi32, #tpu.memory_space<hbm>>) target(%arg8 : memref<128xi32, #tpu.memory_space<vmem>>) target_semaphore(%arg12 : memref<!tpu.dma_semaphore, #tpu.memory_space<semaphore_mem>>)
    %scan3A = arith.constant 0 : i32
    %scan3A_16 = arith.constant 0 : i32
    %scan3A_17 = arith.constant 26 : i32
    %scan3A_18 = arith.addi %scan3A_16, %scan3A_17 : i32
    %scan3A_19 = arith.constant 1 : i32
    scf.for %scan3A_35 = %scan3A_16 to %scan3A_18 step %scan3A_19  : i32 {
      %mul3A_36 = arith.constant 3 : i32
      %mul3A_37 = arith.muli %mul3A_36, %scan3A_35 : i32
      %add3A_38 = arith.constant 0 : i32
      %add3A_39 = arith.addi %mul3A_37, %add3A_38 : i32
      %dma_wait3A_40 = tpu.memref_slice %arg3[%mul3A_4] : memref<640000xi32, #tpu.memory_space<hbm>> -> memref<128xi32, #tpu.memory_space<hbm>>
      %dma_wait3A_41 = tpu.memref_slice %arg3[%mul3A_4] : memref<640000xi32, #tpu.memory_space<hbm>> -> memref<128xi32, #tpu.memory_space<hbm>>
      tpu.wait_dma2 semaphore(%arg12 : memref<!tpu.dma_semaphore, #tpu.memory_space<semaphore_mem>>) src(%dma_wait3A_41 : memref<128xi32, #tpu.memory_space<hbm>>) dst(%arg7 : memref<128xi32, #tpu.memory_space<vmem>>)
      %dma_start3A_42 = arith.constant 0 : i32
      %dma_start3A_43 = arith.constant 0 : i32
      %dma_start3A_44 = tpu.memref_slice %arg11[%dma_start3A_42, %dma_start3A_43] : memref<10112x16xf32, #tpu.memory_space<vmem_shared>> -> memref<10112x16xf32, #tpu.memory_space<vmem_shared>>
      tpu.enqueue_indirect_dma source(%arg6 : memref<128x16xf32, #tpu.memory_space<vmem>>) target(%dma_start3A_44 : memref<10112x16xf32, #tpu.memory_space<vmem_shared>>) offsets(%arg7 : memref<128xi32, #tpu.memory_space<vmem>>) semaphore(%arg13 : memref<!tpu.dma_semaphore, #tpu.memory_space<semaphore_mem>>) {add = true}
      %ge3A = arith.constant 1 : i32
      %ge3A_45 = arith.cmpi sge, %add3A_39, %ge3A : i32
      %convert_element_type3A = arith.extui %ge3A_45 : i1 to i32
      %cond3A = arith.constant 0 : i32
      %cond3A_46 = arith.cmpi ne, %convert_element_type3A, %cond3A : i32
      scf.if %cond3A_46 {
        %dma_wait3A_95 = arith.constant 0 : i32
        %dma_wait3A_96 = arith.constant 0 : i32
        %dma_wait3A_97 = tpu.memref_slice %arg11[%dma_wait3A_95, %dma_wait3A_96] : memref<10112x16xf32, #tpu.memory_space<vmem_shared>> -> memref<10112x16xf32, #tpu.memory_space<vmem_shared>>
        tpu.wait_indirect_dma semaphore(%arg13 : memref<!tpu.dma_semaphore, #tpu.memory_space<semaphore_mem>>) src(%arg6 : memref<128x16xf32, #tpu.memory_space<vmem>>) dst(%dma_wait3A_97 : memref<10112x16xf32, #tpu.memory_space<vmem_shared>>)
      } else {
      }
      %add3A_47 = arith.constant 2 : i32
      %add3A_48 = arith.addi %add3A_39, %add3A_47 : i32
      %lt3A = arith.constant 78 : i32
      %lt3A_49 = arith.cmpi slt, %add3A_48, %lt3A : i32
      %convert_element_type3A_50 = arith.extui %lt3A_49 : i1 to i32
      %cond3A_51 = arith.constant 0 : i32
      %cond3A_52 = arith.cmpi ne, %convert_element_type3A_50, %cond3A_51 : i32
      scf.if %cond3A_52 {
        %add3A_95 = arith.constant 2 : i32
        %add3A_96 = arith.addi %add3A_39, %add3A_95 : i32
        %add3A_97 = arith.constant 320000 : i32
        %add3A_98 = arith.addi %add3A_97, %mul3A_4 : i32
        %mul3A_99 = arith.constant 128 : i32
        %mul3A_100 = arith.muli %add3A_96, %mul3A_99 : i32
        %add3A_101 = arith.addi %add3A_98, %mul3A_100 : i32
        %dma_start3A_102 = tpu.memref_slice %arg3[%add3A_101] : memref<640000xi32, #tpu.memory_space<hbm>> -> memref<128xi32, #tpu.memory_space<hbm>>
        %dma_start3A_103 = tpu.memref_slice %arg3[%add3A_101] : memref<640000xi32, #tpu.memory_space<hbm>> -> memref<128xi32, #tpu.memory_space<hbm>>
        tpu.enqueue_dma source(%dma_start3A_103 : memref<128xi32, #tpu.memory_space<hbm>>) target(%arg9 : memref<128xi32, #tpu.memory_space<vmem>>) target_semaphore(%arg12 : memref<!tpu.dma_semaphore, #tpu.memory_space<semaphore_mem>>)
      } else {
      }
      %mul3A_53 = arith.constant 3 : i32
      %mul3A_54 = arith.muli %mul3A_53, %scan3A_35 : i32
      %add3A_55 = arith.constant 1 : i32
      %add3A_56 = arith.addi %mul3A_54, %add3A_55 : i32
      %dma_wait3A_57 = tpu.memref_slice %arg3[%mul3A_4] : memref<640000xi32, #tpu.memory_space<hbm>> -> memref<128xi32, #tpu.memory_space<hbm>>
      %dma_wait3A_58 = tpu.memref_slice %arg3[%mul3A_4] : memref<640000xi32, #tpu.memory_space<hbm>> -> memref<128xi32, #tpu.memory_space<hbm>>
      tpu.wait_dma2 semaphore(%arg12 : memref<!tpu.dma_semaphore, #tpu.memory_space<semaphore_mem>>) src(%dma_wait3A_58 : memref<128xi32, #tpu.memory_space<hbm>>) dst(%arg8 : memref<128xi32, #tpu.memory_space<vmem>>)
      %dma_start3A_59 = arith.constant 0 : i32
      %dma_start3A_60 = arith.constant 0 : i32
      %dma_start3A_61 = tpu.memref_slice %arg11[%dma_start3A_59, %dma_start3A_60] : memref<10112x16xf32, #tpu.memory_space<vmem_shared>> -> memref<10112x16xf32, #tpu.memory_space<vmem_shared>>
      tpu.enqueue_indirect_dma source(%arg6 : memref<128x16xf32, #tpu.memory_space<vmem>>) target(%dma_start3A_61 : memref<10112x16xf32, #tpu.memory_space<vmem_shared>>) offsets(%arg8 : memref<128xi32, #tpu.memory_space<vmem>>) semaphore(%arg13 : memref<!tpu.dma_semaphore, #tpu.memory_space<semaphore_mem>>) {add = true}
      %ge3A_62 = arith.constant 1 : i32
      %ge3A_63 = arith.cmpi sge, %add3A_56, %ge3A_62 : i32
      %convert_element_type3A_64 = arith.extui %ge3A_63 : i1 to i32
      %cond3A_65 = arith.constant 0 : i32
      %cond3A_66 = arith.cmpi ne, %convert_element_type3A_64, %cond3A_65 : i32
      scf.if %cond3A_66 {
        %dma_wait3A_95 = arith.constant 0 : i32
        %dma_wait3A_96 = arith.constant 0 : i32
        %dma_wait3A_97 = tpu.memref_slice %arg11[%dma_wait3A_95, %dma_wait3A_96] : memref<10112x16xf32, #tpu.memory_space<vmem_shared>> -> memref<10112x16xf32, #tpu.memory_space<vmem_shared>>
        tpu.wait_indirect_dma semaphore(%arg13 : memref<!tpu.dma_semaphore, #tpu.memory_space<semaphore_mem>>) src(%arg6 : memref<128x16xf32, #tpu.memory_space<vmem>>) dst(%dma_wait3A_97 : memref<10112x16xf32, #tpu.memory_space<vmem_shared>>)
      } else {
      }
      %add3A_67 = arith.constant 2 : i32
      %add3A_68 = arith.addi %add3A_56, %add3A_67 : i32
      %lt3A_69 = arith.constant 78 : i32
      %lt3A_70 = arith.cmpi slt, %add3A_68, %lt3A_69 : i32
      %convert_element_type3A_71 = arith.extui %lt3A_70 : i1 to i32
      %cond3A_72 = arith.constant 0 : i32
      %cond3A_73 = arith.cmpi ne, %convert_element_type3A_71, %cond3A_72 : i32
      scf.if %cond3A_73 {
        %add3A_95 = arith.constant 2 : i32
        %add3A_96 = arith.addi %add3A_56, %add3A_95 : i32
        %add3A_97 = arith.constant 320000 : i32
        %add3A_98 = arith.addi %add3A_97, %mul3A_4 : i32
        %mul3A_99 = arith.constant 128 : i32
        %mul3A_100 = arith.muli %add3A_96, %mul3A_99 : i32
        %add3A_101 = arith.addi %add3A_98, %mul3A_100 : i32
        %dma_start3A_102 = tpu.memref_slice %arg3[%add3A_101] : memref<640000xi32, #tpu.memory_space<hbm>> -> memref<128xi32, #tpu.memory_space<hbm>>
        %dma_start3A_103 = tpu.memref_slice %arg3[%add3A_101] : memref<640000xi32, #tpu.memory_space<hbm>> -> memref<128xi32, #tpu.memory_space<hbm>>
        tpu.enqueue_dma source(%dma_start3A_103 : memref<128xi32, #tpu.memory_space<hbm>>) target(%arg7 : memref<128xi32, #tpu.memory_space<vmem>>) target_semaphore(%arg12 : memref<!tpu.dma_semaphore, #tpu.memory_space<semaphore_mem>>)
      } else {
      }
      %mul3A_74 = arith.constant 3 : i32
      %mul3A_75 = arith.muli %mul3A_74, %scan3A_35 : i32
      %add3A_76 = arith.constant 2 : i32
      %add3A_77 = arith.addi %mul3A_75, %add3A_76 : i32
      %dma_wait3A_78 = tpu.memref_slice %arg3[%mul3A_4] : memref<640000xi32, #tpu.memory_space<hbm>> -> memref<128xi32, #tpu.memory_space<hbm>>
      %dma_wait3A_79 = tpu.memref_slice %arg3[%mul3A_4] : memref<640000xi32, #tpu.memory_space<hbm>> -> memref<128xi32, #tpu.memory_space<hbm>>
      tpu.wait_dma2 semaphore(%arg12 : memref<!tpu.dma_semaphore, #tpu.memory_space<semaphore_mem>>) src(%dma_wait3A_79 : memref<128xi32, #tpu.memory_space<hbm>>) dst(%arg9 : memref<128xi32, #tpu.memory_space<vmem>>)
      %dma_start3A_80 = arith.constant 0 : i32
      %dma_start3A_81 = arith.constant 0 : i32
      %dma_start3A_82 = tpu.memref_slice %arg11[%dma_start3A_80, %dma_start3A_81] : memref<10112x16xf32, #tpu.memory_space<vmem_shared>> -> memref<10112x16xf32, #tpu.memory_space<vmem_shared>>
      tpu.enqueue_indirect_dma source(%arg6 : memref<128x16xf32, #tpu.memory_space<vmem>>) target(%dma_start3A_82 : memref<10112x16xf32, #tpu.memory_space<vmem_shared>>) offsets(%arg9 : memref<128xi32, #tpu.memory_space<vmem>>) semaphore(%arg13 : memref<!tpu.dma_semaphore, #tpu.memory_space<semaphore_mem>>) {add = true}
      %ge3A_83 = arith.constant 1 : i32
      %ge3A_84 = arith.cmpi sge, %add3A_77, %ge3A_83 : i32
      %convert_element_type3A_85 = arith.extui %ge3A_84 : i1 to i32
      %cond3A_86 = arith.constant 0 : i32
      %cond3A_87 = arith.cmpi ne, %convert_element_type3A_85, %cond3A_86 : i32
      scf.if %cond3A_87 {
        %dma_wait3A_95 = arith.constant 0 : i32
        %dma_wait3A_96 = arith.constant 0 : i32
        %dma_wait3A_97 = tpu.memref_slice %arg11[%dma_wait3A_95, %dma_wait3A_96] : memref<10112x16xf32, #tpu.memory_space<vmem_shared>> -> memref<10112x16xf32, #tpu.memory_space<vmem_shared>>
        tpu.wait_indirect_dma semaphore(%arg13 : memref<!tpu.dma_semaphore, #tpu.memory_space<semaphore_mem>>) src(%arg6 : memref<128x16xf32, #tpu.memory_space<vmem>>) dst(%dma_wait3A_97 : memref<10112x16xf32, #tpu.memory_space<vmem_shared>>)
      } else {
      }
      %add3A_88 = arith.constant 2 : i32
      %add3A_89 = arith.addi %add3A_77, %add3A_88 : i32
      %lt3A_90 = arith.constant 78 : i32
      %lt3A_91 = arith.cmpi slt, %add3A_89, %lt3A_90 : i32
      %convert_element_type3A_92 = arith.extui %lt3A_91 : i1 to i32
      %cond3A_93 = arith.constant 0 : i32
      %cond3A_94 = arith.cmpi ne, %convert_element_type3A_92, %cond3A_93 : i32
      scf.if %cond3A_94 {
        %add3A_95 = arith.constant 2 : i32
        %add3A_96 = arith.addi %add3A_77, %add3A_95 : i32
        %add3A_97 = arith.constant 320000 : i32
        %add3A_98 = arith.addi %add3A_97, %mul3A_4 : i32
        %mul3A_99 = arith.constant 128 : i32
        %mul3A_100 = arith.muli %add3A_96, %mul3A_99 : i32
        %add3A_101 = arith.addi %add3A_98, %mul3A_100 : i32
        %dma_start3A_102 = tpu.memref_slice %arg3[%add3A_101] : memref<640000xi32, #tpu.memory_space<hbm>> -> memref<128xi32, #tpu.memory_space<hbm>>
        %dma_start3A_103 = tpu.memref_slice %arg3[%add3A_101] : memref<640000xi32, #tpu.memory_space<hbm>> -> memref<128xi32, #tpu.memory_space<hbm>>
        tpu.enqueue_dma source(%dma_start3A_103 : memref<128xi32, #tpu.memory_space<hbm>>) target(%arg8 : memref<128xi32, #tpu.memory_space<vmem>>) target_semaphore(%arg12 : memref<!tpu.dma_semaphore, #tpu.memory_space<semaphore_mem>>)
      } else {
      }
    }
    %scan3A_20 = arith.constant 26 : i32
    %dma_wait3A = arith.constant 0 : i32
    %dma_wait3A_21 = arith.constant 0 : i32
    %dma_wait3A_22 = tpu.memref_slice %arg11[%dma_wait3A, %dma_wait3A_21] : memref<10112x16xf32, #tpu.memory_space<vmem_shared>> -> memref<10112x16xf32, #tpu.memory_space<vmem_shared>>
    tpu.wait_indirect_dma semaphore(%arg13 : memref<!tpu.dma_semaphore, #tpu.memory_space<semaphore_mem>>) src(%arg6 : memref<128x16xf32, #tpu.memory_space<vmem>>) dst(%dma_wait3A_22 : memref<10112x16xf32, #tpu.memory_space<vmem_shared>>)
    %add3A_23 = arith.constant 9984 : i32
    %add3A_24 = arith.addi %mul3A_4, %add3A_23 : i32
    %add3A_25 = arith.constant 320000 : i32
    %add3A_26 = arith.addi %add3A_25, %add3A_24 : i32
    %dma_start3A_27 = tpu.memref_slice %arg3[%add3A_26] : memref<640000xi32, #tpu.memory_space<hbm>> -> memref<16xi32, #tpu.memory_space<hbm>>
    %dma_start3A_28 = tpu.memref_slice %arg3[%add3A_26] : memref<640000xi32, #tpu.memory_space<hbm>> -> memref<16xi32, #tpu.memory_space<hbm>>
    tpu.enqueue_dma source(%dma_start3A_28 : memref<16xi32, #tpu.memory_space<hbm>>) target(%arg10 : memref<16xi32, #tpu.memory_space<vmem>>) target_semaphore(%arg12 : memref<!tpu.dma_semaphore, #tpu.memory_space<semaphore_mem>>)
    %dma_wait3A_29 = tpu.memref_slice %arg3[%mul3A_4] : memref<640000xi32, #tpu.memory_space<hbm>> -> memref<16xi32, #tpu.memory_space<hbm>>
    %dma_wait3A_30 = tpu.memref_slice %arg3[%mul3A_4] : memref<640000xi32, #tpu.memory_space<hbm>> -> memref<16xi32, #tpu.memory_space<hbm>>
    tpu.wait_dma2 semaphore(%arg12 : memref<!tpu.dma_semaphore, #tpu.memory_space<semaphore_mem>>) src(%dma_wait3A_30 : memref<16xi32, #tpu.memory_space<hbm>>) dst(%arg10 : memref<16xi32, #tpu.memory_space<vmem>>)
    "tpu.region"() ({
      %run_scoped3A = tpu.sem_alloc : memref<!tpu.dma_semaphore, #tpu.memory_space<semaphore_mem>>
      %dma_start3A_35 = arith.constant 0 : i32
      %dma_start3A_36 = arith.constant 0 : i32
      %dma_start3A_37 = tpu.memref_slice %arg6[%dma_start3A_35, %dma_start3A_36] : memref<128x16xf32, #tpu.memory_space<vmem>> -> memref<16x16xf32, #tpu.memory_space<vmem>>
      %dma_start3A_38 = arith.constant 0 : i32
      %dma_start3A_39 = arith.constant 0 : i32
      %dma_start3A_40 = tpu.memref_slice %arg11[%dma_start3A_38, %dma_start3A_39] : memref<10112x16xf32, #tpu.memory_space<vmem_shared>> -> memref<10112x16xf32, #tpu.memory_space<vmem_shared>>
      tpu.enqueue_indirect_dma source(%dma_start3A_37 : memref<16x16xf32, #tpu.memory_space<vmem>>) target(%dma_start3A_40 : memref<10112x16xf32, #tpu.memory_space<vmem_shared>>) offsets(%arg10 : memref<16xi32, #tpu.memory_space<vmem>>) semaphore(%run_scoped3A : memref<!tpu.dma_semaphore, #tpu.memory_space<semaphore_mem>>) {add = true}
      %dma_wait3A_41 = arith.constant 0 : i32
      %dma_wait3A_42 = arith.constant 0 : i32
      %dma_wait3A_43 = tpu.memref_slice %arg6[%dma_wait3A_41, %dma_wait3A_42] : memref<128x16xf32, #tpu.memory_space<vmem>> -> memref<16x16xf32, #tpu.memory_space<vmem>>
      %dma_wait3A_44 = arith.constant 0 : i32
      %dma_wait3A_45 = arith.constant 0 : i32
      %dma_wait3A_46 = tpu.memref_slice %arg11[%dma_wait3A_44, %dma_wait3A_45] : memref<10112x16xf32, #tpu.memory_space<vmem_shared>> -> memref<10112x16xf32, #tpu.memory_space<vmem_shared>>
      tpu.wait_indirect_dma semaphore(%run_scoped3A : memref<!tpu.dma_semaphore, #tpu.memory_space<semaphore_mem>>) src(%dma_wait3A_43 : memref<16x16xf32, #tpu.memory_space<vmem>>) dst(%dma_wait3A_46 : memref<10112x16xf32, #tpu.memory_space<vmem_shared>>)
      tpu.yield
    }) : () -> ()
    %barrier3A_31 = arith.constant 0 : index
    tpu.barrier barrier_id(%barrier3A_31)
    %mul3A_32 = arith.constant 10112 : i32
    %mul3A_33 = arith.muli %arg0, %mul3A_32 : i32
    %add3A_34 = arith.addi %mul3A_33, %mul3A_2 : i32
    "tpu.region"() ({
      %run_scoped3A = tpu.sem_alloc : memref<!tpu.dma_semaphore, #tpu.memory_space<semaphore_mem>>
      %dma_start3A_35 = arith.constant 0 : i32
      %dma_start3A_36 = tpu.memref_slice %arg5[%add3A_34, %dma_start3A_35] : memref<20224x16xf32, #tpu.memory_space<hbm>> -> memref<632x16xf32, #tpu.memory_space<hbm>>
      %dma_start3A_37 = arith.constant 0 : i32
      %dma_start3A_38 = tpu.memref_slice %arg11[%mul3A_2, %dma_start3A_37] : memref<10112x16xf32, #tpu.memory_space<vmem_shared>> -> memref<632x16xf32, #tpu.memory_space<vmem_shared>>
      tpu.enqueue_dma source(%dma_start3A_38 : memref<632x16xf32, #tpu.memory_space<vmem_shared>>) target(%dma_start3A_36 : memref<632x16xf32, #tpu.memory_space<hbm>>) target_semaphore(%run_scoped3A : memref<!tpu.dma_semaphore, #tpu.memory_space<semaphore_mem>>)
      %dma_wait3A_39 = arith.constant 0 : i32
      %dma_wait3A_40 = tpu.memref_slice %arg5[%add3A_34, %dma_wait3A_39] : memref<20224x16xf32, #tpu.memory_space<hbm>> -> memref<632x16xf32, #tpu.memory_space<hbm>>
      %dma_wait3A_41 = arith.constant 0 : i32
      %dma_wait3A_42 = tpu.memref_slice %arg11[%mul3A_2, %dma_wait3A_41] : memref<10112x16xf32, #tpu.memory_space<vmem_shared>> -> memref<632x16xf32, #tpu.memory_space<vmem_shared>>
      tpu.wait_dma2 semaphore(%run_scoped3A : memref<!tpu.dma_semaphore, #tpu.memory_space<semaphore_mem>>) src(%dma_wait3A_42 : memref<632x16xf32, #tpu.memory_space<vmem_shared>>) dst(%dma_wait3A_40 : memref<632x16xf32, #tpu.memory_space<hbm>>)
      tpu.yield
    }) : () -> ()
    return
  }
}

#map = affine_map<(d0, d1) -> (0, 0)>
#map1 = affine_map<(d0, d1) -> (0)>
module attributes {stable_mosaic.version = 14 : i64} {
  func.func @agg(%arg0: i32, %arg1: i32, %arg2: memref<10112x48xf32, #tpu.memory_space<hbm>>, %arg3: memref<640000xi32, #tpu.memory_space<hbm>>, %arg4: memref<10112x48xf32, #tpu.memory_space<hbm>>, %arg5: memref<20224x48xf32, #tpu.memory_space<hbm>>, %arg6: memref<128xi32, #tpu.memory_space<vmem>>, %arg7: memref<128xi32, #tpu.memory_space<vmem>>, %arg8: memref<128xi32, #tpu.memory_space<vmem>>, %arg9: memref<128xi32, #tpu.memory_space<vmem>>, %arg10: memref<128xi32, #tpu.memory_space<vmem>>, %arg11: memref<128xi32, #tpu.memory_space<vmem>>, %arg12: memref<128x48xf32, #tpu.memory_space<vmem>>, %arg13: memref<128x48xf32, #tpu.memory_space<vmem>>, %arg14: memref<128x48xf32, #tpu.memory_space<vmem>>, %arg15: memref<16xi32, #tpu.memory_space<vmem>>, %arg16: memref<10112x48xf32, #tpu.memory_space<vmem_shared>>, %arg17: memref<!tpu.dma_semaphore, #tpu.memory_space<semaphore_mem>>, %arg18: memref<!tpu.dma_semaphore, #tpu.memory_space<semaphore_mem>>, %arg19: memref<!tpu.dma_semaphore, #tpu.memory_space<semaphore_mem>>, %arg20: memref<!tpu.dma_semaphore, #tpu.memory_space<semaphore_mem>>) attributes {dimension_semantics = [#tpu.dimension_semantics<core_parallel>, #tpu.dimension_semantics<subcore_parallel>], iteration_bounds = array<i64: 2, 16>, scalar_prefetch = 0 : i64, scratch_operands = 15 : i64, tpu.core_type = #tpu.core_type<sc_vector_subcore>, window_params = [{transform_indices = #map}, {transform_indices = #map1}, {transform_indices = #map}, {transform_indices = #map}]} {
    %mul3A = arith.constant 16 : i32
    %mul3A_0 = arith.muli %arg0, %mul3A : i32
    %add3A = arith.addi %mul3A_0, %arg1 : i32
    %mul3A_1 = arith.constant 632 : i32
    %mul3A_2 = arith.muli %arg1, %mul3A_1 : i32
    %mul3A_3 = arith.constant 10000 : i32
    %mul3A_4 = arith.muli %add3A, %mul3A_3 : i32
    "tpu.region"() ({
      %run_scoped3A = tpu.sem_alloc : memref<!tpu.dma_semaphore, #tpu.memory_space<semaphore_mem>>
      %dma_start3A_78 = arith.constant 0 : i32
      %dma_start3A_79 = tpu.memref_slice %arg16[%mul3A_2, %dma_start3A_78] : memref<10112x48xf32, #tpu.memory_space<vmem_shared>> -> memref<632x48xf32, #tpu.memory_space<vmem_shared>>
      %dma_start3A_80 = arith.constant 0 : i32
      %dma_start3A_81 = tpu.memref_slice %arg4[%mul3A_2, %dma_start3A_80] : memref<10112x48xf32, #tpu.memory_space<hbm>> -> memref<632x48xf32, #tpu.memory_space<hbm>>
      tpu.enqueue_dma source(%dma_start3A_81 : memref<632x48xf32, #tpu.memory_space<hbm>>) target(%dma_start3A_79 : memref<632x48xf32, #tpu.memory_space<vmem_shared>>) target_semaphore(%run_scoped3A : memref<!tpu.dma_semaphore, #tpu.memory_space<semaphore_mem>>)
      %dma_wait3A_82 = arith.constant 0 : i32
      %dma_wait3A_83 = tpu.memref_slice %arg16[%mul3A_2, %dma_wait3A_82] : memref<10112x48xf32, #tpu.memory_space<vmem_shared>> -> memref<632x48xf32, #tpu.memory_space<vmem_shared>>
      %dma_wait3A_84 = arith.constant 0 : i32
      %dma_wait3A_85 = tpu.memref_slice %arg4[%mul3A_2, %dma_wait3A_84] : memref<10112x48xf32, #tpu.memory_space<hbm>> -> memref<632x48xf32, #tpu.memory_space<hbm>>
      tpu.wait_dma2 semaphore(%run_scoped3A : memref<!tpu.dma_semaphore, #tpu.memory_space<semaphore_mem>>) src(%dma_wait3A_85 : memref<632x48xf32, #tpu.memory_space<hbm>>) dst(%dma_wait3A_83 : memref<632x48xf32, #tpu.memory_space<vmem_shared>>)
      tpu.yield
    }) : () -> ()
    %barrier3A = arith.constant 0 : index
    tpu.barrier barrier_id(%barrier3A)
    %add3A_5 = arith.constant 0 : i32
    %add3A_6 = arith.addi %mul3A_4, %add3A_5 : i32
    %dma_start3A = tpu.memref_slice %arg3[%add3A_6] : memref<640000xi32, #tpu.memory_space<hbm>> -> memref<128xi32, #tpu.memory_space<hbm>>
    %dma_start3A_7 = tpu.memref_slice %arg3[%add3A_6] : memref<640000xi32, #tpu.memory_space<hbm>> -> memref<128xi32, #tpu.memory_space<hbm>>
    tpu.enqueue_dma source(%dma_start3A_7 : memref<128xi32, #tpu.memory_space<hbm>>) target(%arg6 : memref<128xi32, #tpu.memory_space<vmem>>) target_semaphore(%arg20 : memref<!tpu.dma_semaphore, #tpu.memory_space<semaphore_mem>>)
    %add3A_8 = arith.constant 320000 : i32
    %add3A_9 = arith.addi %add3A_8, %mul3A_4 : i32
    %add3A_10 = arith.constant 0 : i32
    %add3A_11 = arith.addi %add3A_9, %add3A_10 : i32
    %dma_start3A_12 = tpu.memref_slice %arg3[%add3A_11] : memref<640000xi32, #tpu.memory_space<hbm>> -> memref<128xi32, #tpu.memory_space<hbm>>
    %dma_start3A_13 = tpu.memref_slice %arg3[%add3A_11] : memref<640000xi32, #tpu.memory_space<hbm>> -> memref<128xi32, #tpu.memory_space<hbm>>
    tpu.enqueue_dma source(%dma_start3A_13 : memref<128xi32, #tpu.memory_space<hbm>>) target(%arg9 : memref<128xi32, #tpu.memory_space<vmem>>) target_semaphore(%arg19 : memref<!tpu.dma_semaphore, #tpu.memory_space<semaphore_mem>>)
    %add3A_14 = arith.constant 128 : i32
    %add3A_15 = arith.addi %mul3A_4, %add3A_14 : i32
    %dma_start3A_16 = tpu.memref_slice %arg3[%add3A_15] : memref<640000xi32, #tpu.memory_space<hbm>> -> memref<128xi32, #tpu.memory_space<hbm>>
    %dma_start3A_17 = tpu.memref_slice %arg3[%add3A_15] : memref<640000xi32, #tpu.memory_space<hbm>> -> memref<128xi32, #tpu.memory_space<hbm>>
    tpu.enqueue_dma source(%dma_start3A_17 : memref<128xi32, #tpu.memory_space<hbm>>) target(%arg7 : memref<128xi32, #tpu.memory_space<vmem>>) target_semaphore(%arg20 : memref<!tpu.dma_semaphore, #tpu.memory_space<semaphore_mem>>)
    %add3A_18 = arith.constant 320000 : i32
    %add3A_19 = arith.addi %add3A_18, %mul3A_4 : i32
    %add3A_20 = arith.constant 128 : i32
    %add3A_21 = arith.addi %add3A_19, %add3A_20 : i32
    %dma_start3A_22 = tpu.memref_slice %arg3[%add3A_21] : memref<640000xi32, #tpu.memory_space<hbm>> -> memref<128xi32, #tpu.memory_space<hbm>>
    %dma_start3A_23 = tpu.memref_slice %arg3[%add3A_21] : memref<640000xi32, #tpu.memory_space<hbm>> -> memref<128xi32, #tpu.memory_space<hbm>>
    tpu.enqueue_dma source(%dma_start3A_23 : memref<128xi32, #tpu.memory_space<hbm>>) target(%arg10 : memref<128xi32, #tpu.memory_space<vmem>>) target_semaphore(%arg19 : memref<!tpu.dma_semaphore, #tpu.memory_space<semaphore_mem>>)
    %dma_wait3A = tpu.memref_slice %arg3[%mul3A_4] : memref<640000xi32, #tpu.memory_space<hbm>> -> memref<128xi32, #tpu.memory_space<hbm>>
    %dma_wait3A_24 = tpu.memref_slice %arg3[%mul3A_4] : memref<640000xi32, #tpu.memory_space<hbm>> -> memref<128xi32, #tpu.memory_space<hbm>>
    tpu.wait_dma2 semaphore(%arg20 : memref<!tpu.dma_semaphore, #tpu.memory_space<semaphore_mem>>) src(%dma_wait3A_24 : memref<128xi32, #tpu.memory_space<hbm>>) dst(%arg6 : memref<128xi32, #tpu.memory_space<vmem>>)
    %dma_wait3A_25 = tpu.memref_slice %arg3[%mul3A_4] : memref<640000xi32, #tpu.memory_space<hbm>> -> memref<128xi32, #tpu.memory_space<hbm>>
    %dma_wait3A_26 = tpu.memref_slice %arg3[%mul3A_4] : memref<640000xi32, #tpu.memory_space<hbm>> -> memref<128xi32, #tpu.memory_space<hbm>>
    tpu.wait_dma2 semaphore(%arg19 : memref<!tpu.dma_semaphore, #tpu.memory_space<semaphore_mem>>) src(%dma_wait3A_26 : memref<128xi32, #tpu.memory_space<hbm>>) dst(%arg9 : memref<128xi32, #tpu.memory_space<vmem>>)
    %dma_start3A_27 = arith.constant 0 : i32
    %dma_start3A_28 = arith.constant 0 : i32
    %dma_start3A_29 = tpu.memref_slice %arg2[%dma_start3A_27, %dma_start3A_28] : memref<10112x48xf32, #tpu.memory_space<hbm>> -> memref<10112x48xf32, #tpu.memory_space<hbm>>
    tpu.enqueue_indirect_dma source(%dma_start3A_29 : memref<10112x48xf32, #tpu.memory_space<hbm>>) target(%arg12 : memref<128x48xf32, #tpu.memory_space<vmem>>) offsets(%arg6 : memref<128xi32, #tpu.memory_space<vmem>>) semaphore(%arg17 : memref<!tpu.dma_semaphore, #tpu.memory_space<semaphore_mem>>)
    %scan3A = arith.constant 0 : i32
    %scan3A_30 = arith.constant 0 : i32
    %scan3A_31 = arith.constant 26 : i32
    %scan3A_32 = arith.addi %scan3A_30, %scan3A_31 : i32
    %scan3A_33 = arith.constant 1 : i32
    scf.for %scan3A_78 = %scan3A_30 to %scan3A_32 step %scan3A_33  : i32 {
      %mul3A_79 = arith.constant 3 : i32
      %mul3A_80 = arith.muli %mul3A_79, %scan3A_78 : i32
      %add3A_81 = arith.constant 0 : i32
      %add3A_82 = arith.addi %mul3A_80, %add3A_81 : i32
      %add3A_83 = arith.constant 1 : i32
      %add3A_84 = arith.addi %add3A_82, %add3A_83 : i32
      %lt3A = arith.constant 78 : i32
      %lt3A_85 = arith.cmpi slt, %add3A_84, %lt3A : i32
      %convert_element_type3A = arith.extui %lt3A_85 : i1 to i32
      %cond3A = arith.constant 0 : i32
      %cond3A_86 = arith.cmpi ne, %convert_element_type3A, %cond3A : i32
      scf.if %cond3A_86 {
        %dma_wait3A_162 = tpu.memref_slice %arg3[%mul3A_4] : memref<640000xi32, #tpu.memory_space<hbm>> -> memref<128xi32, #tpu.memory_space<hbm>>
        %dma_wait3A_163 = tpu.memref_slice %arg3[%mul3A_4] : memref<640000xi32, #tpu.memory_space<hbm>> -> memref<128xi32, #tpu.memory_space<hbm>>
        tpu.wait_dma2 semaphore(%arg20 : memref<!tpu.dma_semaphore, #tpu.memory_space<semaphore_mem>>) src(%dma_wait3A_163 : memref<128xi32, #tpu.memory_space<hbm>>) dst(%arg7 : memref<128xi32, #tpu.memory_space<vmem>>)
        %dma_wait3A_164 = tpu.memref_slice %arg3[%mul3A_4] : memref<640000xi32, #tpu.memory_space<hbm>> -> memref<128xi32, #tpu.memory_space<hbm>>
        %dma_wait3A_165 = tpu.memref_slice %arg3[%mul3A_4] : memref<640000xi32, #tpu.memory_space<hbm>> -> memref<128xi32, #tpu.memory_space<hbm>>
        tpu.wait_dma2 semaphore(%arg19 : memref<!tpu.dma_semaphore, #tpu.memory_space<semaphore_mem>>) src(%dma_wait3A_165 : memref<128xi32, #tpu.memory_space<hbm>>) dst(%arg10 : memref<128xi32, #tpu.memory_space<vmem>>)
        %dma_start3A_166 = arith.constant 0 : i32
        %dma_start3A_167 = arith.constant 0 : i32
        %dma_start3A_168 = tpu.memref_slice %arg2[%dma_start3A_166, %dma_start3A_167] : memref<10112x48xf32, #tpu.memory_space<hbm>> -> memref<10112x48xf32, #tpu.memory_space<hbm>>
        tpu.enqueue_indirect_dma source(%dma_start3A_168 : memref<10112x48xf32, #tpu.memory_space<hbm>>) target(%arg13 : memref<128x48xf32, #tpu.memory_space<vmem>>) offsets(%arg7 : memref<128xi32, #tpu.memory_space<vmem>>) semaphore(%arg17 : memref<!tpu.dma_semaphore, #tpu.memory_space<semaphore_mem>>)
      } else {
      }
      %dma_wait3A_87 = arith.constant 0 : i32
      %dma_wait3A_88 = arith.constant 0 : i32
      %dma_wait3A_89 = tpu.memref_slice %arg2[%dma_wait3A_87, %dma_wait3A_88] : memref<10112x48xf32, #tpu.memory_space<hbm>> -> memref<10112x48xf32, #tpu.memory_space<hbm>>
      tpu.wait_indirect_dma semaphore(%arg17 : memref<!tpu.dma_semaphore, #tpu.memory_space<semaphore_mem>>) src(%dma_wait3A_89 : memref<10112x48xf32, #tpu.memory_space<hbm>>) dst(%arg12 : memref<128x48xf32, #tpu.memory_space<vmem>>)
      %dma_start3A_90 = arith.constant 0 : i32
      %dma_start3A_91 = arith.constant 0 : i32
      %dma_start3A_92 = tpu.memref_slice %arg16[%dma_start3A_90, %dma_start3A_91] : memref<10112x48xf32, #tpu.memory_space<vmem_shared>> -> memref<10112x48xf32, #tpu.memory_space<vmem_shared>>
      tpu.enqueue_indirect_dma source(%arg12 : memref<128x48xf32, #tpu.memory_space<vmem>>) target(%dma_start3A_92 : memref<10112x48xf32, #tpu.memory_space<vmem_shared>>) offsets(%arg9 : memref<128xi32, #tpu.memory_space<vmem>>) semaphore(%arg18 : memref<!tpu.dma_semaphore, #tpu.memory_space<semaphore_mem>>) {add = true}
      %ge3A = arith.constant 1 : i32
      %ge3A_93 = arith.cmpi sge, %add3A_82, %ge3A : i32
      %convert_element_type3A_94 = arith.extui %ge3A_93 : i1 to i32
      %cond3A_95 = arith.constant 0 : i32
      %cond3A_96 = arith.cmpi ne, %convert_element_type3A_94, %cond3A_95 : i32
      scf.if %cond3A_96 {
        %dma_wait3A_162 = arith.constant 0 : i32
        %dma_wait3A_163 = arith.constant 0 : i32
        %dma_wait3A_164 = tpu.memref_slice %arg16[%dma_wait3A_162, %dma_wait3A_163] : memref<10112x48xf32, #tpu.memory_space<vmem_shared>> -> memref<10112x48xf32, #tpu.memory_space<vmem_shared>>
        tpu.wait_indirect_dma semaphore(%arg18 : memref<!tpu.dma_semaphore, #tpu.memory_space<semaphore_mem>>) src(%arg12 : memref<128x48xf32, #tpu.memory_space<vmem>>) dst(%dma_wait3A_164 : memref<10112x48xf32, #tpu.memory_space<vmem_shared>>)
      } else {
      }
      %add3A_97 = arith.constant 2 : i32
      %add3A_98 = arith.addi %add3A_82, %add3A_97 : i32
      %lt3A_99 = arith.constant 78 : i32
      %lt3A_100 = arith.cmpi slt, %add3A_98, %lt3A_99 : i32
      %convert_element_type3A_101 = arith.extui %lt3A_100 : i1 to i32
      %cond3A_102 = arith.constant 0 : i32
      %cond3A_103 = arith.cmpi ne, %convert_element_type3A_101, %cond3A_102 : i32
      scf.if %cond3A_103 {
        %add3A_162 = arith.constant 2 : i32
        %add3A_163 = arith.addi %add3A_82, %add3A_162 : i32
        %mul3A_164 = arith.constant 128 : i32
        %mul3A_165 = arith.muli %add3A_163, %mul3A_164 : i32
        %add3A_166 = arith.addi %mul3A_4, %mul3A_165 : i32
        %dma_start3A_167 = tpu.memref_slice %arg3[%add3A_166] : memref<640000xi32, #tpu.memory_space<hbm>> -> memref<128xi32, #tpu.memory_space<hbm>>
        %dma_start3A_168 = tpu.memref_slice %arg3[%add3A_166] : memref<640000xi32, #tpu.memory_space<hbm>> -> memref<128xi32, #tpu.memory_space<hbm>>
        tpu.enqueue_dma source(%dma_start3A_168 : memref<128xi32, #tpu.memory_space<hbm>>) target(%arg8 : memref<128xi32, #tpu.memory_space<vmem>>) target_semaphore(%arg20 : memref<!tpu.dma_semaphore, #tpu.memory_space<semaphore_mem>>)
        %add3A_169 = arith.constant 320000 : i32
        %add3A_170 = arith.addi %add3A_169, %mul3A_4 : i32
        %mul3A_171 = arith.constant 128 : i32
        %mul3A_172 = arith.muli %add3A_163, %mul3A_171 : i32
        %add3A_173 = arith.addi %add3A_170, %mul3A_172 : i32
        %dma_start3A_174 = tpu.memref_slice %arg3[%add3A_173] : memref<640000xi32, #tpu.memory_space<hbm>> -> memref<128xi32, #tpu.memory_space<hbm>>
        %dma_start3A_175 = tpu.memref_slice %arg3[%add3A_173] : memref<640000xi32, #tpu.memory_space<hbm>> -> memref<128xi32, #tpu.memory_space<hbm>>
        tpu.enqueue_dma source(%dma_start3A_175 : memref<128xi32, #tpu.memory_space<hbm>>) target(%arg11 : memref<128xi32, #tpu.memory_space<vmem>>) target_semaphore(%arg19 : memref<!tpu.dma_semaphore, #tpu.memory_space<semaphore_mem>>)
      } else {
      }
      %mul3A_104 = arith.constant 3 : i32
      %mul3A_105 = arith.muli %mul3A_104, %scan3A_78 : i32
      %add3A_106 = arith.constant 1 : i32
      %add3A_107 = arith.addi %mul3A_105, %add3A_106 : i32
      %add3A_108 = arith.constant 1 : i32
      %add3A_109 = arith.addi %add3A_107, %add3A_108 : i32
      %lt3A_110 = arith.constant 78 : i32
      %lt3A_111 = arith.cmpi slt, %add3A_109, %lt3A_110 : i32
      %convert_element_type3A_112 = arith.extui %lt3A_111 : i1 to i32
      %cond3A_113 = arith.constant 0 : i32
      %cond3A_114 = arith.cmpi ne, %convert_element_type3A_112, %cond3A_113 : i32
      scf.if %cond3A_114 {
        %dma_wait3A_162 = tpu.memref_slice %arg3[%mul3A_4] : memref<640000xi32, #tpu.memory_space<hbm>> -> memref<128xi32, #tpu.memory_space<hbm>>
        %dma_wait3A_163 = tpu.memref_slice %arg3[%mul3A_4] : memref<640000xi32, #tpu.memory_space<hbm>> -> memref<128xi32, #tpu.memory_space<hbm>>
        tpu.wait_dma2 semaphore(%arg20 : memref<!tpu.dma_semaphore, #tpu.memory_space<semaphore_mem>>) src(%dma_wait3A_163 : memref<128xi32, #tpu.memory_space<hbm>>) dst(%arg8 : memref<128xi32, #tpu.memory_space<vmem>>)
        %dma_wait3A_164 = tpu.memref_slice %arg3[%mul3A_4] : memref<640000xi32, #tpu.memory_space<hbm>> -> memref<128xi32, #tpu.memory_space<hbm>>
        %dma_wait3A_165 = tpu.memref_slice %arg3[%mul3A_4] : memref<640000xi32, #tpu.memory_space<hbm>> -> memref<128xi32, #tpu.memory_space<hbm>>
        tpu.wait_dma2 semaphore(%arg19 : memref<!tpu.dma_semaphore, #tpu.memory_space<semaphore_mem>>) src(%dma_wait3A_165 : memref<128xi32, #tpu.memory_space<hbm>>) dst(%arg11 : memref<128xi32, #tpu.memory_space<vmem>>)
        %dma_start3A_166 = arith.constant 0 : i32
        %dma_start3A_167 = arith.constant 0 : i32
        %dma_start3A_168 = tpu.memref_slice %arg2[%dma_start3A_166, %dma_start3A_167] : memref<10112x48xf32, #tpu.memory_space<hbm>> -> memref<10112x48xf32, #tpu.memory_space<hbm>>
        tpu.enqueue_indirect_dma source(%dma_start3A_168 : memref<10112x48xf32, #tpu.memory_space<hbm>>) target(%arg14 : memref<128x48xf32, #tpu.memory_space<vmem>>) offsets(%arg8 : memref<128xi32, #tpu.memory_space<vmem>>) semaphore(%arg17 : memref<!tpu.dma_semaphore, #tpu.memory_space<semaphore_mem>>)
      } else {
      }
      %dma_wait3A_115 = arith.constant 0 : i32
      %dma_wait3A_116 = arith.constant 0 : i32
      %dma_wait3A_117 = tpu.memref_slice %arg2[%dma_wait3A_115, %dma_wait3A_116] : memref<10112x48xf32, #tpu.memory_space<hbm>> -> memref<10112x48xf32, #tpu.memory_space<hbm>>
      tpu.wait_indirect_dma semaphore(%arg17 : memref<!tpu.dma_semaphore, #tpu.memory_space<semaphore_mem>>) src(%dma_wait3A_117 : memref<10112x48xf32, #tpu.memory_space<hbm>>) dst(%arg13 : memref<128x48xf32, #tpu.memory_space<vmem>>)
      %dma_start3A_118 = arith.constant 0 : i32
      %dma_start3A_119 = arith.constant 0 : i32
      %dma_start3A_120 = tpu.memref_slice %arg16[%dma_start3A_118, %dma_start3A_119] : memref<10112x48xf32, #tpu.memory_space<vmem_shared>> -> memref<10112x48xf32, #tpu.memory_space<vmem_shared>>
      tpu.enqueue_indirect_dma source(%arg13 : memref<128x48xf32, #tpu.memory_space<vmem>>) target(%dma_start3A_120 : memref<10112x48xf32, #tpu.memory_space<vmem_shared>>) offsets(%arg10 : memref<128xi32, #tpu.memory_space<vmem>>) semaphore(%arg18 : memref<!tpu.dma_semaphore, #tpu.memory_space<semaphore_mem>>) {add = true}
      %ge3A_121 = arith.constant 1 : i32
      %ge3A_122 = arith.cmpi sge, %add3A_107, %ge3A_121 : i32
      %convert_element_type3A_123 = arith.extui %ge3A_122 : i1 to i32
      %cond3A_124 = arith.constant 0 : i32
      %cond3A_125 = arith.cmpi ne, %convert_element_type3A_123, %cond3A_124 : i32
      scf.if %cond3A_125 {
        %dma_wait3A_162 = arith.constant 0 : i32
        %dma_wait3A_163 = arith.constant 0 : i32
        %dma_wait3A_164 = tpu.memref_slice %arg16[%dma_wait3A_162, %dma_wait3A_163] : memref<10112x48xf32, #tpu.memory_space<vmem_shared>> -> memref<10112x48xf32, #tpu.memory_space<vmem_shared>>
        tpu.wait_indirect_dma semaphore(%arg18 : memref<!tpu.dma_semaphore, #tpu.memory_space<semaphore_mem>>) src(%arg12 : memref<128x48xf32, #tpu.memory_space<vmem>>) dst(%dma_wait3A_164 : memref<10112x48xf32, #tpu.memory_space<vmem_shared>>)
      } else {
      }
      %add3A_126 = arith.constant 2 : i32
      %add3A_127 = arith.addi %add3A_107, %add3A_126 : i32
      %lt3A_128 = arith.constant 78 : i32
      %lt3A_129 = arith.cmpi slt, %add3A_127, %lt3A_128 : i32
      %convert_element_type3A_130 = arith.extui %lt3A_129 : i1 to i32
      %cond3A_131 = arith.constant 0 : i32
      %cond3A_132 = arith.cmpi ne, %convert_element_type3A_130, %cond3A_131 : i32
      scf.if %cond3A_132 {
        %add3A_162 = arith.constant 2 : i32
        %add3A_163 = arith.addi %add3A_107, %add3A_162 : i32
        %mul3A_164 = arith.constant 128 : i32
        %mul3A_165 = arith.muli %add3A_163, %mul3A_164 : i32
        %add3A_166 = arith.addi %mul3A_4, %mul3A_165 : i32
        %dma_start3A_167 = tpu.memref_slice %arg3[%add3A_166] : memref<640000xi32, #tpu.memory_space<hbm>> -> memref<128xi32, #tpu.memory_space<hbm>>
        %dma_start3A_168 = tpu.memref_slice %arg3[%add3A_166] : memref<640000xi32, #tpu.memory_space<hbm>> -> memref<128xi32, #tpu.memory_space<hbm>>
        tpu.enqueue_dma source(%dma_start3A_168 : memref<128xi32, #tpu.memory_space<hbm>>) target(%arg6 : memref<128xi32, #tpu.memory_space<vmem>>) target_semaphore(%arg20 : memref<!tpu.dma_semaphore, #tpu.memory_space<semaphore_mem>>)
        %add3A_169 = arith.constant 320000 : i32
        %add3A_170 = arith.addi %add3A_169, %mul3A_4 : i32
        %mul3A_171 = arith.constant 128 : i32
        %mul3A_172 = arith.muli %add3A_163, %mul3A_171 : i32
        %add3A_173 = arith.addi %add3A_170, %mul3A_172 : i32
        %dma_start3A_174 = tpu.memref_slice %arg3[%add3A_173] : memref<640000xi32, #tpu.memory_space<hbm>> -> memref<128xi32, #tpu.memory_space<hbm>>
        %dma_start3A_175 = tpu.memref_slice %arg3[%add3A_173] : memref<640000xi32, #tpu.memory_space<hbm>> -> memref<128xi32, #tpu.memory_space<hbm>>
        tpu.enqueue_dma source(%dma_start3A_175 : memref<128xi32, #tpu.memory_space<hbm>>) target(%arg9 : memref<128xi32, #tpu.memory_space<vmem>>) target_semaphore(%arg19 : memref<!tpu.dma_semaphore, #tpu.memory_space<semaphore_mem>>)
      } else {
      }
      %mul3A_133 = arith.constant 3 : i32
      %mul3A_134 = arith.muli %mul3A_133, %scan3A_78 : i32
      %add3A_135 = arith.constant 2 : i32
      %add3A_136 = arith.addi %mul3A_134, %add3A_135 : i32
      %add3A_137 = arith.constant 1 : i32
      %add3A_138 = arith.addi %add3A_136, %add3A_137 : i32
      %lt3A_139 = arith.constant 78 : i32
      %lt3A_140 = arith.cmpi slt, %add3A_138, %lt3A_139 : i32
      %convert_element_type3A_141 = arith.extui %lt3A_140 : i1 to i32
      %cond3A_142 = arith.constant 0 : i32
      %cond3A_143 = arith.cmpi ne, %convert_element_type3A_141, %cond3A_142 : i32
      scf.if %cond3A_143 {
        %dma_wait3A_162 = tpu.memref_slice %arg3[%mul3A_4] : memref<640000xi32, #tpu.memory_space<hbm>> -> memref<128xi32, #tpu.memory_space<hbm>>
        %dma_wait3A_163 = tpu.memref_slice %arg3[%mul3A_4] : memref<640000xi32, #tpu.memory_space<hbm>> -> memref<128xi32, #tpu.memory_space<hbm>>
        tpu.wait_dma2 semaphore(%arg20 : memref<!tpu.dma_semaphore, #tpu.memory_space<semaphore_mem>>) src(%dma_wait3A_163 : memref<128xi32, #tpu.memory_space<hbm>>) dst(%arg6 : memref<128xi32, #tpu.memory_space<vmem>>)
        %dma_wait3A_164 = tpu.memref_slice %arg3[%mul3A_4] : memref<640000xi32, #tpu.memory_space<hbm>> -> memref<128xi32, #tpu.memory_space<hbm>>
        %dma_wait3A_165 = tpu.memref_slice %arg3[%mul3A_4] : memref<640000xi32, #tpu.memory_space<hbm>> -> memref<128xi32, #tpu.memory_space<hbm>>
        tpu.wait_dma2 semaphore(%arg19 : memref<!tpu.dma_semaphore, #tpu.memory_space<semaphore_mem>>) src(%dma_wait3A_165 : memref<128xi32, #tpu.memory_space<hbm>>) dst(%arg9 : memref<128xi32, #tpu.memory_space<vmem>>)
        %dma_start3A_166 = arith.constant 0 : i32
        %dma_start3A_167 = arith.constant 0 : i32
        %dma_start3A_168 = tpu.memref_slice %arg2[%dma_start3A_166, %dma_start3A_167] : memref<10112x48xf32, #tpu.memory_space<hbm>> -> memref<10112x48xf32, #tpu.memory_space<hbm>>
        tpu.enqueue_indirect_dma source(%dma_start3A_168 : memref<10112x48xf32, #tpu.memory_space<hbm>>) target(%arg12 : memref<128x48xf32, #tpu.memory_space<vmem>>) offsets(%arg6 : memref<128xi32, #tpu.memory_space<vmem>>) semaphore(%arg17 : memref<!tpu.dma_semaphore, #tpu.memory_space<semaphore_mem>>)
      } else {
      }
      %dma_wait3A_144 = arith.constant 0 : i32
      %dma_wait3A_145 = arith.constant 0 : i32
      %dma_wait3A_146 = tpu.memref_slice %arg2[%dma_wait3A_144, %dma_wait3A_145] : memref<10112x48xf32, #tpu.memory_space<hbm>> -> memref<10112x48xf32, #tpu.memory_space<hbm>>
      tpu.wait_indirect_dma semaphore(%arg17 : memref<!tpu.dma_semaphore, #tpu.memory_space<semaphore_mem>>) src(%dma_wait3A_146 : memref<10112x48xf32, #tpu.memory_space<hbm>>) dst(%arg14 : memref<128x48xf32, #tpu.memory_space<vmem>>)
      %dma_start3A_147 = arith.constant 0 : i32
      %dma_start3A_148 = arith.constant 0 : i32
      %dma_start3A_149 = tpu.memref_slice %arg16[%dma_start3A_147, %dma_start3A_148] : memref<10112x48xf32, #tpu.memory_space<vmem_shared>> -> memref<10112x48xf32, #tpu.memory_space<vmem_shared>>
      tpu.enqueue_indirect_dma source(%arg14 : memref<128x48xf32, #tpu.memory_space<vmem>>) target(%dma_start3A_149 : memref<10112x48xf32, #tpu.memory_space<vmem_shared>>) offsets(%arg11 : memref<128xi32, #tpu.memory_space<vmem>>) semaphore(%arg18 : memref<!tpu.dma_semaphore, #tpu.memory_space<semaphore_mem>>) {add = true}
      %ge3A_150 = arith.constant 1 : i32
      %ge3A_151 = arith.cmpi sge, %add3A_136, %ge3A_150 : i32
      %convert_element_type3A_152 = arith.extui %ge3A_151 : i1 to i32
      %cond3A_153 = arith.constant 0 : i32
      %cond3A_154 = arith.cmpi ne, %convert_element_type3A_152, %cond3A_153 : i32
      scf.if %cond3A_154 {
        %dma_wait3A_162 = arith.constant 0 : i32
        %dma_wait3A_163 = arith.constant 0 : i32
        %dma_wait3A_164 = tpu.memref_slice %arg16[%dma_wait3A_162, %dma_wait3A_163] : memref<10112x48xf32, #tpu.memory_space<vmem_shared>> -> memref<10112x48xf32, #tpu.memory_space<vmem_shared>>
        tpu.wait_indirect_dma semaphore(%arg18 : memref<!tpu.dma_semaphore, #tpu.memory_space<semaphore_mem>>) src(%arg12 : memref<128x48xf32, #tpu.memory_space<vmem>>) dst(%dma_wait3A_164 : memref<10112x48xf32, #tpu.memory_space<vmem_shared>>)
      } else {
      }
      %add3A_155 = arith.constant 2 : i32
      %add3A_156 = arith.addi %add3A_136, %add3A_155 : i32
      %lt3A_157 = arith.constant 78 : i32
      %lt3A_158 = arith.cmpi slt, %add3A_156, %lt3A_157 : i32
      %convert_element_type3A_159 = arith.extui %lt3A_158 : i1 to i32
      %cond3A_160 = arith.constant 0 : i32
      %cond3A_161 = arith.cmpi ne, %convert_element_type3A_159, %cond3A_160 : i32
      scf.if %cond3A_161 {
        %add3A_162 = arith.constant 2 : i32
        %add3A_163 = arith.addi %add3A_136, %add3A_162 : i32
        %mul3A_164 = arith.constant 128 : i32
        %mul3A_165 = arith.muli %add3A_163, %mul3A_164 : i32
        %add3A_166 = arith.addi %mul3A_4, %mul3A_165 : i32
        %dma_start3A_167 = tpu.memref_slice %arg3[%add3A_166] : memref<640000xi32, #tpu.memory_space<hbm>> -> memref<128xi32, #tpu.memory_space<hbm>>
        %dma_start3A_168 = tpu.memref_slice %arg3[%add3A_166] : memref<640000xi32, #tpu.memory_space<hbm>> -> memref<128xi32, #tpu.memory_space<hbm>>
        tpu.enqueue_dma source(%dma_start3A_168 : memref<128xi32, #tpu.memory_space<hbm>>) target(%arg7 : memref<128xi32, #tpu.memory_space<vmem>>) target_semaphore(%arg20 : memref<!tpu.dma_semaphore, #tpu.memory_space<semaphore_mem>>)
        %add3A_169 = arith.constant 320000 : i32
        %add3A_170 = arith.addi %add3A_169, %mul3A_4 : i32
        %mul3A_171 = arith.constant 128 : i32
        %mul3A_172 = arith.muli %add3A_163, %mul3A_171 : i32
        %add3A_173 = arith.addi %add3A_170, %mul3A_172 : i32
        %dma_start3A_174 = tpu.memref_slice %arg3[%add3A_173] : memref<640000xi32, #tpu.memory_space<hbm>> -> memref<128xi32, #tpu.memory_space<hbm>>
        %dma_start3A_175 = tpu.memref_slice %arg3[%add3A_173] : memref<640000xi32, #tpu.memory_space<hbm>> -> memref<128xi32, #tpu.memory_space<hbm>>
        tpu.enqueue_dma source(%dma_start3A_175 : memref<128xi32, #tpu.memory_space<hbm>>) target(%arg10 : memref<128xi32, #tpu.memory_space<vmem>>) target_semaphore(%arg19 : memref<!tpu.dma_semaphore, #tpu.memory_space<semaphore_mem>>)
      } else {
      }
    }
    %scan3A_34 = arith.constant 26 : i32
    %dma_wait3A_35 = arith.constant 0 : i32
    %dma_wait3A_36 = arith.constant 0 : i32
    %dma_wait3A_37 = tpu.memref_slice %arg16[%dma_wait3A_35, %dma_wait3A_36] : memref<10112x48xf32, #tpu.memory_space<vmem_shared>> -> memref<10112x48xf32, #tpu.memory_space<vmem_shared>>
    tpu.wait_indirect_dma semaphore(%arg18 : memref<!tpu.dma_semaphore, #tpu.memory_space<semaphore_mem>>) src(%arg12 : memref<128x48xf32, #tpu.memory_space<vmem>>) dst(%dma_wait3A_37 : memref<10112x48xf32, #tpu.memory_space<vmem_shared>>)
    %add3A_38 = arith.constant 9984 : i32
    %add3A_39 = arith.addi %mul3A_4, %add3A_38 : i32
    %dma_start3A_40 = arith.constant 0 : i32
    %dma_start3A_41 = tpu.memref_slice %arg6[%dma_start3A_40] : memref<128xi32, #tpu.memory_space<vmem>> -> memref<16xi32, #tpu.memory_space<vmem>>
    %dma_start3A_42 = tpu.memref_slice %arg3[%add3A_39] : memref<640000xi32, #tpu.memory_space<hbm>> -> memref<16xi32, #tpu.memory_space<hbm>>
    %dma_start3A_43 = arith.constant 0 : i32
    %dma_start3A_44 = tpu.memref_slice %arg6[%dma_start3A_43] : memref<128xi32, #tpu.memory_space<vmem>> -> memref<16xi32, #tpu.memory_space<vmem>>
    %dma_start3A_45 = tpu.memref_slice %arg3[%add3A_39] : memref<640000xi32, #tpu.memory_space<hbm>> -> memref<16xi32, #tpu.memory_space<hbm>>
    tpu.enqueue_dma source(%dma_start3A_45 : memref<16xi32, #tpu.memory_space<hbm>>) target(%dma_start3A_44 : memref<16xi32, #tpu.memory_space<vmem>>) target_semaphore(%arg20 : memref<!tpu.dma_semaphore, #tpu.memory_space<semaphore_mem>>)
    %add3A_46 = arith.constant 320000 : i32
    %add3A_47 = arith.addi %add3A_46, %add3A_39 : i32
    %dma_start3A_48 = tpu.memref_slice %arg3[%add3A_47] : memref<640000xi32, #tpu.memory_space<hbm>> -> memref<16xi32, #tpu.memory_space<hbm>>
    %dma_start3A_49 = tpu.memref_slice %arg3[%add3A_47] : memref<640000xi32, #tpu.memory_space<hbm>> -> memref<16xi32, #tpu.memory_space<hbm>>
    tpu.enqueue_dma source(%dma_start3A_49 : memref<16xi32, #tpu.memory_space<hbm>>) target(%arg15 : memref<16xi32, #tpu.memory_space<vmem>>) target_semaphore(%arg19 : memref<!tpu.dma_semaphore, #tpu.memory_space<semaphore_mem>>)
    %dma_wait3A_50 = arith.constant 0 : i32
    %dma_wait3A_51 = tpu.memref_slice %arg6[%dma_wait3A_50] : memref<128xi32, #tpu.memory_space<vmem>> -> memref<16xi32, #tpu.memory_space<vmem>>
    %dma_wait3A_52 = tpu.memref_slice %arg3[%mul3A_4] : memref<640000xi32, #tpu.memory_space<hbm>> -> memref<16xi32, #tpu.memory_space<hbm>>
    %dma_wait3A_53 = arith.constant 0 : i32
    %dma_wait3A_54 = tpu.memref_slice %arg6[%dma_wait3A_53] : memref<128xi32, #tpu.memory_space<vmem>> -> memref<16xi32, #tpu.memory_space<vmem>>
    %dma_wait3A_55 = tpu.memref_slice %arg3[%mul3A_4] : memref<640000xi32, #tpu.memory_space<hbm>> -> memref<16xi32, #tpu.memory_space<hbm>>
    tpu.wait_dma2 semaphore(%arg20 : memref<!tpu.dma_semaphore, #tpu.memory_space<semaphore_mem>>) src(%dma_wait3A_55 : memref<16xi32, #tpu.memory_space<hbm>>) dst(%dma_wait3A_54 : memref<16xi32, #tpu.memory_space<vmem>>)
    %dma_wait3A_56 = tpu.memref_slice %arg3[%mul3A_4] : memref<640000xi32, #tpu.memory_space<hbm>> -> memref<16xi32, #tpu.memory_space<hbm>>
    %dma_wait3A_57 = tpu.memref_slice %arg3[%mul3A_4] : memref<640000xi32, #tpu.memory_space<hbm>> -> memref<16xi32, #tpu.memory_space<hbm>>
    tpu.wait_dma2 semaphore(%arg19 : memref<!tpu.dma_semaphore, #tpu.memory_space<semaphore_mem>>) src(%dma_wait3A_57 : memref<16xi32, #tpu.memory_space<hbm>>) dst(%arg15 : memref<16xi32, #tpu.memory_space<vmem>>)
    %dma_start3A_58 = arith.constant 0 : i32
    %dma_start3A_59 = arith.constant 0 : i32
    %dma_start3A_60 = tpu.memref_slice %arg12[%dma_start3A_58, %dma_start3A_59] : memref<128x48xf32, #tpu.memory_space<vmem>> -> memref<16x48xf32, #tpu.memory_space<vmem>>
    %dma_start3A_61 = arith.constant 0 : i32
    %dma_start3A_62 = tpu.memref_slice %arg6[%dma_start3A_61] : memref<128xi32, #tpu.memory_space<vmem>> -> memref<16xi32, #tpu.memory_space<vmem>>
    %dma_start3A_63 = arith.constant 0 : i32
    %dma_start3A_64 = arith.constant 0 : i32
    %dma_start3A_65 = tpu.memref_slice %arg2[%dma_start3A_63, %dma_start3A_64] : memref<10112x48xf32, #tpu.memory_space<hbm>> -> memref<10112x48xf32, #tpu.memory_space<hbm>>
    tpu.enqueue_indirect_dma source(%dma_start3A_65 : memref<10112x48xf32, #tpu.memory_space<hbm>>) target(%dma_start3A_60 : memref<16x48xf32, #tpu.memory_space<vmem>>) offsets(%dma_start3A_62 : memref<16xi32, #tpu.memory_space<vmem>>) semaphore(%arg17 : memref<!tpu.dma_semaphore, #tpu.memory_space<semaphore_mem>>)
    %dma_wait3A_66 = arith.constant 0 : i32
    %dma_wait3A_67 = arith.constant 0 : i32
    %dma_wait3A_68 = tpu.memref_slice %arg12[%dma_wait3A_66, %dma_wait3A_67] : memref<128x48xf32, #tpu.memory_space<vmem>> -> memref<16x48xf32, #tpu.memory_space<vmem>>
    %dma_wait3A_69 = arith.constant 0 : i32
    %dma_wait3A_70 = tpu.memref_slice %arg6[%dma_wait3A_69] : memref<128xi32, #tpu.memory_space<vmem>> -> memref<16xi32, #tpu.memory_space<vmem>>
    %dma_wait3A_71 = arith.constant 0 : i32
    %dma_wait3A_72 = arith.constant 0 : i32
    %dma_wait3A_73 = tpu.memref_slice %arg2[%dma_wait3A_71, %dma_wait3A_72] : memref<10112x48xf32, #tpu.memory_space<hbm>> -> memref<10112x48xf32, #tpu.memory_space<hbm>>
    tpu.wait_indirect_dma semaphore(%arg17 : memref<!tpu.dma_semaphore, #tpu.memory_space<semaphore_mem>>) src(%dma_wait3A_73 : memref<10112x48xf32, #tpu.memory_space<hbm>>) dst(%dma_wait3A_68 : memref<16x48xf32, #tpu.memory_space<vmem>>)
    "tpu.region"() ({
      %run_scoped3A = tpu.sem_alloc : memref<!tpu.dma_semaphore, #tpu.memory_space<semaphore_mem>>
      %dma_start3A_78 = arith.constant 0 : i32
      %dma_start3A_79 = arith.constant 0 : i32
      %dma_start3A_80 = tpu.memref_slice %arg12[%dma_start3A_78, %dma_start3A_79] : memref<128x48xf32, #tpu.memory_space<vmem>> -> memref<16x48xf32, #tpu.memory_space<vmem>>
      %dma_start3A_81 = arith.constant 0 : i32
      %dma_start3A_82 = arith.constant 0 : i32
      %dma_start3A_83 = tpu.memref_slice %arg16[%dma_start3A_81, %dma_start3A_82] : memref<10112x48xf32, #tpu.memory_space<vmem_shared>> -> memref<10112x48xf32, #tpu.memory_space<vmem_shared>>
      tpu.enqueue_indirect_dma source(%dma_start3A_80 : memref<16x48xf32, #tpu.memory_space<vmem>>) target(%dma_start3A_83 : memref<10112x48xf32, #tpu.memory_space<vmem_shared>>) offsets(%arg15 : memref<16xi32, #tpu.memory_space<vmem>>) semaphore(%run_scoped3A : memref<!tpu.dma_semaphore, #tpu.memory_space<semaphore_mem>>) {add = true}
      %dma_wait3A_84 = arith.constant 0 : i32
      %dma_wait3A_85 = arith.constant 0 : i32
      %dma_wait3A_86 = tpu.memref_slice %arg12[%dma_wait3A_84, %dma_wait3A_85] : memref<128x48xf32, #tpu.memory_space<vmem>> -> memref<16x48xf32, #tpu.memory_space<vmem>>
      %dma_wait3A_87 = arith.constant 0 : i32
      %dma_wait3A_88 = arith.constant 0 : i32
      %dma_wait3A_89 = tpu.memref_slice %arg16[%dma_wait3A_87, %dma_wait3A_88] : memref<10112x48xf32, #tpu.memory_space<vmem_shared>> -> memref<10112x48xf32, #tpu.memory_space<vmem_shared>>
      tpu.wait_indirect_dma semaphore(%run_scoped3A : memref<!tpu.dma_semaphore, #tpu.memory_space<semaphore_mem>>) src(%dma_wait3A_86 : memref<16x48xf32, #tpu.memory_space<vmem>>) dst(%dma_wait3A_89 : memref<10112x48xf32, #tpu.memory_space<vmem_shared>>)
      tpu.yield
    }) : () -> ()
    %barrier3A_74 = arith.constant 0 : index
    tpu.barrier barrier_id(%barrier3A_74)
    %mul3A_75 = arith.constant 10112 : i32
    %mul3A_76 = arith.muli %arg0, %mul3A_75 : i32
    %add3A_77 = arith.addi %mul3A_76, %mul3A_2 : i32
    "tpu.region"() ({
      %run_scoped3A = tpu.sem_alloc : memref<!tpu.dma_semaphore, #tpu.memory_space<semaphore_mem>>
      %dma_start3A_78 = arith.constant 0 : i32
      %dma_start3A_79 = tpu.memref_slice %arg5[%add3A_77, %dma_start3A_78] : memref<20224x48xf32, #tpu.memory_space<hbm>> -> memref<632x48xf32, #tpu.memory_space<hbm>>
      %dma_start3A_80 = arith.constant 0 : i32
      %dma_start3A_81 = tpu.memref_slice %arg16[%mul3A_2, %dma_start3A_80] : memref<10112x48xf32, #tpu.memory_space<vmem_shared>> -> memref<632x48xf32, #tpu.memory_space<vmem_shared>>
      tpu.enqueue_dma source(%dma_start3A_81 : memref<632x48xf32, #tpu.memory_space<vmem_shared>>) target(%dma_start3A_79 : memref<632x48xf32, #tpu.memory_space<hbm>>) target_semaphore(%run_scoped3A : memref<!tpu.dma_semaphore, #tpu.memory_space<semaphore_mem>>)
      %dma_wait3A_82 = arith.constant 0 : i32
      %dma_wait3A_83 = tpu.memref_slice %arg5[%add3A_77, %dma_wait3A_82] : memref<20224x48xf32, #tpu.memory_space<hbm>> -> memref<632x48xf32, #tpu.memory_space<hbm>>
      %dma_wait3A_84 = arith.constant 0 : i32
      %dma_wait3A_85 = tpu.memref_slice %arg16[%mul3A_2, %dma_wait3A_84] : memref<10112x48xf32, #tpu.memory_space<vmem_shared>> -> memref<632x48xf32, #tpu.memory_space<vmem_shared>>
      tpu.wait_dma2 semaphore(%run_scoped3A : memref<!tpu.dma_semaphore, #tpu.memory_space<semaphore_mem>>) src(%dma_wait3A_85 : memref<632x48xf32, #tpu.memory_space<vmem_shared>>) dst(%dma_wait3A_83 : memref<632x48xf32, #tpu.memory_space<hbm>>)
      tpu.yield
    }) : () -> ()
    return
  }
}

#map = affine_map<(d0, d1) -> (0, 0)>
#map1 = affine_map<(d0, d1) -> (0)>
module attributes {stable_mosaic.version = 14 : i64} {
  func.func @agg(%arg0: i32, %arg1: i32, %arg2: memref<10112x128xf32, #tpu.memory_space<hbm>>, %arg3: memref<640000xi32, #tpu.memory_space<hbm>>, %arg4: memref<10112x128xf32, #tpu.memory_space<hbm>>, %arg5: memref<20224x128xf32, #tpu.memory_space<hbm>>, %arg6: memref<128xi32, #tpu.memory_space<vmem>>, %arg7: memref<128xi32, #tpu.memory_space<vmem>>, %arg8: memref<128xi32, #tpu.memory_space<vmem>>, %arg9: memref<128xi32, #tpu.memory_space<vmem>>, %arg10: memref<128xi32, #tpu.memory_space<vmem>>, %arg11: memref<128xi32, #tpu.memory_space<vmem>>, %arg12: memref<128x128xf32, #tpu.memory_space<vmem>>, %arg13: memref<128x128xf32, #tpu.memory_space<vmem>>, %arg14: memref<128x128xf32, #tpu.memory_space<vmem>>, %arg15: memref<16xi32, #tpu.memory_space<vmem>>, %arg16: memref<10112x128xf32, #tpu.memory_space<vmem_shared>>, %arg17: memref<!tpu.dma_semaphore, #tpu.memory_space<semaphore_mem>>, %arg18: memref<!tpu.dma_semaphore, #tpu.memory_space<semaphore_mem>>, %arg19: memref<!tpu.dma_semaphore, #tpu.memory_space<semaphore_mem>>, %arg20: memref<!tpu.dma_semaphore, #tpu.memory_space<semaphore_mem>>) attributes {dimension_semantics = [#tpu.dimension_semantics<core_parallel>, #tpu.dimension_semantics<subcore_parallel>], iteration_bounds = array<i64: 2, 16>, scalar_prefetch = 0 : i64, scratch_operands = 15 : i64, tpu.core_type = #tpu.core_type<sc_vector_subcore>, window_params = [{transform_indices = #map}, {transform_indices = #map1}, {transform_indices = #map}, {transform_indices = #map}]} {
    %mul3A = arith.constant 16 : i32
    %mul3A_0 = arith.muli %arg0, %mul3A : i32
    %add3A = arith.addi %mul3A_0, %arg1 : i32
    %mul3A_1 = arith.constant 632 : i32
    %mul3A_2 = arith.muli %arg1, %mul3A_1 : i32
    %mul3A_3 = arith.constant 10000 : i32
    %mul3A_4 = arith.muli %add3A, %mul3A_3 : i32
    "tpu.region"() ({
      %run_scoped3A = tpu.sem_alloc : memref<!tpu.dma_semaphore, #tpu.memory_space<semaphore_mem>>
      %dma_start3A_78 = arith.constant 0 : i32
      %dma_start3A_79 = tpu.memref_slice %arg16[%mul3A_2, %dma_start3A_78] : memref<10112x128xf32, #tpu.memory_space<vmem_shared>> -> memref<632x128xf32, #tpu.memory_space<vmem_shared>>
      %dma_start3A_80 = arith.constant 0 : i32
      %dma_start3A_81 = tpu.memref_slice %arg4[%mul3A_2, %dma_start3A_80] : memref<10112x128xf32, #tpu.memory_space<hbm>> -> memref<632x128xf32, #tpu.memory_space<hbm>>
      tpu.enqueue_dma source(%dma_start3A_81 : memref<632x128xf32, #tpu.memory_space<hbm>>) target(%dma_start3A_79 : memref<632x128xf32, #tpu.memory_space<vmem_shared>>) target_semaphore(%run_scoped3A : memref<!tpu.dma_semaphore, #tpu.memory_space<semaphore_mem>>)
      %dma_wait3A_82 = arith.constant 0 : i32
      %dma_wait3A_83 = tpu.memref_slice %arg16[%mul3A_2, %dma_wait3A_82] : memref<10112x128xf32, #tpu.memory_space<vmem_shared>> -> memref<632x128xf32, #tpu.memory_space<vmem_shared>>
      %dma_wait3A_84 = arith.constant 0 : i32
      %dma_wait3A_85 = tpu.memref_slice %arg4[%mul3A_2, %dma_wait3A_84] : memref<10112x128xf32, #tpu.memory_space<hbm>> -> memref<632x128xf32, #tpu.memory_space<hbm>>
      tpu.wait_dma2 semaphore(%run_scoped3A : memref<!tpu.dma_semaphore, #tpu.memory_space<semaphore_mem>>) src(%dma_wait3A_85 : memref<632x128xf32, #tpu.memory_space<hbm>>) dst(%dma_wait3A_83 : memref<632x128xf32, #tpu.memory_space<vmem_shared>>)
      tpu.yield
    }) : () -> ()
    %barrier3A = arith.constant 0 : index
    tpu.barrier barrier_id(%barrier3A)
    %add3A_5 = arith.constant 0 : i32
    %add3A_6 = arith.addi %mul3A_4, %add3A_5 : i32
    %dma_start3A = tpu.memref_slice %arg3[%add3A_6] : memref<640000xi32, #tpu.memory_space<hbm>> -> memref<128xi32, #tpu.memory_space<hbm>>
    %dma_start3A_7 = tpu.memref_slice %arg3[%add3A_6] : memref<640000xi32, #tpu.memory_space<hbm>> -> memref<128xi32, #tpu.memory_space<hbm>>
    tpu.enqueue_dma source(%dma_start3A_7 : memref<128xi32, #tpu.memory_space<hbm>>) target(%arg6 : memref<128xi32, #tpu.memory_space<vmem>>) target_semaphore(%arg20 : memref<!tpu.dma_semaphore, #tpu.memory_space<semaphore_mem>>)
    %add3A_8 = arith.constant 320000 : i32
    %add3A_9 = arith.addi %add3A_8, %mul3A_4 : i32
    %add3A_10 = arith.constant 0 : i32
    %add3A_11 = arith.addi %add3A_9, %add3A_10 : i32
    %dma_start3A_12 = tpu.memref_slice %arg3[%add3A_11] : memref<640000xi32, #tpu.memory_space<hbm>> -> memref<128xi32, #tpu.memory_space<hbm>>
    %dma_start3A_13 = tpu.memref_slice %arg3[%add3A_11] : memref<640000xi32, #tpu.memory_space<hbm>> -> memref<128xi32, #tpu.memory_space<hbm>>
    tpu.enqueue_dma source(%dma_start3A_13 : memref<128xi32, #tpu.memory_space<hbm>>) target(%arg9 : memref<128xi32, #tpu.memory_space<vmem>>) target_semaphore(%arg19 : memref<!tpu.dma_semaphore, #tpu.memory_space<semaphore_mem>>)
    %add3A_14 = arith.constant 128 : i32
    %add3A_15 = arith.addi %mul3A_4, %add3A_14 : i32
    %dma_start3A_16 = tpu.memref_slice %arg3[%add3A_15] : memref<640000xi32, #tpu.memory_space<hbm>> -> memref<128xi32, #tpu.memory_space<hbm>>
    %dma_start3A_17 = tpu.memref_slice %arg3[%add3A_15] : memref<640000xi32, #tpu.memory_space<hbm>> -> memref<128xi32, #tpu.memory_space<hbm>>
    tpu.enqueue_dma source(%dma_start3A_17 : memref<128xi32, #tpu.memory_space<hbm>>) target(%arg7 : memref<128xi32, #tpu.memory_space<vmem>>) target_semaphore(%arg20 : memref<!tpu.dma_semaphore, #tpu.memory_space<semaphore_mem>>)
    %add3A_18 = arith.constant 320000 : i32
    %add3A_19 = arith.addi %add3A_18, %mul3A_4 : i32
    %add3A_20 = arith.constant 128 : i32
    %add3A_21 = arith.addi %add3A_19, %add3A_20 : i32
    %dma_start3A_22 = tpu.memref_slice %arg3[%add3A_21] : memref<640000xi32, #tpu.memory_space<hbm>> -> memref<128xi32, #tpu.memory_space<hbm>>
    %dma_start3A_23 = tpu.memref_slice %arg3[%add3A_21] : memref<640000xi32, #tpu.memory_space<hbm>> -> memref<128xi32, #tpu.memory_space<hbm>>
    tpu.enqueue_dma source(%dma_start3A_23 : memref<128xi32, #tpu.memory_space<hbm>>) target(%arg10 : memref<128xi32, #tpu.memory_space<vmem>>) target_semaphore(%arg19 : memref<!tpu.dma_semaphore, #tpu.memory_space<semaphore_mem>>)
    %dma_wait3A = tpu.memref_slice %arg3[%mul3A_4] : memref<640000xi32, #tpu.memory_space<hbm>> -> memref<128xi32, #tpu.memory_space<hbm>>
    %dma_wait3A_24 = tpu.memref_slice %arg3[%mul3A_4] : memref<640000xi32, #tpu.memory_space<hbm>> -> memref<128xi32, #tpu.memory_space<hbm>>
    tpu.wait_dma2 semaphore(%arg20 : memref<!tpu.dma_semaphore, #tpu.memory_space<semaphore_mem>>) src(%dma_wait3A_24 : memref<128xi32, #tpu.memory_space<hbm>>) dst(%arg6 : memref<128xi32, #tpu.memory_space<vmem>>)
    %dma_wait3A_25 = tpu.memref_slice %arg3[%mul3A_4] : memref<640000xi32, #tpu.memory_space<hbm>> -> memref<128xi32, #tpu.memory_space<hbm>>
    %dma_wait3A_26 = tpu.memref_slice %arg3[%mul3A_4] : memref<640000xi32, #tpu.memory_space<hbm>> -> memref<128xi32, #tpu.memory_space<hbm>>
    tpu.wait_dma2 semaphore(%arg19 : memref<!tpu.dma_semaphore, #tpu.memory_space<semaphore_mem>>) src(%dma_wait3A_26 : memref<128xi32, #tpu.memory_space<hbm>>) dst(%arg9 : memref<128xi32, #tpu.memory_space<vmem>>)
    %dma_start3A_27 = arith.constant 0 : i32
    %dma_start3A_28 = arith.constant 0 : i32
    %dma_start3A_29 = tpu.memref_slice %arg2[%dma_start3A_27, %dma_start3A_28] : memref<10112x128xf32, #tpu.memory_space<hbm>> -> memref<10112x128xf32, #tpu.memory_space<hbm>>
    tpu.enqueue_indirect_dma source(%dma_start3A_29 : memref<10112x128xf32, #tpu.memory_space<hbm>>) target(%arg12 : memref<128x128xf32, #tpu.memory_space<vmem>>) offsets(%arg6 : memref<128xi32, #tpu.memory_space<vmem>>) semaphore(%arg17 : memref<!tpu.dma_semaphore, #tpu.memory_space<semaphore_mem>>)
    %scan3A = arith.constant 0 : i32
    %scan3A_30 = arith.constant 0 : i32
    %scan3A_31 = arith.constant 26 : i32
    %scan3A_32 = arith.addi %scan3A_30, %scan3A_31 : i32
    %scan3A_33 = arith.constant 1 : i32
    scf.for %scan3A_78 = %scan3A_30 to %scan3A_32 step %scan3A_33  : i32 {
      %mul3A_79 = arith.constant 3 : i32
      %mul3A_80 = arith.muli %mul3A_79, %scan3A_78 : i32
      %add3A_81 = arith.constant 0 : i32
      %add3A_82 = arith.addi %mul3A_80, %add3A_81 : i32
      %add3A_83 = arith.constant 1 : i32
      %add3A_84 = arith.addi %add3A_82, %add3A_83 : i32
      %lt3A = arith.constant 78 : i32
      %lt3A_85 = arith.cmpi slt, %add3A_84, %lt3A : i32
      %convert_element_type3A = arith.extui %lt3A_85 : i1 to i32
      %cond3A = arith.constant 0 : i32
      %cond3A_86 = arith.cmpi ne, %convert_element_type3A, %cond3A : i32
      scf.if %cond3A_86 {
        %dma_wait3A_162 = tpu.memref_slice %arg3[%mul3A_4] : memref<640000xi32, #tpu.memory_space<hbm>> -> memref<128xi32, #tpu.memory_space<hbm>>
        %dma_wait3A_163 = tpu.memref_slice %arg3[%mul3A_4] : memref<640000xi32, #tpu.memory_space<hbm>> -> memref<128xi32, #tpu.memory_space<hbm>>
        tpu.wait_dma2 semaphore(%arg20 : memref<!tpu.dma_semaphore, #tpu.memory_space<semaphore_mem>>) src(%dma_wait3A_163 : memref<128xi32, #tpu.memory_space<hbm>>) dst(%arg7 : memref<128xi32, #tpu.memory_space<vmem>>)
        %dma_wait3A_164 = tpu.memref_slice %arg3[%mul3A_4] : memref<640000xi32, #tpu.memory_space<hbm>> -> memref<128xi32, #tpu.memory_space<hbm>>
        %dma_wait3A_165 = tpu.memref_slice %arg3[%mul3A_4] : memref<640000xi32, #tpu.memory_space<hbm>> -> memref<128xi32, #tpu.memory_space<hbm>>
        tpu.wait_dma2 semaphore(%arg19 : memref<!tpu.dma_semaphore, #tpu.memory_space<semaphore_mem>>) src(%dma_wait3A_165 : memref<128xi32, #tpu.memory_space<hbm>>) dst(%arg10 : memref<128xi32, #tpu.memory_space<vmem>>)
        %dma_start3A_166 = arith.constant 0 : i32
        %dma_start3A_167 = arith.constant 0 : i32
        %dma_start3A_168 = tpu.memref_slice %arg2[%dma_start3A_166, %dma_start3A_167] : memref<10112x128xf32, #tpu.memory_space<hbm>> -> memref<10112x128xf32, #tpu.memory_space<hbm>>
        tpu.enqueue_indirect_dma source(%dma_start3A_168 : memref<10112x128xf32, #tpu.memory_space<hbm>>) target(%arg13 : memref<128x128xf32, #tpu.memory_space<vmem>>) offsets(%arg7 : memref<128xi32, #tpu.memory_space<vmem>>) semaphore(%arg17 : memref<!tpu.dma_semaphore, #tpu.memory_space<semaphore_mem>>)
      } else {
      }
      %dma_wait3A_87 = arith.constant 0 : i32
      %dma_wait3A_88 = arith.constant 0 : i32
      %dma_wait3A_89 = tpu.memref_slice %arg2[%dma_wait3A_87, %dma_wait3A_88] : memref<10112x128xf32, #tpu.memory_space<hbm>> -> memref<10112x128xf32, #tpu.memory_space<hbm>>
      tpu.wait_indirect_dma semaphore(%arg17 : memref<!tpu.dma_semaphore, #tpu.memory_space<semaphore_mem>>) src(%dma_wait3A_89 : memref<10112x128xf32, #tpu.memory_space<hbm>>) dst(%arg12 : memref<128x128xf32, #tpu.memory_space<vmem>>)
      %dma_start3A_90 = arith.constant 0 : i32
      %dma_start3A_91 = arith.constant 0 : i32
      %dma_start3A_92 = tpu.memref_slice %arg16[%dma_start3A_90, %dma_start3A_91] : memref<10112x128xf32, #tpu.memory_space<vmem_shared>> -> memref<10112x128xf32, #tpu.memory_space<vmem_shared>>
      tpu.enqueue_indirect_dma source(%arg12 : memref<128x128xf32, #tpu.memory_space<vmem>>) target(%dma_start3A_92 : memref<10112x128xf32, #tpu.memory_space<vmem_shared>>) offsets(%arg9 : memref<128xi32, #tpu.memory_space<vmem>>) semaphore(%arg18 : memref<!tpu.dma_semaphore, #tpu.memory_space<semaphore_mem>>) {add = true}
      %ge3A = arith.constant 1 : i32
      %ge3A_93 = arith.cmpi sge, %add3A_82, %ge3A : i32
      %convert_element_type3A_94 = arith.extui %ge3A_93 : i1 to i32
      %cond3A_95 = arith.constant 0 : i32
      %cond3A_96 = arith.cmpi ne, %convert_element_type3A_94, %cond3A_95 : i32
      scf.if %cond3A_96 {
        %dma_wait3A_162 = arith.constant 0 : i32
        %dma_wait3A_163 = arith.constant 0 : i32
        %dma_wait3A_164 = tpu.memref_slice %arg16[%dma_wait3A_162, %dma_wait3A_163] : memref<10112x128xf32, #tpu.memory_space<vmem_shared>> -> memref<10112x128xf32, #tpu.memory_space<vmem_shared>>
        tpu.wait_indirect_dma semaphore(%arg18 : memref<!tpu.dma_semaphore, #tpu.memory_space<semaphore_mem>>) src(%arg12 : memref<128x128xf32, #tpu.memory_space<vmem>>) dst(%dma_wait3A_164 : memref<10112x128xf32, #tpu.memory_space<vmem_shared>>)
      } else {
      }
      %add3A_97 = arith.constant 2 : i32
      %add3A_98 = arith.addi %add3A_82, %add3A_97 : i32
      %lt3A_99 = arith.constant 78 : i32
      %lt3A_100 = arith.cmpi slt, %add3A_98, %lt3A_99 : i32
      %convert_element_type3A_101 = arith.extui %lt3A_100 : i1 to i32
      %cond3A_102 = arith.constant 0 : i32
      %cond3A_103 = arith.cmpi ne, %convert_element_type3A_101, %cond3A_102 : i32
      scf.if %cond3A_103 {
        %add3A_162 = arith.constant 2 : i32
        %add3A_163 = arith.addi %add3A_82, %add3A_162 : i32
        %mul3A_164 = arith.constant 128 : i32
        %mul3A_165 = arith.muli %add3A_163, %mul3A_164 : i32
        %add3A_166 = arith.addi %mul3A_4, %mul3A_165 : i32
        %dma_start3A_167 = tpu.memref_slice %arg3[%add3A_166] : memref<640000xi32, #tpu.memory_space<hbm>> -> memref<128xi32, #tpu.memory_space<hbm>>
        %dma_start3A_168 = tpu.memref_slice %arg3[%add3A_166] : memref<640000xi32, #tpu.memory_space<hbm>> -> memref<128xi32, #tpu.memory_space<hbm>>
        tpu.enqueue_dma source(%dma_start3A_168 : memref<128xi32, #tpu.memory_space<hbm>>) target(%arg8 : memref<128xi32, #tpu.memory_space<vmem>>) target_semaphore(%arg20 : memref<!tpu.dma_semaphore, #tpu.memory_space<semaphore_mem>>)
        %add3A_169 = arith.constant 320000 : i32
        %add3A_170 = arith.addi %add3A_169, %mul3A_4 : i32
        %mul3A_171 = arith.constant 128 : i32
        %mul3A_172 = arith.muli %add3A_163, %mul3A_171 : i32
        %add3A_173 = arith.addi %add3A_170, %mul3A_172 : i32
        %dma_start3A_174 = tpu.memref_slice %arg3[%add3A_173] : memref<640000xi32, #tpu.memory_space<hbm>> -> memref<128xi32, #tpu.memory_space<hbm>>
        %dma_start3A_175 = tpu.memref_slice %arg3[%add3A_173] : memref<640000xi32, #tpu.memory_space<hbm>> -> memref<128xi32, #tpu.memory_space<hbm>>
        tpu.enqueue_dma source(%dma_start3A_175 : memref<128xi32, #tpu.memory_space<hbm>>) target(%arg11 : memref<128xi32, #tpu.memory_space<vmem>>) target_semaphore(%arg19 : memref<!tpu.dma_semaphore, #tpu.memory_space<semaphore_mem>>)
      } else {
      }
      %mul3A_104 = arith.constant 3 : i32
      %mul3A_105 = arith.muli %mul3A_104, %scan3A_78 : i32
      %add3A_106 = arith.constant 1 : i32
      %add3A_107 = arith.addi %mul3A_105, %add3A_106 : i32
      %add3A_108 = arith.constant 1 : i32
      %add3A_109 = arith.addi %add3A_107, %add3A_108 : i32
      %lt3A_110 = arith.constant 78 : i32
      %lt3A_111 = arith.cmpi slt, %add3A_109, %lt3A_110 : i32
      %convert_element_type3A_112 = arith.extui %lt3A_111 : i1 to i32
      %cond3A_113 = arith.constant 0 : i32
      %cond3A_114 = arith.cmpi ne, %convert_element_type3A_112, %cond3A_113 : i32
      scf.if %cond3A_114 {
        %dma_wait3A_162 = tpu.memref_slice %arg3[%mul3A_4] : memref<640000xi32, #tpu.memory_space<hbm>> -> memref<128xi32, #tpu.memory_space<hbm>>
        %dma_wait3A_163 = tpu.memref_slice %arg3[%mul3A_4] : memref<640000xi32, #tpu.memory_space<hbm>> -> memref<128xi32, #tpu.memory_space<hbm>>
        tpu.wait_dma2 semaphore(%arg20 : memref<!tpu.dma_semaphore, #tpu.memory_space<semaphore_mem>>) src(%dma_wait3A_163 : memref<128xi32, #tpu.memory_space<hbm>>) dst(%arg8 : memref<128xi32, #tpu.memory_space<vmem>>)
        %dma_wait3A_164 = tpu.memref_slice %arg3[%mul3A_4] : memref<640000xi32, #tpu.memory_space<hbm>> -> memref<128xi32, #tpu.memory_space<hbm>>
        %dma_wait3A_165 = tpu.memref_slice %arg3[%mul3A_4] : memref<640000xi32, #tpu.memory_space<hbm>> -> memref<128xi32, #tpu.memory_space<hbm>>
        tpu.wait_dma2 semaphore(%arg19 : memref<!tpu.dma_semaphore, #tpu.memory_space<semaphore_mem>>) src(%dma_wait3A_165 : memref<128xi32, #tpu.memory_space<hbm>>) dst(%arg11 : memref<128xi32, #tpu.memory_space<vmem>>)
        %dma_start3A_166 = arith.constant 0 : i32
        %dma_start3A_167 = arith.constant 0 : i32
        %dma_start3A_168 = tpu.memref_slice %arg2[%dma_start3A_166, %dma_start3A_167] : memref<10112x128xf32, #tpu.memory_space<hbm>> -> memref<10112x128xf32, #tpu.memory_space<hbm>>
        tpu.enqueue_indirect_dma source(%dma_start3A_168 : memref<10112x128xf32, #tpu.memory_space<hbm>>) target(%arg14 : memref<128x128xf32, #tpu.memory_space<vmem>>) offsets(%arg8 : memref<128xi32, #tpu.memory_space<vmem>>) semaphore(%arg17 : memref<!tpu.dma_semaphore, #tpu.memory_space<semaphore_mem>>)
      } else {
      }
      %dma_wait3A_115 = arith.constant 0 : i32
      %dma_wait3A_116 = arith.constant 0 : i32
      %dma_wait3A_117 = tpu.memref_slice %arg2[%dma_wait3A_115, %dma_wait3A_116] : memref<10112x128xf32, #tpu.memory_space<hbm>> -> memref<10112x128xf32, #tpu.memory_space<hbm>>
      tpu.wait_indirect_dma semaphore(%arg17 : memref<!tpu.dma_semaphore, #tpu.memory_space<semaphore_mem>>) src(%dma_wait3A_117 : memref<10112x128xf32, #tpu.memory_space<hbm>>) dst(%arg13 : memref<128x128xf32, #tpu.memory_space<vmem>>)
      %dma_start3A_118 = arith.constant 0 : i32
      %dma_start3A_119 = arith.constant 0 : i32
      %dma_start3A_120 = tpu.memref_slice %arg16[%dma_start3A_118, %dma_start3A_119] : memref<10112x128xf32, #tpu.memory_space<vmem_shared>> -> memref<10112x128xf32, #tpu.memory_space<vmem_shared>>
      tpu.enqueue_indirect_dma source(%arg13 : memref<128x128xf32, #tpu.memory_space<vmem>>) target(%dma_start3A_120 : memref<10112x128xf32, #tpu.memory_space<vmem_shared>>) offsets(%arg10 : memref<128xi32, #tpu.memory_space<vmem>>) semaphore(%arg18 : memref<!tpu.dma_semaphore, #tpu.memory_space<semaphore_mem>>) {add = true}
      %ge3A_121 = arith.constant 1 : i32
      %ge3A_122 = arith.cmpi sge, %add3A_107, %ge3A_121 : i32
      %convert_element_type3A_123 = arith.extui %ge3A_122 : i1 to i32
      %cond3A_124 = arith.constant 0 : i32
      %cond3A_125 = arith.cmpi ne, %convert_element_type3A_123, %cond3A_124 : i32
      scf.if %cond3A_125 {
        %dma_wait3A_162 = arith.constant 0 : i32
        %dma_wait3A_163 = arith.constant 0 : i32
        %dma_wait3A_164 = tpu.memref_slice %arg16[%dma_wait3A_162, %dma_wait3A_163] : memref<10112x128xf32, #tpu.memory_space<vmem_shared>> -> memref<10112x128xf32, #tpu.memory_space<vmem_shared>>
        tpu.wait_indirect_dma semaphore(%arg18 : memref<!tpu.dma_semaphore, #tpu.memory_space<semaphore_mem>>) src(%arg12 : memref<128x128xf32, #tpu.memory_space<vmem>>) dst(%dma_wait3A_164 : memref<10112x128xf32, #tpu.memory_space<vmem_shared>>)
      } else {
      }
      %add3A_126 = arith.constant 2 : i32
      %add3A_127 = arith.addi %add3A_107, %add3A_126 : i32
      %lt3A_128 = arith.constant 78 : i32
      %lt3A_129 = arith.cmpi slt, %add3A_127, %lt3A_128 : i32
      %convert_element_type3A_130 = arith.extui %lt3A_129 : i1 to i32
      %cond3A_131 = arith.constant 0 : i32
      %cond3A_132 = arith.cmpi ne, %convert_element_type3A_130, %cond3A_131 : i32
      scf.if %cond3A_132 {
        %add3A_162 = arith.constant 2 : i32
        %add3A_163 = arith.addi %add3A_107, %add3A_162 : i32
        %mul3A_164 = arith.constant 128 : i32
        %mul3A_165 = arith.muli %add3A_163, %mul3A_164 : i32
        %add3A_166 = arith.addi %mul3A_4, %mul3A_165 : i32
        %dma_start3A_167 = tpu.memref_slice %arg3[%add3A_166] : memref<640000xi32, #tpu.memory_space<hbm>> -> memref<128xi32, #tpu.memory_space<hbm>>
        %dma_start3A_168 = tpu.memref_slice %arg3[%add3A_166] : memref<640000xi32, #tpu.memory_space<hbm>> -> memref<128xi32, #tpu.memory_space<hbm>>
        tpu.enqueue_dma source(%dma_start3A_168 : memref<128xi32, #tpu.memory_space<hbm>>) target(%arg6 : memref<128xi32, #tpu.memory_space<vmem>>) target_semaphore(%arg20 : memref<!tpu.dma_semaphore, #tpu.memory_space<semaphore_mem>>)
        %add3A_169 = arith.constant 320000 : i32
        %add3A_170 = arith.addi %add3A_169, %mul3A_4 : i32
        %mul3A_171 = arith.constant 128 : i32
        %mul3A_172 = arith.muli %add3A_163, %mul3A_171 : i32
        %add3A_173 = arith.addi %add3A_170, %mul3A_172 : i32
        %dma_start3A_174 = tpu.memref_slice %arg3[%add3A_173] : memref<640000xi32, #tpu.memory_space<hbm>> -> memref<128xi32, #tpu.memory_space<hbm>>
        %dma_start3A_175 = tpu.memref_slice %arg3[%add3A_173] : memref<640000xi32, #tpu.memory_space<hbm>> -> memref<128xi32, #tpu.memory_space<hbm>>
        tpu.enqueue_dma source(%dma_start3A_175 : memref<128xi32, #tpu.memory_space<hbm>>) target(%arg9 : memref<128xi32, #tpu.memory_space<vmem>>) target_semaphore(%arg19 : memref<!tpu.dma_semaphore, #tpu.memory_space<semaphore_mem>>)
      } else {
      }
      %mul3A_133 = arith.constant 3 : i32
      %mul3A_134 = arith.muli %mul3A_133, %scan3A_78 : i32
      %add3A_135 = arith.constant 2 : i32
      %add3A_136 = arith.addi %mul3A_134, %add3A_135 : i32
      %add3A_137 = arith.constant 1 : i32
      %add3A_138 = arith.addi %add3A_136, %add3A_137 : i32
      %lt3A_139 = arith.constant 78 : i32
      %lt3A_140 = arith.cmpi slt, %add3A_138, %lt3A_139 : i32
      %convert_element_type3A_141 = arith.extui %lt3A_140 : i1 to i32
      %cond3A_142 = arith.constant 0 : i32
      %cond3A_143 = arith.cmpi ne, %convert_element_type3A_141, %cond3A_142 : i32
      scf.if %cond3A_143 {
        %dma_wait3A_162 = tpu.memref_slice %arg3[%mul3A_4] : memref<640000xi32, #tpu.memory_space<hbm>> -> memref<128xi32, #tpu.memory_space<hbm>>
        %dma_wait3A_163 = tpu.memref_slice %arg3[%mul3A_4] : memref<640000xi32, #tpu.memory_space<hbm>> -> memref<128xi32, #tpu.memory_space<hbm>>
        tpu.wait_dma2 semaphore(%arg20 : memref<!tpu.dma_semaphore, #tpu.memory_space<semaphore_mem>>) src(%dma_wait3A_163 : memref<128xi32, #tpu.memory_space<hbm>>) dst(%arg6 : memref<128xi32, #tpu.memory_space<vmem>>)
        %dma_wait3A_164 = tpu.memref_slice %arg3[%mul3A_4] : memref<640000xi32, #tpu.memory_space<hbm>> -> memref<128xi32, #tpu.memory_space<hbm>>
        %dma_wait3A_165 = tpu.memref_slice %arg3[%mul3A_4] : memref<640000xi32, #tpu.memory_space<hbm>> -> memref<128xi32, #tpu.memory_space<hbm>>
        tpu.wait_dma2 semaphore(%arg19 : memref<!tpu.dma_semaphore, #tpu.memory_space<semaphore_mem>>) src(%dma_wait3A_165 : memref<128xi32, #tpu.memory_space<hbm>>) dst(%arg9 : memref<128xi32, #tpu.memory_space<vmem>>)
        %dma_start3A_166 = arith.constant 0 : i32
        %dma_start3A_167 = arith.constant 0 : i32
        %dma_start3A_168 = tpu.memref_slice %arg2[%dma_start3A_166, %dma_start3A_167] : memref<10112x128xf32, #tpu.memory_space<hbm>> -> memref<10112x128xf32, #tpu.memory_space<hbm>>
        tpu.enqueue_indirect_dma source(%dma_start3A_168 : memref<10112x128xf32, #tpu.memory_space<hbm>>) target(%arg12 : memref<128x128xf32, #tpu.memory_space<vmem>>) offsets(%arg6 : memref<128xi32, #tpu.memory_space<vmem>>) semaphore(%arg17 : memref<!tpu.dma_semaphore, #tpu.memory_space<semaphore_mem>>)
      } else {
      }
      %dma_wait3A_144 = arith.constant 0 : i32
      %dma_wait3A_145 = arith.constant 0 : i32
      %dma_wait3A_146 = tpu.memref_slice %arg2[%dma_wait3A_144, %dma_wait3A_145] : memref<10112x128xf32, #tpu.memory_space<hbm>> -> memref<10112x128xf32, #tpu.memory_space<hbm>>
      tpu.wait_indirect_dma semaphore(%arg17 : memref<!tpu.dma_semaphore, #tpu.memory_space<semaphore_mem>>) src(%dma_wait3A_146 : memref<10112x128xf32, #tpu.memory_space<hbm>>) dst(%arg14 : memref<128x128xf32, #tpu.memory_space<vmem>>)
      %dma_start3A_147 = arith.constant 0 : i32
      %dma_start3A_148 = arith.constant 0 : i32
      %dma_start3A_149 = tpu.memref_slice %arg16[%dma_start3A_147, %dma_start3A_148] : memref<10112x128xf32, #tpu.memory_space<vmem_shared>> -> memref<10112x128xf32, #tpu.memory_space<vmem_shared>>
      tpu.enqueue_indirect_dma source(%arg14 : memref<128x128xf32, #tpu.memory_space<vmem>>) target(%dma_start3A_149 : memref<10112x128xf32, #tpu.memory_space<vmem_shared>>) offsets(%arg11 : memref<128xi32, #tpu.memory_space<vmem>>) semaphore(%arg18 : memref<!tpu.dma_semaphore, #tpu.memory_space<semaphore_mem>>) {add = true}
      %ge3A_150 = arith.constant 1 : i32
      %ge3A_151 = arith.cmpi sge, %add3A_136, %ge3A_150 : i32
      %convert_element_type3A_152 = arith.extui %ge3A_151 : i1 to i32
      %cond3A_153 = arith.constant 0 : i32
      %cond3A_154 = arith.cmpi ne, %convert_element_type3A_152, %cond3A_153 : i32
      scf.if %cond3A_154 {
        %dma_wait3A_162 = arith.constant 0 : i32
        %dma_wait3A_163 = arith.constant 0 : i32
        %dma_wait3A_164 = tpu.memref_slice %arg16[%dma_wait3A_162, %dma_wait3A_163] : memref<10112x128xf32, #tpu.memory_space<vmem_shared>> -> memref<10112x128xf32, #tpu.memory_space<vmem_shared>>
        tpu.wait_indirect_dma semaphore(%arg18 : memref<!tpu.dma_semaphore, #tpu.memory_space<semaphore_mem>>) src(%arg12 : memref<128x128xf32, #tpu.memory_space<vmem>>) dst(%dma_wait3A_164 : memref<10112x128xf32, #tpu.memory_space<vmem_shared>>)
      } else {
      }
      %add3A_155 = arith.constant 2 : i32
      %add3A_156 = arith.addi %add3A_136, %add3A_155 : i32
      %lt3A_157 = arith.constant 78 : i32
      %lt3A_158 = arith.cmpi slt, %add3A_156, %lt3A_157 : i32
      %convert_element_type3A_159 = arith.extui %lt3A_158 : i1 to i32
      %cond3A_160 = arith.constant 0 : i32
      %cond3A_161 = arith.cmpi ne, %convert_element_type3A_159, %cond3A_160 : i32
      scf.if %cond3A_161 {
        %add3A_162 = arith.constant 2 : i32
        %add3A_163 = arith.addi %add3A_136, %add3A_162 : i32
        %mul3A_164 = arith.constant 128 : i32
        %mul3A_165 = arith.muli %add3A_163, %mul3A_164 : i32
        %add3A_166 = arith.addi %mul3A_4, %mul3A_165 : i32
        %dma_start3A_167 = tpu.memref_slice %arg3[%add3A_166] : memref<640000xi32, #tpu.memory_space<hbm>> -> memref<128xi32, #tpu.memory_space<hbm>>
        %dma_start3A_168 = tpu.memref_slice %arg3[%add3A_166] : memref<640000xi32, #tpu.memory_space<hbm>> -> memref<128xi32, #tpu.memory_space<hbm>>
        tpu.enqueue_dma source(%dma_start3A_168 : memref<128xi32, #tpu.memory_space<hbm>>) target(%arg7 : memref<128xi32, #tpu.memory_space<vmem>>) target_semaphore(%arg20 : memref<!tpu.dma_semaphore, #tpu.memory_space<semaphore_mem>>)
        %add3A_169 = arith.constant 320000 : i32
        %add3A_170 = arith.addi %add3A_169, %mul3A_4 : i32
        %mul3A_171 = arith.constant 128 : i32
        %mul3A_172 = arith.muli %add3A_163, %mul3A_171 : i32
        %add3A_173 = arith.addi %add3A_170, %mul3A_172 : i32
        %dma_start3A_174 = tpu.memref_slice %arg3[%add3A_173] : memref<640000xi32, #tpu.memory_space<hbm>> -> memref<128xi32, #tpu.memory_space<hbm>>
        %dma_start3A_175 = tpu.memref_slice %arg3[%add3A_173] : memref<640000xi32, #tpu.memory_space<hbm>> -> memref<128xi32, #tpu.memory_space<hbm>>
        tpu.enqueue_dma source(%dma_start3A_175 : memref<128xi32, #tpu.memory_space<hbm>>) target(%arg10 : memref<128xi32, #tpu.memory_space<vmem>>) target_semaphore(%arg19 : memref<!tpu.dma_semaphore, #tpu.memory_space<semaphore_mem>>)
      } else {
      }
    }
    %scan3A_34 = arith.constant 26 : i32
    %dma_wait3A_35 = arith.constant 0 : i32
    %dma_wait3A_36 = arith.constant 0 : i32
    %dma_wait3A_37 = tpu.memref_slice %arg16[%dma_wait3A_35, %dma_wait3A_36] : memref<10112x128xf32, #tpu.memory_space<vmem_shared>> -> memref<10112x128xf32, #tpu.memory_space<vmem_shared>>
    tpu.wait_indirect_dma semaphore(%arg18 : memref<!tpu.dma_semaphore, #tpu.memory_space<semaphore_mem>>) src(%arg12 : memref<128x128xf32, #tpu.memory_space<vmem>>) dst(%dma_wait3A_37 : memref<10112x128xf32, #tpu.memory_space<vmem_shared>>)
    %add3A_38 = arith.constant 9984 : i32
    %add3A_39 = arith.addi %mul3A_4, %add3A_38 : i32
    %dma_start3A_40 = arith.constant 0 : i32
    %dma_start3A_41 = tpu.memref_slice %arg6[%dma_start3A_40] : memref<128xi32, #tpu.memory_space<vmem>> -> memref<16xi32, #tpu.memory_space<vmem>>
    %dma_start3A_42 = tpu.memref_slice %arg3[%add3A_39] : memref<640000xi32, #tpu.memory_space<hbm>> -> memref<16xi32, #tpu.memory_space<hbm>>
    %dma_start3A_43 = arith.constant 0 : i32
    %dma_start3A_44 = tpu.memref_slice %arg6[%dma_start3A_43] : memref<128xi32, #tpu.memory_space<vmem>> -> memref<16xi32, #tpu.memory_space<vmem>>
    %dma_start3A_45 = tpu.memref_slice %arg3[%add3A_39] : memref<640000xi32, #tpu.memory_space<hbm>> -> memref<16xi32, #tpu.memory_space<hbm>>
    tpu.enqueue_dma source(%dma_start3A_45 : memref<16xi32, #tpu.memory_space<hbm>>) target(%dma_start3A_44 : memref<16xi32, #tpu.memory_space<vmem>>) target_semaphore(%arg20 : memref<!tpu.dma_semaphore, #tpu.memory_space<semaphore_mem>>)
    %add3A_46 = arith.constant 320000 : i32
    %add3A_47 = arith.addi %add3A_46, %add3A_39 : i32
    %dma_start3A_48 = tpu.memref_slice %arg3[%add3A_47] : memref<640000xi32, #tpu.memory_space<hbm>> -> memref<16xi32, #tpu.memory_space<hbm>>
    %dma_start3A_49 = tpu.memref_slice %arg3[%add3A_47] : memref<640000xi32, #tpu.memory_space<hbm>> -> memref<16xi32, #tpu.memory_space<hbm>>
    tpu.enqueue_dma source(%dma_start3A_49 : memref<16xi32, #tpu.memory_space<hbm>>) target(%arg15 : memref<16xi32, #tpu.memory_space<vmem>>) target_semaphore(%arg19 : memref<!tpu.dma_semaphore, #tpu.memory_space<semaphore_mem>>)
    %dma_wait3A_50 = arith.constant 0 : i32
    %dma_wait3A_51 = tpu.memref_slice %arg6[%dma_wait3A_50] : memref<128xi32, #tpu.memory_space<vmem>> -> memref<16xi32, #tpu.memory_space<vmem>>
    %dma_wait3A_52 = tpu.memref_slice %arg3[%mul3A_4] : memref<640000xi32, #tpu.memory_space<hbm>> -> memref<16xi32, #tpu.memory_space<hbm>>
    %dma_wait3A_53 = arith.constant 0 : i32
    %dma_wait3A_54 = tpu.memref_slice %arg6[%dma_wait3A_53] : memref<128xi32, #tpu.memory_space<vmem>> -> memref<16xi32, #tpu.memory_space<vmem>>
    %dma_wait3A_55 = tpu.memref_slice %arg3[%mul3A_4] : memref<640000xi32, #tpu.memory_space<hbm>> -> memref<16xi32, #tpu.memory_space<hbm>>
    tpu.wait_dma2 semaphore(%arg20 : memref<!tpu.dma_semaphore, #tpu.memory_space<semaphore_mem>>) src(%dma_wait3A_55 : memref<16xi32, #tpu.memory_space<hbm>>) dst(%dma_wait3A_54 : memref<16xi32, #tpu.memory_space<vmem>>)
    %dma_wait3A_56 = tpu.memref_slice %arg3[%mul3A_4] : memref<640000xi32, #tpu.memory_space<hbm>> -> memref<16xi32, #tpu.memory_space<hbm>>
    %dma_wait3A_57 = tpu.memref_slice %arg3[%mul3A_4] : memref<640000xi32, #tpu.memory_space<hbm>> -> memref<16xi32, #tpu.memory_space<hbm>>
    tpu.wait_dma2 semaphore(%arg19 : memref<!tpu.dma_semaphore, #tpu.memory_space<semaphore_mem>>) src(%dma_wait3A_57 : memref<16xi32, #tpu.memory_space<hbm>>) dst(%arg15 : memref<16xi32, #tpu.memory_space<vmem>>)
    %dma_start3A_58 = arith.constant 0 : i32
    %dma_start3A_59 = arith.constant 0 : i32
    %dma_start3A_60 = tpu.memref_slice %arg12[%dma_start3A_58, %dma_start3A_59] : memref<128x128xf32, #tpu.memory_space<vmem>> -> memref<16x128xf32, #tpu.memory_space<vmem>>
    %dma_start3A_61 = arith.constant 0 : i32
    %dma_start3A_62 = tpu.memref_slice %arg6[%dma_start3A_61] : memref<128xi32, #tpu.memory_space<vmem>> -> memref<16xi32, #tpu.memory_space<vmem>>
    %dma_start3A_63 = arith.constant 0 : i32
    %dma_start3A_64 = arith.constant 0 : i32
    %dma_start3A_65 = tpu.memref_slice %arg2[%dma_start3A_63, %dma_start3A_64] : memref<10112x128xf32, #tpu.memory_space<hbm>> -> memref<10112x128xf32, #tpu.memory_space<hbm>>
    tpu.enqueue_indirect_dma source(%dma_start3A_65 : memref<10112x128xf32, #tpu.memory_space<hbm>>) target(%dma_start3A_60 : memref<16x128xf32, #tpu.memory_space<vmem>>) offsets(%dma_start3A_62 : memref<16xi32, #tpu.memory_space<vmem>>) semaphore(%arg17 : memref<!tpu.dma_semaphore, #tpu.memory_space<semaphore_mem>>)
    %dma_wait3A_66 = arith.constant 0 : i32
    %dma_wait3A_67 = arith.constant 0 : i32
    %dma_wait3A_68 = tpu.memref_slice %arg12[%dma_wait3A_66, %dma_wait3A_67] : memref<128x128xf32, #tpu.memory_space<vmem>> -> memref<16x128xf32, #tpu.memory_space<vmem>>
    %dma_wait3A_69 = arith.constant 0 : i32
    %dma_wait3A_70 = tpu.memref_slice %arg6[%dma_wait3A_69] : memref<128xi32, #tpu.memory_space<vmem>> -> memref<16xi32, #tpu.memory_space<vmem>>
    %dma_wait3A_71 = arith.constant 0 : i32
    %dma_wait3A_72 = arith.constant 0 : i32
    %dma_wait3A_73 = tpu.memref_slice %arg2[%dma_wait3A_71, %dma_wait3A_72] : memref<10112x128xf32, #tpu.memory_space<hbm>> -> memref<10112x128xf32, #tpu.memory_space<hbm>>
    tpu.wait_indirect_dma semaphore(%arg17 : memref<!tpu.dma_semaphore, #tpu.memory_space<semaphore_mem>>) src(%dma_wait3A_73 : memref<10112x128xf32, #tpu.memory_space<hbm>>) dst(%dma_wait3A_68 : memref<16x128xf32, #tpu.memory_space<vmem>>)
    "tpu.region"() ({
      %run_scoped3A = tpu.sem_alloc : memref<!tpu.dma_semaphore, #tpu.memory_space<semaphore_mem>>
      %dma_start3A_78 = arith.constant 0 : i32
      %dma_start3A_79 = arith.constant 0 : i32
      %dma_start3A_80 = tpu.memref_slice %arg12[%dma_start3A_78, %dma_start3A_79] : memref<128x128xf32, #tpu.memory_space<vmem>> -> memref<16x128xf32, #tpu.memory_space<vmem>>
      %dma_start3A_81 = arith.constant 0 : i32
      %dma_start3A_82 = arith.constant 0 : i32
      %dma_start3A_83 = tpu.memref_slice %arg16[%dma_start3A_81, %dma_start3A_82] : memref<10112x128xf32, #tpu.memory_space<vmem_shared>> -> memref<10112x128xf32, #tpu.memory_space<vmem_shared>>
      tpu.enqueue_indirect_dma source(%dma_start3A_80 : memref<16x128xf32, #tpu.memory_space<vmem>>) target(%dma_start3A_83 : memref<10112x128xf32, #tpu.memory_space<vmem_shared>>) offsets(%arg15 : memref<16xi32, #tpu.memory_space<vmem>>) semaphore(%run_scoped3A : memref<!tpu.dma_semaphore, #tpu.memory_space<semaphore_mem>>) {add = true}
      %dma_wait3A_84 = arith.constant 0 : i32
      %dma_wait3A_85 = arith.constant 0 : i32
      %dma_wait3A_86 = tpu.memref_slice %arg12[%dma_wait3A_84, %dma_wait3A_85] : memref<128x128xf32, #tpu.memory_space<vmem>> -> memref<16x128xf32, #tpu.memory_space<vmem>>
      %dma_wait3A_87 = arith.constant 0 : i32
      %dma_wait3A_88 = arith.constant 0 : i32
      %dma_wait3A_89 = tpu.memref_slice %arg16[%dma_wait3A_87, %dma_wait3A_88] : memref<10112x128xf32, #tpu.memory_space<vmem_shared>> -> memref<10112x128xf32, #tpu.memory_space<vmem_shared>>
      tpu.wait_indirect_dma semaphore(%run_scoped3A : memref<!tpu.dma_semaphore, #tpu.memory_space<semaphore_mem>>) src(%dma_wait3A_86 : memref<16x128xf32, #tpu.memory_space<vmem>>) dst(%dma_wait3A_89 : memref<10112x128xf32, #tpu.memory_space<vmem_shared>>)
      tpu.yield
    }) : () -> ()
    %barrier3A_74 = arith.constant 0 : index
    tpu.barrier barrier_id(%barrier3A_74)
    %mul3A_75 = arith.constant 10112 : i32
    %mul3A_76 = arith.muli %arg0, %mul3A_75 : i32
    %add3A_77 = arith.addi %mul3A_76, %mul3A_2 : i32
    "tpu.region"() ({
      %run_scoped3A = tpu.sem_alloc : memref<!tpu.dma_semaphore, #tpu.memory_space<semaphore_mem>>
      %dma_start3A_78 = arith.constant 0 : i32
      %dma_start3A_79 = tpu.memref_slice %arg5[%add3A_77, %dma_start3A_78] : memref<20224x128xf32, #tpu.memory_space<hbm>> -> memref<632x128xf32, #tpu.memory_space<hbm>>
      %dma_start3A_80 = arith.constant 0 : i32
      %dma_start3A_81 = tpu.memref_slice %arg16[%mul3A_2, %dma_start3A_80] : memref<10112x128xf32, #tpu.memory_space<vmem_shared>> -> memref<632x128xf32, #tpu.memory_space<vmem_shared>>
      tpu.enqueue_dma source(%dma_start3A_81 : memref<632x128xf32, #tpu.memory_space<vmem_shared>>) target(%dma_start3A_79 : memref<632x128xf32, #tpu.memory_space<hbm>>) target_semaphore(%run_scoped3A : memref<!tpu.dma_semaphore, #tpu.memory_space<semaphore_mem>>)
      %dma_wait3A_82 = arith.constant 0 : i32
      %dma_wait3A_83 = tpu.memref_slice %arg5[%add3A_77, %dma_wait3A_82] : memref<20224x128xf32, #tpu.memory_space<hbm>> -> memref<632x128xf32, #tpu.memory_space<hbm>>
      %dma_wait3A_84 = arith.constant 0 : i32
      %dma_wait3A_85 = tpu.memref_slice %arg16[%mul3A_2, %dma_wait3A_84] : memref<10112x128xf32, #tpu.memory_space<vmem_shared>> -> memref<632x128xf32, #tpu.memory_space<vmem_shared>>
      tpu.wait_dma2 semaphore(%run_scoped3A : memref<!tpu.dma_semaphore, #tpu.memory_space<semaphore_mem>>) src(%dma_wait3A_85 : memref<632x128xf32, #tpu.memory_space<vmem_shared>>) dst(%dma_wait3A_83 : memref<632x128xf32, #tpu.memory_space<hbm>>)
      tpu.yield
    }) : () -> ()
    return
  }
}

#map = affine_map<(d0, d1) -> (0, 0)>
#map1 = affine_map<(d0, d1) -> (0)>
module attributes {stable_mosaic.version = 14 : i64} {
  func.func @agg(%arg0: i32, %arg1: i32, %arg2: memref<10112x128xf32, #tpu.memory_space<hbm>>, %arg3: memref<640000xi32, #tpu.memory_space<hbm>>, %arg4: memref<10112x128xf32, #tpu.memory_space<hbm>>, %arg5: memref<20224x128xf32, #tpu.memory_space<hbm>>, %arg6: memref<128xi32, #tpu.memory_space<vmem>>, %arg7: memref<128xi32, #tpu.memory_space<vmem>>, %arg8: memref<128xi32, #tpu.memory_space<vmem>>, %arg9: memref<128xi32, #tpu.memory_space<vmem>>, %arg10: memref<128xi32, #tpu.memory_space<vmem>>, %arg11: memref<128xi32, #tpu.memory_space<vmem>>, %arg12: memref<128x128xf32, #tpu.memory_space<vmem>>, %arg13: memref<128x128xf32, #tpu.memory_space<vmem>>, %arg14: memref<128x128xf32, #tpu.memory_space<vmem>>, %arg15: memref<16xi32, #tpu.memory_space<vmem>>, %arg16: memref<10112x128xf32, #tpu.memory_space<vmem_shared>>, %arg17: memref<!tpu.dma_semaphore, #tpu.memory_space<semaphore_mem>>, %arg18: memref<!tpu.dma_semaphore, #tpu.memory_space<semaphore_mem>>, %arg19: memref<!tpu.dma_semaphore, #tpu.memory_space<semaphore_mem>>, %arg20: memref<!tpu.dma_semaphore, #tpu.memory_space<semaphore_mem>>) attributes {dimension_semantics = [#tpu.dimension_semantics<core_parallel>, #tpu.dimension_semantics<subcore_parallel>], iteration_bounds = array<i64: 2, 16>, scalar_prefetch = 0 : i64, scratch_operands = 15 : i64, tpu.core_type = #tpu.core_type<sc_vector_subcore>, window_params = [{transform_indices = #map}, {transform_indices = #map1}, {transform_indices = #map}, {transform_indices = #map}]} {
    %mul3A = arith.constant 16 : i32
    %mul3A_0 = arith.muli %arg0, %mul3A : i32
    %add3A = arith.addi %mul3A_0, %arg1 : i32
    %mul3A_1 = arith.constant 632 : i32
    %mul3A_2 = arith.muli %arg1, %mul3A_1 : i32
    %mul3A_3 = arith.constant 10000 : i32
    %mul3A_4 = arith.muli %add3A, %mul3A_3 : i32
    "tpu.region"() ({
      %run_scoped3A = tpu.sem_alloc : memref<!tpu.dma_semaphore, #tpu.memory_space<semaphore_mem>>
      %dma_start3A_78 = arith.constant 0 : i32
      %dma_start3A_79 = tpu.memref_slice %arg16[%mul3A_2, %dma_start3A_78] : memref<10112x128xf32, #tpu.memory_space<vmem_shared>> -> memref<632x128xf32, #tpu.memory_space<vmem_shared>>
      %dma_start3A_80 = arith.constant 0 : i32
      %dma_start3A_81 = tpu.memref_slice %arg4[%mul3A_2, %dma_start3A_80] : memref<10112x128xf32, #tpu.memory_space<hbm>> -> memref<632x128xf32, #tpu.memory_space<hbm>>
      tpu.enqueue_dma source(%dma_start3A_81 : memref<632x128xf32, #tpu.memory_space<hbm>>) target(%dma_start3A_79 : memref<632x128xf32, #tpu.memory_space<vmem_shared>>) target_semaphore(%run_scoped3A : memref<!tpu.dma_semaphore, #tpu.memory_space<semaphore_mem>>)
      %dma_wait3A_82 = arith.constant 0 : i32
      %dma_wait3A_83 = tpu.memref_slice %arg16[%mul3A_2, %dma_wait3A_82] : memref<10112x128xf32, #tpu.memory_space<vmem_shared>> -> memref<632x128xf32, #tpu.memory_space<vmem_shared>>
      %dma_wait3A_84 = arith.constant 0 : i32
      %dma_wait3A_85 = tpu.memref_slice %arg4[%mul3A_2, %dma_wait3A_84] : memref<10112x128xf32, #tpu.memory_space<hbm>> -> memref<632x128xf32, #tpu.memory_space<hbm>>
      tpu.wait_dma2 semaphore(%run_scoped3A : memref<!tpu.dma_semaphore, #tpu.memory_space<semaphore_mem>>) src(%dma_wait3A_85 : memref<632x128xf32, #tpu.memory_space<hbm>>) dst(%dma_wait3A_83 : memref<632x128xf32, #tpu.memory_space<vmem_shared>>)
      tpu.yield
    }) : () -> ()
    %barrier3A = arith.constant 0 : index
    tpu.barrier barrier_id(%barrier3A)
    %add3A_5 = arith.constant 0 : i32
    %add3A_6 = arith.addi %mul3A_4, %add3A_5 : i32
    %dma_start3A = tpu.memref_slice %arg3[%add3A_6] : memref<640000xi32, #tpu.memory_space<hbm>> -> memref<128xi32, #tpu.memory_space<hbm>>
    %dma_start3A_7 = tpu.memref_slice %arg3[%add3A_6] : memref<640000xi32, #tpu.memory_space<hbm>> -> memref<128xi32, #tpu.memory_space<hbm>>
    tpu.enqueue_dma source(%dma_start3A_7 : memref<128xi32, #tpu.memory_space<hbm>>) target(%arg6 : memref<128xi32, #tpu.memory_space<vmem>>) target_semaphore(%arg20 : memref<!tpu.dma_semaphore, #tpu.memory_space<semaphore_mem>>)
    %add3A_8 = arith.constant 320000 : i32
    %add3A_9 = arith.addi %add3A_8, %mul3A_4 : i32
    %add3A_10 = arith.constant 0 : i32
    %add3A_11 = arith.addi %add3A_9, %add3A_10 : i32
    %dma_start3A_12 = tpu.memref_slice %arg3[%add3A_11] : memref<640000xi32, #tpu.memory_space<hbm>> -> memref<128xi32, #tpu.memory_space<hbm>>
    %dma_start3A_13 = tpu.memref_slice %arg3[%add3A_11] : memref<640000xi32, #tpu.memory_space<hbm>> -> memref<128xi32, #tpu.memory_space<hbm>>
    tpu.enqueue_dma source(%dma_start3A_13 : memref<128xi32, #tpu.memory_space<hbm>>) target(%arg9 : memref<128xi32, #tpu.memory_space<vmem>>) target_semaphore(%arg19 : memref<!tpu.dma_semaphore, #tpu.memory_space<semaphore_mem>>)
    %add3A_14 = arith.constant 128 : i32
    %add3A_15 = arith.addi %mul3A_4, %add3A_14 : i32
    %dma_start3A_16 = tpu.memref_slice %arg3[%add3A_15] : memref<640000xi32, #tpu.memory_space<hbm>> -> memref<128xi32, #tpu.memory_space<hbm>>
    %dma_start3A_17 = tpu.memref_slice %arg3[%add3A_15] : memref<640000xi32, #tpu.memory_space<hbm>> -> memref<128xi32, #tpu.memory_space<hbm>>
    tpu.enqueue_dma source(%dma_start3A_17 : memref<128xi32, #tpu.memory_space<hbm>>) target(%arg7 : memref<128xi32, #tpu.memory_space<vmem>>) target_semaphore(%arg20 : memref<!tpu.dma_semaphore, #tpu.memory_space<semaphore_mem>>)
    %add3A_18 = arith.constant 320000 : i32
    %add3A_19 = arith.addi %add3A_18, %mul3A_4 : i32
    %add3A_20 = arith.constant 128 : i32
    %add3A_21 = arith.addi %add3A_19, %add3A_20 : i32
    %dma_start3A_22 = tpu.memref_slice %arg3[%add3A_21] : memref<640000xi32, #tpu.memory_space<hbm>> -> memref<128xi32, #tpu.memory_space<hbm>>
    %dma_start3A_23 = tpu.memref_slice %arg3[%add3A_21] : memref<640000xi32, #tpu.memory_space<hbm>> -> memref<128xi32, #tpu.memory_space<hbm>>
    tpu.enqueue_dma source(%dma_start3A_23 : memref<128xi32, #tpu.memory_space<hbm>>) target(%arg10 : memref<128xi32, #tpu.memory_space<vmem>>) target_semaphore(%arg19 : memref<!tpu.dma_semaphore, #tpu.memory_space<semaphore_mem>>)
    %dma_wait3A = tpu.memref_slice %arg3[%mul3A_4] : memref<640000xi32, #tpu.memory_space<hbm>> -> memref<128xi32, #tpu.memory_space<hbm>>
    %dma_wait3A_24 = tpu.memref_slice %arg3[%mul3A_4] : memref<640000xi32, #tpu.memory_space<hbm>> -> memref<128xi32, #tpu.memory_space<hbm>>
    tpu.wait_dma2 semaphore(%arg20 : memref<!tpu.dma_semaphore, #tpu.memory_space<semaphore_mem>>) src(%dma_wait3A_24 : memref<128xi32, #tpu.memory_space<hbm>>) dst(%arg6 : memref<128xi32, #tpu.memory_space<vmem>>)
    %dma_wait3A_25 = tpu.memref_slice %arg3[%mul3A_4] : memref<640000xi32, #tpu.memory_space<hbm>> -> memref<128xi32, #tpu.memory_space<hbm>>
    %dma_wait3A_26 = tpu.memref_slice %arg3[%mul3A_4] : memref<640000xi32, #tpu.memory_space<hbm>> -> memref<128xi32, #tpu.memory_space<hbm>>
    tpu.wait_dma2 semaphore(%arg19 : memref<!tpu.dma_semaphore, #tpu.memory_space<semaphore_mem>>) src(%dma_wait3A_26 : memref<128xi32, #tpu.memory_space<hbm>>) dst(%arg9 : memref<128xi32, #tpu.memory_space<vmem>>)
    %dma_start3A_27 = arith.constant 0 : i32
    %dma_start3A_28 = arith.constant 0 : i32
    %dma_start3A_29 = tpu.memref_slice %arg2[%dma_start3A_27, %dma_start3A_28] : memref<10112x128xf32, #tpu.memory_space<hbm>> -> memref<10112x128xf32, #tpu.memory_space<hbm>>
    tpu.enqueue_indirect_dma source(%dma_start3A_29 : memref<10112x128xf32, #tpu.memory_space<hbm>>) target(%arg12 : memref<128x128xf32, #tpu.memory_space<vmem>>) offsets(%arg6 : memref<128xi32, #tpu.memory_space<vmem>>) semaphore(%arg17 : memref<!tpu.dma_semaphore, #tpu.memory_space<semaphore_mem>>)
    %scan3A = arith.constant 0 : i32
    %scan3A_30 = arith.constant 0 : i32
    %scan3A_31 = arith.constant 26 : i32
    %scan3A_32 = arith.addi %scan3A_30, %scan3A_31 : i32
    %scan3A_33 = arith.constant 1 : i32
    scf.for %scan3A_78 = %scan3A_30 to %scan3A_32 step %scan3A_33  : i32 {
      %mul3A_79 = arith.constant 3 : i32
      %mul3A_80 = arith.muli %mul3A_79, %scan3A_78 : i32
      %add3A_81 = arith.constant 0 : i32
      %add3A_82 = arith.addi %mul3A_80, %add3A_81 : i32
      %add3A_83 = arith.constant 1 : i32
      %add3A_84 = arith.addi %add3A_82, %add3A_83 : i32
      %lt3A = arith.constant 78 : i32
      %lt3A_85 = arith.cmpi slt, %add3A_84, %lt3A : i32
      %convert_element_type3A = arith.extui %lt3A_85 : i1 to i32
      %cond3A = arith.constant 0 : i32
      %cond3A_86 = arith.cmpi ne, %convert_element_type3A, %cond3A : i32
      scf.if %cond3A_86 {
        %dma_wait3A_162 = tpu.memref_slice %arg3[%mul3A_4] : memref<640000xi32, #tpu.memory_space<hbm>> -> memref<128xi32, #tpu.memory_space<hbm>>
        %dma_wait3A_163 = tpu.memref_slice %arg3[%mul3A_4] : memref<640000xi32, #tpu.memory_space<hbm>> -> memref<128xi32, #tpu.memory_space<hbm>>
        tpu.wait_dma2 semaphore(%arg20 : memref<!tpu.dma_semaphore, #tpu.memory_space<semaphore_mem>>) src(%dma_wait3A_163 : memref<128xi32, #tpu.memory_space<hbm>>) dst(%arg7 : memref<128xi32, #tpu.memory_space<vmem>>)
        %dma_wait3A_164 = tpu.memref_slice %arg3[%mul3A_4] : memref<640000xi32, #tpu.memory_space<hbm>> -> memref<128xi32, #tpu.memory_space<hbm>>
        %dma_wait3A_165 = tpu.memref_slice %arg3[%mul3A_4] : memref<640000xi32, #tpu.memory_space<hbm>> -> memref<128xi32, #tpu.memory_space<hbm>>
        tpu.wait_dma2 semaphore(%arg19 : memref<!tpu.dma_semaphore, #tpu.memory_space<semaphore_mem>>) src(%dma_wait3A_165 : memref<128xi32, #tpu.memory_space<hbm>>) dst(%arg10 : memref<128xi32, #tpu.memory_space<vmem>>)
        %dma_start3A_166 = arith.constant 0 : i32
        %dma_start3A_167 = arith.constant 0 : i32
        %dma_start3A_168 = tpu.memref_slice %arg2[%dma_start3A_166, %dma_start3A_167] : memref<10112x128xf32, #tpu.memory_space<hbm>> -> memref<10112x128xf32, #tpu.memory_space<hbm>>
        tpu.enqueue_indirect_dma source(%dma_start3A_168 : memref<10112x128xf32, #tpu.memory_space<hbm>>) target(%arg13 : memref<128x128xf32, #tpu.memory_space<vmem>>) offsets(%arg7 : memref<128xi32, #tpu.memory_space<vmem>>) semaphore(%arg17 : memref<!tpu.dma_semaphore, #tpu.memory_space<semaphore_mem>>)
      } else {
      }
      %dma_wait3A_87 = arith.constant 0 : i32
      %dma_wait3A_88 = arith.constant 0 : i32
      %dma_wait3A_89 = tpu.memref_slice %arg2[%dma_wait3A_87, %dma_wait3A_88] : memref<10112x128xf32, #tpu.memory_space<hbm>> -> memref<10112x128xf32, #tpu.memory_space<hbm>>
      tpu.wait_indirect_dma semaphore(%arg17 : memref<!tpu.dma_semaphore, #tpu.memory_space<semaphore_mem>>) src(%dma_wait3A_89 : memref<10112x128xf32, #tpu.memory_space<hbm>>) dst(%arg12 : memref<128x128xf32, #tpu.memory_space<vmem>>)
      %dma_start3A_90 = arith.constant 0 : i32
      %dma_start3A_91 = arith.constant 0 : i32
      %dma_start3A_92 = tpu.memref_slice %arg16[%dma_start3A_90, %dma_start3A_91] : memref<10112x128xf32, #tpu.memory_space<vmem_shared>> -> memref<10112x128xf32, #tpu.memory_space<vmem_shared>>
      tpu.enqueue_indirect_dma source(%arg12 : memref<128x128xf32, #tpu.memory_space<vmem>>) target(%dma_start3A_92 : memref<10112x128xf32, #tpu.memory_space<vmem_shared>>) offsets(%arg9 : memref<128xi32, #tpu.memory_space<vmem>>) semaphore(%arg18 : memref<!tpu.dma_semaphore, #tpu.memory_space<semaphore_mem>>) {add = true}
      %ge3A = arith.constant 1 : i32
      %ge3A_93 = arith.cmpi sge, %add3A_82, %ge3A : i32
      %convert_element_type3A_94 = arith.extui %ge3A_93 : i1 to i32
      %cond3A_95 = arith.constant 0 : i32
      %cond3A_96 = arith.cmpi ne, %convert_element_type3A_94, %cond3A_95 : i32
      scf.if %cond3A_96 {
        %dma_wait3A_162 = arith.constant 0 : i32
        %dma_wait3A_163 = arith.constant 0 : i32
        %dma_wait3A_164 = tpu.memref_slice %arg16[%dma_wait3A_162, %dma_wait3A_163] : memref<10112x128xf32, #tpu.memory_space<vmem_shared>> -> memref<10112x128xf32, #tpu.memory_space<vmem_shared>>
        tpu.wait_indirect_dma semaphore(%arg18 : memref<!tpu.dma_semaphore, #tpu.memory_space<semaphore_mem>>) src(%arg12 : memref<128x128xf32, #tpu.memory_space<vmem>>) dst(%dma_wait3A_164 : memref<10112x128xf32, #tpu.memory_space<vmem_shared>>)
      } else {
      }
      %add3A_97 = arith.constant 2 : i32
      %add3A_98 = arith.addi %add3A_82, %add3A_97 : i32
      %lt3A_99 = arith.constant 78 : i32
      %lt3A_100 = arith.cmpi slt, %add3A_98, %lt3A_99 : i32
      %convert_element_type3A_101 = arith.extui %lt3A_100 : i1 to i32
      %cond3A_102 = arith.constant 0 : i32
      %cond3A_103 = arith.cmpi ne, %convert_element_type3A_101, %cond3A_102 : i32
      scf.if %cond3A_103 {
        %add3A_162 = arith.constant 2 : i32
        %add3A_163 = arith.addi %add3A_82, %add3A_162 : i32
        %mul3A_164 = arith.constant 128 : i32
        %mul3A_165 = arith.muli %add3A_163, %mul3A_164 : i32
        %add3A_166 = arith.addi %mul3A_4, %mul3A_165 : i32
        %dma_start3A_167 = tpu.memref_slice %arg3[%add3A_166] : memref<640000xi32, #tpu.memory_space<hbm>> -> memref<128xi32, #tpu.memory_space<hbm>>
        %dma_start3A_168 = tpu.memref_slice %arg3[%add3A_166] : memref<640000xi32, #tpu.memory_space<hbm>> -> memref<128xi32, #tpu.memory_space<hbm>>
        tpu.enqueue_dma source(%dma_start3A_168 : memref<128xi32, #tpu.memory_space<hbm>>) target(%arg8 : memref<128xi32, #tpu.memory_space<vmem>>) target_semaphore(%arg20 : memref<!tpu.dma_semaphore, #tpu.memory_space<semaphore_mem>>)
        %add3A_169 = arith.constant 320000 : i32
        %add3A_170 = arith.addi %add3A_169, %mul3A_4 : i32
        %mul3A_171 = arith.constant 128 : i32
        %mul3A_172 = arith.muli %add3A_163, %mul3A_171 : i32
        %add3A_173 = arith.addi %add3A_170, %mul3A_172 : i32
        %dma_start3A_174 = tpu.memref_slice %arg3[%add3A_173] : memref<640000xi32, #tpu.memory_space<hbm>> -> memref<128xi32, #tpu.memory_space<hbm>>
        %dma_start3A_175 = tpu.memref_slice %arg3[%add3A_173] : memref<640000xi32, #tpu.memory_space<hbm>> -> memref<128xi32, #tpu.memory_space<hbm>>
        tpu.enqueue_dma source(%dma_start3A_175 : memref<128xi32, #tpu.memory_space<hbm>>) target(%arg11 : memref<128xi32, #tpu.memory_space<vmem>>) target_semaphore(%arg19 : memref<!tpu.dma_semaphore, #tpu.memory_space<semaphore_mem>>)
      } else {
      }
      %mul3A_104 = arith.constant 3 : i32
      %mul3A_105 = arith.muli %mul3A_104, %scan3A_78 : i32
      %add3A_106 = arith.constant 1 : i32
      %add3A_107 = arith.addi %mul3A_105, %add3A_106 : i32
      %add3A_108 = arith.constant 1 : i32
      %add3A_109 = arith.addi %add3A_107, %add3A_108 : i32
      %lt3A_110 = arith.constant 78 : i32
      %lt3A_111 = arith.cmpi slt, %add3A_109, %lt3A_110 : i32
      %convert_element_type3A_112 = arith.extui %lt3A_111 : i1 to i32
      %cond3A_113 = arith.constant 0 : i32
      %cond3A_114 = arith.cmpi ne, %convert_element_type3A_112, %cond3A_113 : i32
      scf.if %cond3A_114 {
        %dma_wait3A_162 = tpu.memref_slice %arg3[%mul3A_4] : memref<640000xi32, #tpu.memory_space<hbm>> -> memref<128xi32, #tpu.memory_space<hbm>>
        %dma_wait3A_163 = tpu.memref_slice %arg3[%mul3A_4] : memref<640000xi32, #tpu.memory_space<hbm>> -> memref<128xi32, #tpu.memory_space<hbm>>
        tpu.wait_dma2 semaphore(%arg20 : memref<!tpu.dma_semaphore, #tpu.memory_space<semaphore_mem>>) src(%dma_wait3A_163 : memref<128xi32, #tpu.memory_space<hbm>>) dst(%arg8 : memref<128xi32, #tpu.memory_space<vmem>>)
        %dma_wait3A_164 = tpu.memref_slice %arg3[%mul3A_4] : memref<640000xi32, #tpu.memory_space<hbm>> -> memref<128xi32, #tpu.memory_space<hbm>>
        %dma_wait3A_165 = tpu.memref_slice %arg3[%mul3A_4] : memref<640000xi32, #tpu.memory_space<hbm>> -> memref<128xi32, #tpu.memory_space<hbm>>
        tpu.wait_dma2 semaphore(%arg19 : memref<!tpu.dma_semaphore, #tpu.memory_space<semaphore_mem>>) src(%dma_wait3A_165 : memref<128xi32, #tpu.memory_space<hbm>>) dst(%arg11 : memref<128xi32, #tpu.memory_space<vmem>>)
        %dma_start3A_166 = arith.constant 0 : i32
        %dma_start3A_167 = arith.constant 0 : i32
        %dma_start3A_168 = tpu.memref_slice %arg2[%dma_start3A_166, %dma_start3A_167] : memref<10112x128xf32, #tpu.memory_space<hbm>> -> memref<10112x128xf32, #tpu.memory_space<hbm>>
        tpu.enqueue_indirect_dma source(%dma_start3A_168 : memref<10112x128xf32, #tpu.memory_space<hbm>>) target(%arg14 : memref<128x128xf32, #tpu.memory_space<vmem>>) offsets(%arg8 : memref<128xi32, #tpu.memory_space<vmem>>) semaphore(%arg17 : memref<!tpu.dma_semaphore, #tpu.memory_space<semaphore_mem>>)
      } else {
      }
      %dma_wait3A_115 = arith.constant 0 : i32
      %dma_wait3A_116 = arith.constant 0 : i32
      %dma_wait3A_117 = tpu.memref_slice %arg2[%dma_wait3A_115, %dma_wait3A_116] : memref<10112x128xf32, #tpu.memory_space<hbm>> -> memref<10112x128xf32, #tpu.memory_space<hbm>>
      tpu.wait_indirect_dma semaphore(%arg17 : memref<!tpu.dma_semaphore, #tpu.memory_space<semaphore_mem>>) src(%dma_wait3A_117 : memref<10112x128xf32, #tpu.memory_space<hbm>>) dst(%arg13 : memref<128x128xf32, #tpu.memory_space<vmem>>)
      %dma_start3A_118 = arith.constant 0 : i32
      %dma_start3A_119 = arith.constant 0 : i32
      %dma_start3A_120 = tpu.memref_slice %arg16[%dma_start3A_118, %dma_start3A_119] : memref<10112x128xf32, #tpu.memory_space<vmem_shared>> -> memref<10112x128xf32, #tpu.memory_space<vmem_shared>>
      tpu.enqueue_indirect_dma source(%arg13 : memref<128x128xf32, #tpu.memory_space<vmem>>) target(%dma_start3A_120 : memref<10112x128xf32, #tpu.memory_space<vmem_shared>>) offsets(%arg10 : memref<128xi32, #tpu.memory_space<vmem>>) semaphore(%arg18 : memref<!tpu.dma_semaphore, #tpu.memory_space<semaphore_mem>>) {add = true}
      %ge3A_121 = arith.constant 1 : i32
      %ge3A_122 = arith.cmpi sge, %add3A_107, %ge3A_121 : i32
      %convert_element_type3A_123 = arith.extui %ge3A_122 : i1 to i32
      %cond3A_124 = arith.constant 0 : i32
      %cond3A_125 = arith.cmpi ne, %convert_element_type3A_123, %cond3A_124 : i32
      scf.if %cond3A_125 {
        %dma_wait3A_162 = arith.constant 0 : i32
        %dma_wait3A_163 = arith.constant 0 : i32
        %dma_wait3A_164 = tpu.memref_slice %arg16[%dma_wait3A_162, %dma_wait3A_163] : memref<10112x128xf32, #tpu.memory_space<vmem_shared>> -> memref<10112x128xf32, #tpu.memory_space<vmem_shared>>
        tpu.wait_indirect_dma semaphore(%arg18 : memref<!tpu.dma_semaphore, #tpu.memory_space<semaphore_mem>>) src(%arg12 : memref<128x128xf32, #tpu.memory_space<vmem>>) dst(%dma_wait3A_164 : memref<10112x128xf32, #tpu.memory_space<vmem_shared>>)
      } else {
      }
      %add3A_126 = arith.constant 2 : i32
      %add3A_127 = arith.addi %add3A_107, %add3A_126 : i32
      %lt3A_128 = arith.constant 78 : i32
      %lt3A_129 = arith.cmpi slt, %add3A_127, %lt3A_128 : i32
      %convert_element_type3A_130 = arith.extui %lt3A_129 : i1 to i32
      %cond3A_131 = arith.constant 0 : i32
      %cond3A_132 = arith.cmpi ne, %convert_element_type3A_130, %cond3A_131 : i32
      scf.if %cond3A_132 {
        %add3A_162 = arith.constant 2 : i32
        %add3A_163 = arith.addi %add3A_107, %add3A_162 : i32
        %mul3A_164 = arith.constant 128 : i32
        %mul3A_165 = arith.muli %add3A_163, %mul3A_164 : i32
        %add3A_166 = arith.addi %mul3A_4, %mul3A_165 : i32
        %dma_start3A_167 = tpu.memref_slice %arg3[%add3A_166] : memref<640000xi32, #tpu.memory_space<hbm>> -> memref<128xi32, #tpu.memory_space<hbm>>
        %dma_start3A_168 = tpu.memref_slice %arg3[%add3A_166] : memref<640000xi32, #tpu.memory_space<hbm>> -> memref<128xi32, #tpu.memory_space<hbm>>
        tpu.enqueue_dma source(%dma_start3A_168 : memref<128xi32, #tpu.memory_space<hbm>>) target(%arg6 : memref<128xi32, #tpu.memory_space<vmem>>) target_semaphore(%arg20 : memref<!tpu.dma_semaphore, #tpu.memory_space<semaphore_mem>>)
        %add3A_169 = arith.constant 320000 : i32
        %add3A_170 = arith.addi %add3A_169, %mul3A_4 : i32
        %mul3A_171 = arith.constant 128 : i32
        %mul3A_172 = arith.muli %add3A_163, %mul3A_171 : i32
        %add3A_173 = arith.addi %add3A_170, %mul3A_172 : i32
        %dma_start3A_174 = tpu.memref_slice %arg3[%add3A_173] : memref<640000xi32, #tpu.memory_space<hbm>> -> memref<128xi32, #tpu.memory_space<hbm>>
        %dma_start3A_175 = tpu.memref_slice %arg3[%add3A_173] : memref<640000xi32, #tpu.memory_space<hbm>> -> memref<128xi32, #tpu.memory_space<hbm>>
        tpu.enqueue_dma source(%dma_start3A_175 : memref<128xi32, #tpu.memory_space<hbm>>) target(%arg9 : memref<128xi32, #tpu.memory_space<vmem>>) target_semaphore(%arg19 : memref<!tpu.dma_semaphore, #tpu.memory_space<semaphore_mem>>)
      } else {
      }
      %mul3A_133 = arith.constant 3 : i32
      %mul3A_134 = arith.muli %mul3A_133, %scan3A_78 : i32
      %add3A_135 = arith.constant 2 : i32
      %add3A_136 = arith.addi %mul3A_134, %add3A_135 : i32
      %add3A_137 = arith.constant 1 : i32
      %add3A_138 = arith.addi %add3A_136, %add3A_137 : i32
      %lt3A_139 = arith.constant 78 : i32
      %lt3A_140 = arith.cmpi slt, %add3A_138, %lt3A_139 : i32
      %convert_element_type3A_141 = arith.extui %lt3A_140 : i1 to i32
      %cond3A_142 = arith.constant 0 : i32
      %cond3A_143 = arith.cmpi ne, %convert_element_type3A_141, %cond3A_142 : i32
      scf.if %cond3A_143 {
        %dma_wait3A_162 = tpu.memref_slice %arg3[%mul3A_4] : memref<640000xi32, #tpu.memory_space<hbm>> -> memref<128xi32, #tpu.memory_space<hbm>>
        %dma_wait3A_163 = tpu.memref_slice %arg3[%mul3A_4] : memref<640000xi32, #tpu.memory_space<hbm>> -> memref<128xi32, #tpu.memory_space<hbm>>
        tpu.wait_dma2 semaphore(%arg20 : memref<!tpu.dma_semaphore, #tpu.memory_space<semaphore_mem>>) src(%dma_wait3A_163 : memref<128xi32, #tpu.memory_space<hbm>>) dst(%arg6 : memref<128xi32, #tpu.memory_space<vmem>>)
        %dma_wait3A_164 = tpu.memref_slice %arg3[%mul3A_4] : memref<640000xi32, #tpu.memory_space<hbm>> -> memref<128xi32, #tpu.memory_space<hbm>>
        %dma_wait3A_165 = tpu.memref_slice %arg3[%mul3A_4] : memref<640000xi32, #tpu.memory_space<hbm>> -> memref<128xi32, #tpu.memory_space<hbm>>
        tpu.wait_dma2 semaphore(%arg19 : memref<!tpu.dma_semaphore, #tpu.memory_space<semaphore_mem>>) src(%dma_wait3A_165 : memref<128xi32, #tpu.memory_space<hbm>>) dst(%arg9 : memref<128xi32, #tpu.memory_space<vmem>>)
        %dma_start3A_166 = arith.constant 0 : i32
        %dma_start3A_167 = arith.constant 0 : i32
        %dma_start3A_168 = tpu.memref_slice %arg2[%dma_start3A_166, %dma_start3A_167] : memref<10112x128xf32, #tpu.memory_space<hbm>> -> memref<10112x128xf32, #tpu.memory_space<hbm>>
        tpu.enqueue_indirect_dma source(%dma_start3A_168 : memref<10112x128xf32, #tpu.memory_space<hbm>>) target(%arg12 : memref<128x128xf32, #tpu.memory_space<vmem>>) offsets(%arg6 : memref<128xi32, #tpu.memory_space<vmem>>) semaphore(%arg17 : memref<!tpu.dma_semaphore, #tpu.memory_space<semaphore_mem>>)
      } else {
      }
      %dma_wait3A_144 = arith.constant 0 : i32
      %dma_wait3A_145 = arith.constant 0 : i32
      %dma_wait3A_146 = tpu.memref_slice %arg2[%dma_wait3A_144, %dma_wait3A_145] : memref<10112x128xf32, #tpu.memory_space<hbm>> -> memref<10112x128xf32, #tpu.memory_space<hbm>>
      tpu.wait_indirect_dma semaphore(%arg17 : memref<!tpu.dma_semaphore, #tpu.memory_space<semaphore_mem>>) src(%dma_wait3A_146 : memref<10112x128xf32, #tpu.memory_space<hbm>>) dst(%arg14 : memref<128x128xf32, #tpu.memory_space<vmem>>)
      %dma_start3A_147 = arith.constant 0 : i32
      %dma_start3A_148 = arith.constant 0 : i32
      %dma_start3A_149 = tpu.memref_slice %arg16[%dma_start3A_147, %dma_start3A_148] : memref<10112x128xf32, #tpu.memory_space<vmem_shared>> -> memref<10112x128xf32, #tpu.memory_space<vmem_shared>>
      tpu.enqueue_indirect_dma source(%arg14 : memref<128x128xf32, #tpu.memory_space<vmem>>) target(%dma_start3A_149 : memref<10112x128xf32, #tpu.memory_space<vmem_shared>>) offsets(%arg11 : memref<128xi32, #tpu.memory_space<vmem>>) semaphore(%arg18 : memref<!tpu.dma_semaphore, #tpu.memory_space<semaphore_mem>>) {add = true}
      %ge3A_150 = arith.constant 1 : i32
      %ge3A_151 = arith.cmpi sge, %add3A_136, %ge3A_150 : i32
      %convert_element_type3A_152 = arith.extui %ge3A_151 : i1 to i32
      %cond3A_153 = arith.constant 0 : i32
      %cond3A_154 = arith.cmpi ne, %convert_element_type3A_152, %cond3A_153 : i32
      scf.if %cond3A_154 {
        %dma_wait3A_162 = arith.constant 0 : i32
        %dma_wait3A_163 = arith.constant 0 : i32
        %dma_wait3A_164 = tpu.memref_slice %arg16[%dma_wait3A_162, %dma_wait3A_163] : memref<10112x128xf32, #tpu.memory_space<vmem_shared>> -> memref<10112x128xf32, #tpu.memory_space<vmem_shared>>
        tpu.wait_indirect_dma semaphore(%arg18 : memref<!tpu.dma_semaphore, #tpu.memory_space<semaphore_mem>>) src(%arg12 : memref<128x128xf32, #tpu.memory_space<vmem>>) dst(%dma_wait3A_164 : memref<10112x128xf32, #tpu.memory_space<vmem_shared>>)
      } else {
      }
      %add3A_155 = arith.constant 2 : i32
      %add3A_156 = arith.addi %add3A_136, %add3A_155 : i32
      %lt3A_157 = arith.constant 78 : i32
      %lt3A_158 = arith.cmpi slt, %add3A_156, %lt3A_157 : i32
      %convert_element_type3A_159 = arith.extui %lt3A_158 : i1 to i32
      %cond3A_160 = arith.constant 0 : i32
      %cond3A_161 = arith.cmpi ne, %convert_element_type3A_159, %cond3A_160 : i32
      scf.if %cond3A_161 {
        %add3A_162 = arith.constant 2 : i32
        %add3A_163 = arith.addi %add3A_136, %add3A_162 : i32
        %mul3A_164 = arith.constant 128 : i32
        %mul3A_165 = arith.muli %add3A_163, %mul3A_164 : i32
        %add3A_166 = arith.addi %mul3A_4, %mul3A_165 : i32
        %dma_start3A_167 = tpu.memref_slice %arg3[%add3A_166] : memref<640000xi32, #tpu.memory_space<hbm>> -> memref<128xi32, #tpu.memory_space<hbm>>
        %dma_start3A_168 = tpu.memref_slice %arg3[%add3A_166] : memref<640000xi32, #tpu.memory_space<hbm>> -> memref<128xi32, #tpu.memory_space<hbm>>
        tpu.enqueue_dma source(%dma_start3A_168 : memref<128xi32, #tpu.memory_space<hbm>>) target(%arg7 : memref<128xi32, #tpu.memory_space<vmem>>) target_semaphore(%arg20 : memref<!tpu.dma_semaphore, #tpu.memory_space<semaphore_mem>>)
        %add3A_169 = arith.constant 320000 : i32
        %add3A_170 = arith.addi %add3A_169, %mul3A_4 : i32
        %mul3A_171 = arith.constant 128 : i32
        %mul3A_172 = arith.muli %add3A_163, %mul3A_171 : i32
        %add3A_173 = arith.addi %add3A_170, %mul3A_172 : i32
        %dma_start3A_174 = tpu.memref_slice %arg3[%add3A_173] : memref<640000xi32, #tpu.memory_space<hbm>> -> memref<128xi32, #tpu.memory_space<hbm>>
        %dma_start3A_175 = tpu.memref_slice %arg3[%add3A_173] : memref<640000xi32, #tpu.memory_space<hbm>> -> memref<128xi32, #tpu.memory_space<hbm>>
        tpu.enqueue_dma source(%dma_start3A_175 : memref<128xi32, #tpu.memory_space<hbm>>) target(%arg10 : memref<128xi32, #tpu.memory_space<vmem>>) target_semaphore(%arg19 : memref<!tpu.dma_semaphore, #tpu.memory_space<semaphore_mem>>)
      } else {
      }
    }
    %scan3A_34 = arith.constant 26 : i32
    %dma_wait3A_35 = arith.constant 0 : i32
    %dma_wait3A_36 = arith.constant 0 : i32
    %dma_wait3A_37 = tpu.memref_slice %arg16[%dma_wait3A_35, %dma_wait3A_36] : memref<10112x128xf32, #tpu.memory_space<vmem_shared>> -> memref<10112x128xf32, #tpu.memory_space<vmem_shared>>
    tpu.wait_indirect_dma semaphore(%arg18 : memref<!tpu.dma_semaphore, #tpu.memory_space<semaphore_mem>>) src(%arg12 : memref<128x128xf32, #tpu.memory_space<vmem>>) dst(%dma_wait3A_37 : memref<10112x128xf32, #tpu.memory_space<vmem_shared>>)
    %add3A_38 = arith.constant 9984 : i32
    %add3A_39 = arith.addi %mul3A_4, %add3A_38 : i32
    %dma_start3A_40 = arith.constant 0 : i32
    %dma_start3A_41 = tpu.memref_slice %arg6[%dma_start3A_40] : memref<128xi32, #tpu.memory_space<vmem>> -> memref<16xi32, #tpu.memory_space<vmem>>
    %dma_start3A_42 = tpu.memref_slice %arg3[%add3A_39] : memref<640000xi32, #tpu.memory_space<hbm>> -> memref<16xi32, #tpu.memory_space<hbm>>
    %dma_start3A_43 = arith.constant 0 : i32
    %dma_start3A_44 = tpu.memref_slice %arg6[%dma_start3A_43] : memref<128xi32, #tpu.memory_space<vmem>> -> memref<16xi32, #tpu.memory_space<vmem>>
    %dma_start3A_45 = tpu.memref_slice %arg3[%add3A_39] : memref<640000xi32, #tpu.memory_space<hbm>> -> memref<16xi32, #tpu.memory_space<hbm>>
    tpu.enqueue_dma source(%dma_start3A_45 : memref<16xi32, #tpu.memory_space<hbm>>) target(%dma_start3A_44 : memref<16xi32, #tpu.memory_space<vmem>>) target_semaphore(%arg20 : memref<!tpu.dma_semaphore, #tpu.memory_space<semaphore_mem>>)
    %add3A_46 = arith.constant 320000 : i32
    %add3A_47 = arith.addi %add3A_46, %add3A_39 : i32
    %dma_start3A_48 = tpu.memref_slice %arg3[%add3A_47] : memref<640000xi32, #tpu.memory_space<hbm>> -> memref<16xi32, #tpu.memory_space<hbm>>
    %dma_start3A_49 = tpu.memref_slice %arg3[%add3A_47] : memref<640000xi32, #tpu.memory_space<hbm>> -> memref<16xi32, #tpu.memory_space<hbm>>
    tpu.enqueue_dma source(%dma_start3A_49 : memref<16xi32, #tpu.memory_space<hbm>>) target(%arg15 : memref<16xi32, #tpu.memory_space<vmem>>) target_semaphore(%arg19 : memref<!tpu.dma_semaphore, #tpu.memory_space<semaphore_mem>>)
    %dma_wait3A_50 = arith.constant 0 : i32
    %dma_wait3A_51 = tpu.memref_slice %arg6[%dma_wait3A_50] : memref<128xi32, #tpu.memory_space<vmem>> -> memref<16xi32, #tpu.memory_space<vmem>>
    %dma_wait3A_52 = tpu.memref_slice %arg3[%mul3A_4] : memref<640000xi32, #tpu.memory_space<hbm>> -> memref<16xi32, #tpu.memory_space<hbm>>
    %dma_wait3A_53 = arith.constant 0 : i32
    %dma_wait3A_54 = tpu.memref_slice %arg6[%dma_wait3A_53] : memref<128xi32, #tpu.memory_space<vmem>> -> memref<16xi32, #tpu.memory_space<vmem>>
    %dma_wait3A_55 = tpu.memref_slice %arg3[%mul3A_4] : memref<640000xi32, #tpu.memory_space<hbm>> -> memref<16xi32, #tpu.memory_space<hbm>>
    tpu.wait_dma2 semaphore(%arg20 : memref<!tpu.dma_semaphore, #tpu.memory_space<semaphore_mem>>) src(%dma_wait3A_55 : memref<16xi32, #tpu.memory_space<hbm>>) dst(%dma_wait3A_54 : memref<16xi32, #tpu.memory_space<vmem>>)
    %dma_wait3A_56 = tpu.memref_slice %arg3[%mul3A_4] : memref<640000xi32, #tpu.memory_space<hbm>> -> memref<16xi32, #tpu.memory_space<hbm>>
    %dma_wait3A_57 = tpu.memref_slice %arg3[%mul3A_4] : memref<640000xi32, #tpu.memory_space<hbm>> -> memref<16xi32, #tpu.memory_space<hbm>>
    tpu.wait_dma2 semaphore(%arg19 : memref<!tpu.dma_semaphore, #tpu.memory_space<semaphore_mem>>) src(%dma_wait3A_57 : memref<16xi32, #tpu.memory_space<hbm>>) dst(%arg15 : memref<16xi32, #tpu.memory_space<vmem>>)
    %dma_start3A_58 = arith.constant 0 : i32
    %dma_start3A_59 = arith.constant 0 : i32
    %dma_start3A_60 = tpu.memref_slice %arg12[%dma_start3A_58, %dma_start3A_59] : memref<128x128xf32, #tpu.memory_space<vmem>> -> memref<16x128xf32, #tpu.memory_space<vmem>>
    %dma_start3A_61 = arith.constant 0 : i32
    %dma_start3A_62 = tpu.memref_slice %arg6[%dma_start3A_61] : memref<128xi32, #tpu.memory_space<vmem>> -> memref<16xi32, #tpu.memory_space<vmem>>
    %dma_start3A_63 = arith.constant 0 : i32
    %dma_start3A_64 = arith.constant 0 : i32
    %dma_start3A_65 = tpu.memref_slice %arg2[%dma_start3A_63, %dma_start3A_64] : memref<10112x128xf32, #tpu.memory_space<hbm>> -> memref<10112x128xf32, #tpu.memory_space<hbm>>
    tpu.enqueue_indirect_dma source(%dma_start3A_65 : memref<10112x128xf32, #tpu.memory_space<hbm>>) target(%dma_start3A_60 : memref<16x128xf32, #tpu.memory_space<vmem>>) offsets(%dma_start3A_62 : memref<16xi32, #tpu.memory_space<vmem>>) semaphore(%arg17 : memref<!tpu.dma_semaphore, #tpu.memory_space<semaphore_mem>>)
    %dma_wait3A_66 = arith.constant 0 : i32
    %dma_wait3A_67 = arith.constant 0 : i32
    %dma_wait3A_68 = tpu.memref_slice %arg12[%dma_wait3A_66, %dma_wait3A_67] : memref<128x128xf32, #tpu.memory_space<vmem>> -> memref<16x128xf32, #tpu.memory_space<vmem>>
    %dma_wait3A_69 = arith.constant 0 : i32
    %dma_wait3A_70 = tpu.memref_slice %arg6[%dma_wait3A_69] : memref<128xi32, #tpu.memory_space<vmem>> -> memref<16xi32, #tpu.memory_space<vmem>>
    %dma_wait3A_71 = arith.constant 0 : i32
    %dma_wait3A_72 = arith.constant 0 : i32
    %dma_wait3A_73 = tpu.memref_slice %arg2[%dma_wait3A_71, %dma_wait3A_72] : memref<10112x128xf32, #tpu.memory_space<hbm>> -> memref<10112x128xf32, #tpu.memory_space<hbm>>
    tpu.wait_indirect_dma semaphore(%arg17 : memref<!tpu.dma_semaphore, #tpu.memory_space<semaphore_mem>>) src(%dma_wait3A_73 : memref<10112x128xf32, #tpu.memory_space<hbm>>) dst(%dma_wait3A_68 : memref<16x128xf32, #tpu.memory_space<vmem>>)
    "tpu.region"() ({
      %run_scoped3A = tpu.sem_alloc : memref<!tpu.dma_semaphore, #tpu.memory_space<semaphore_mem>>
      %dma_start3A_78 = arith.constant 0 : i32
      %dma_start3A_79 = arith.constant 0 : i32
      %dma_start3A_80 = tpu.memref_slice %arg12[%dma_start3A_78, %dma_start3A_79] : memref<128x128xf32, #tpu.memory_space<vmem>> -> memref<16x128xf32, #tpu.memory_space<vmem>>
      %dma_start3A_81 = arith.constant 0 : i32
      %dma_start3A_82 = arith.constant 0 : i32
      %dma_start3A_83 = tpu.memref_slice %arg16[%dma_start3A_81, %dma_start3A_82] : memref<10112x128xf32, #tpu.memory_space<vmem_shared>> -> memref<10112x128xf32, #tpu.memory_space<vmem_shared>>
      tpu.enqueue_indirect_dma source(%dma_start3A_80 : memref<16x128xf32, #tpu.memory_space<vmem>>) target(%dma_start3A_83 : memref<10112x128xf32, #tpu.memory_space<vmem_shared>>) offsets(%arg15 : memref<16xi32, #tpu.memory_space<vmem>>) semaphore(%run_scoped3A : memref<!tpu.dma_semaphore, #tpu.memory_space<semaphore_mem>>) {add = true}
      %dma_wait3A_84 = arith.constant 0 : i32
      %dma_wait3A_85 = arith.constant 0 : i32
      %dma_wait3A_86 = tpu.memref_slice %arg12[%dma_wait3A_84, %dma_wait3A_85] : memref<128x128xf32, #tpu.memory_space<vmem>> -> memref<16x128xf32, #tpu.memory_space<vmem>>
      %dma_wait3A_87 = arith.constant 0 : i32
      %dma_wait3A_88 = arith.constant 0 : i32
      %dma_wait3A_89 = tpu.memref_slice %arg16[%dma_wait3A_87, %dma_wait3A_88] : memref<10112x128xf32, #tpu.memory_space<vmem_shared>> -> memref<10112x128xf32, #tpu.memory_space<vmem_shared>>
      tpu.wait_indirect_dma semaphore(%run_scoped3A : memref<!tpu.dma_semaphore, #tpu.memory_space<semaphore_mem>>) src(%dma_wait3A_86 : memref<16x128xf32, #tpu.memory_space<vmem>>) dst(%dma_wait3A_89 : memref<10112x128xf32, #tpu.memory_space<vmem_shared>>)
      tpu.yield
    }) : () -> ()
    %barrier3A_74 = arith.constant 0 : index
    tpu.barrier barrier_id(%barrier3A_74)
    %mul3A_75 = arith.constant 10112 : i32
    %mul3A_76 = arith.muli %arg0, %mul3A_75 : i32
    %add3A_77 = arith.addi %mul3A_76, %mul3A_2 : i32
    "tpu.region"() ({
      %run_scoped3A = tpu.sem_alloc : memref<!tpu.dma_semaphore, #tpu.memory_space<semaphore_mem>>
      %dma_start3A_78 = arith.constant 0 : i32
      %dma_start3A_79 = tpu.memref_slice %arg5[%add3A_77, %dma_start3A_78] : memref<20224x128xf32, #tpu.memory_space<hbm>> -> memref<632x128xf32, #tpu.memory_space<hbm>>
      %dma_start3A_80 = arith.constant 0 : i32
      %dma_start3A_81 = tpu.memref_slice %arg16[%mul3A_2, %dma_start3A_80] : memref<10112x128xf32, #tpu.memory_space<vmem_shared>> -> memref<632x128xf32, #tpu.memory_space<vmem_shared>>
      tpu.enqueue_dma source(%dma_start3A_81 : memref<632x128xf32, #tpu.memory_space<vmem_shared>>) target(%dma_start3A_79 : memref<632x128xf32, #tpu.memory_space<hbm>>) target_semaphore(%run_scoped3A : memref<!tpu.dma_semaphore, #tpu.memory_space<semaphore_mem>>)
      %dma_wait3A_82 = arith.constant 0 : i32
      %dma_wait3A_83 = tpu.memref_slice %arg5[%add3A_77, %dma_wait3A_82] : memref<20224x128xf32, #tpu.memory_space<hbm>> -> memref<632x128xf32, #tpu.memory_space<hbm>>
      %dma_wait3A_84 = arith.constant 0 : i32
      %dma_wait3A_85 = tpu.memref_slice %arg16[%mul3A_2, %dma_wait3A_84] : memref<10112x128xf32, #tpu.memory_space<vmem_shared>> -> memref<632x128xf32, #tpu.memory_space<vmem_shared>>
      tpu.wait_dma2 semaphore(%run_scoped3A : memref<!tpu.dma_semaphore, #tpu.memory_space<semaphore_mem>>) src(%dma_wait3A_85 : memref<632x128xf32, #tpu.memory_space<vmem_shared>>) dst(%dma_wait3A_83 : memref<632x128xf32, #tpu.memory_space<hbm>>)
      tpu.yield
    }) : () -> ()
    return
  }
}

module attributes {stable_mosaic.version = 14 : i64} {
  func.func @body(%arg0: i32, %arg1: memref<5056x128xf32, #tpu.memory_space<vmem>>, %arg2: memref<128x128xf32, #tpu.memory_space<vmem>>, %arg3: memref<5056x128xf32, #tpu.memory_space<vmem>>) attributes {dimension_semantics = [#tpu.dimension_semantics<arbitrary>], iteration_bounds = array<i64: 2>, scalar_prefetch = 0 : i64, scratch_operands = 0 : i64, tpu.core_type = #tpu.core_type<tc>, window_params = [{transform_indices = @transform_0, window_bounds = array<i64: 5056, 128>}, {pipeline_mode = #tpu.pipeline_mode<synchronous>, transform_indices = @transform_1, window_bounds = array<i64: 128, 128>}, {transform_indices = @transform_2, window_bounds = array<i64: 5056, 128>}]} {
    %get3A = arith.constant 0 : index
    %get3A_0 = arith.constant 0 : index
    %get3A_1 = vector.load %arg1[%get3A, %get3A_0] : memref<5056x128xf32, #tpu.memory_space<vmem>>, vector<5056x128xf32>
    %get3A_2 = arith.constant 0 : index
    %get3A_3 = arith.constant 0 : index
    %get3A_4 = vector.load %arg2[%get3A_2, %get3A_3] : memref<128x128xf32, #tpu.memory_space<vmem>>, vector<128x128xf32>
    %dot_general3A = arith.constant dense<0.000000e+00> : vector<5056x128xf32>
    %dot_general3A_5 = tpu.matmul %get3A_1, %get3A_4, %dot_general3A {dimension_numbers = #tpu.dot_dimension_numbers<[1], [0], [0], [1], [0, 0, 1, 1], [], []>, transpose_lhs_hint = false} : vector<5056x128xf32>, vector<128x128xf32>, vector<5056x128xf32> -> vector<5056x128xf32>
    %swap3A = arith.constant 0 : index
    %swap3A_6 = arith.constant 0 : index
    %swap3A_7 = vector.load %arg3[%swap3A, %swap3A_6] : memref<5056x128xf32, #tpu.memory_space<vmem>>, vector<5056x128xf32>
    tpu.vector_store %arg3[%swap3A, %swap3A_6], %dot_general3A_5 {strides = array<i32>} : memref<5056x128xf32, #tpu.memory_space<vmem>>, vector<5056x128xf32>,
    return
  }
  func.func @transform_0(%arg0: i32) -> (i32, i32) {
    %c0_i32 = arith.constant 0 : i32
    %c0_i32_0 = arith.constant 0 : i32
    return %arg0, %c0_i32 : i32, i32
  }
  func.func @transform_1(%arg0: i32) -> (i32, i32) {
    %c0_i32 = arith.constant 0 : i32
    %c0_i32_0 = arith.constant 0 : i32
    %c0_i32_1 = arith.constant 0 : i32
    return %c0_i32, %c0_i32_0 : i32, i32
  }
  func.func @transform_2(%arg0: i32) -> (i32, i32) {
    %c0_i32 = arith.constant 0 : i32
    %c0_i32_0 = arith.constant 0 : i32
    return %arg0, %c0_i32 : i32, i32
  }
}

module attributes {stable_mosaic.version = 14 : i64} {
  func.func @body(%arg0: i32, %arg1: memref<5056x128xf32, #tpu.memory_space<vmem>>, %arg2: memref<5056x128xf32, #tpu.memory_space<vmem>>, %arg3: memref<5056x128xf32, #tpu.memory_space<vmem>>, %arg4: memref<5056x1xf32, #tpu.memory_space<vmem>>, %arg5: memref<5056x1xf32, #tpu.memory_space<vmem>>, %arg6: memref<128x128xf32, #tpu.memory_space<vmem>>, %arg7: memref<1x128xf32, #tpu.memory_space<vmem>>, %arg8: memref<128x128xf32, #tpu.memory_space<vmem>>, %arg9: memref<5056x128xf32, #tpu.memory_space<vmem>>, %arg10: memref<5056x128xf32, #tpu.memory_space<vmem>>, %arg11: memref<5056x1xf32, #tpu.memory_space<vmem>>) attributes {dimension_semantics = [#tpu.dimension_semantics<arbitrary>], iteration_bounds = array<i64: 2>, scalar_prefetch = 0 : i64, scratch_operands = 0 : i64, tpu.core_type = #tpu.core_type<tc>, window_params = [{transform_indices = @transform_0, window_bounds = array<i64: 5056, 128>}, {transform_indices = @transform_1, window_bounds = array<i64: 5056, 128>}, {transform_indices = @transform_2, window_bounds = array<i64: 5056, 128>}, {transform_indices = @transform_3, window_bounds = array<i64: 5056, 1>}, {transform_indices = @transform_4, window_bounds = array<i64: 5056, 1>}, {pipeline_mode = #tpu.pipeline_mode<synchronous>, transform_indices = @transform_5, window_bounds = array<i64: 128, 128>}, {pipeline_mode = #tpu.pipeline_mode<synchronous>, transform_indices = @transform_6, window_bounds = array<i64: 1, 128>}, {pipeline_mode = #tpu.pipeline_mode<synchronous>, transform_indices = @transform_7, window_bounds = array<i64: 128, 128>}, {transform_indices = @transform_8, window_bounds = array<i64: 5056, 128>}, {transform_indices = @transform_9, window_bounds = array<i64: 5056, 128>}, {transform_indices = @transform_10, window_bounds = array<i64: 5056, 1>}]} {
    %get3A = arith.constant 0 : index
    %get3A_0 = arith.constant 0 : index
    %get3A_1 = vector.load %arg4[%get3A, %get3A_0] : memref<5056x1xf32, #tpu.memory_space<vmem>>, vector<5056x1xf32>
    %get3A_2 = arith.constant 0 : index
    %get3A_3 = arith.constant 0 : index
    %get3A_4 = vector.load %arg5[%get3A_2, %get3A_3] : memref<5056x1xf32, #tpu.memory_space<vmem>>, vector<5056x1xf32>
    %add3A = arith.addf %get3A_1, %get3A_4 : vector<5056x1xf32>
    %max3A = arith.constant 1.000000e+00 : f32
    %max3A_5 = vector.broadcast %max3A : f32 to vector<5056x1xf32>
    %max3A_6 = arith.maximumf %add3A, %max3A_5 : vector<5056x1xf32>
    %div3A = arith.constant 1.000000e+00 : f32
    %div3A_7 = vector.broadcast %div3A : f32 to vector<5056x1xf32>
    %div3A_8 = arith.divf %div3A_7, %max3A_6 : vector<5056x1xf32>
    %get3A_9 = arith.constant 0 : index
    %get3A_10 = arith.constant 0 : index
    %get3A_11 = vector.load %arg2[%get3A_9, %get3A_10] : memref<5056x128xf32, #tpu.memory_space<vmem>>, vector<5056x128xf32>
    %get3A_12 = arith.constant 0 : index
    %get3A_13 = arith.constant 0 : index
    %get3A_14 = vector.load %arg3[%get3A_12, %get3A_13] : memref<5056x128xf32, #tpu.memory_space<vmem>>, vector<5056x128xf32>
    %add3A_15 = arith.addf %get3A_11, %get3A_14 : vector<5056x128xf32>
    %mul3A = vector.broadcast %div3A_8 : vector<5056x1xf32> to vector<5056x128xf32>
    %mul3A_16 = arith.mulf %add3A_15, %mul3A : vector<5056x128xf32>
    %get3A_17 = arith.constant 0 : index
    %get3A_18 = arith.constant 0 : index
    %get3A_19 = vector.load %arg1[%get3A_17, %get3A_18] : memref<5056x128xf32, #tpu.memory_space<vmem>>, vector<5056x128xf32>
    %get3A_20 = arith.constant 0 : index
    %get3A_21 = arith.constant 0 : index
    %get3A_22 = vector.load %arg6[%get3A_20, %get3A_21] : memref<128x128xf32, #tpu.memory_space<vmem>>, vector<128x128xf32>
    %dot_general3A = arith.constant dense<0.000000e+00> : vector<5056x128xf32>
    %dot_general3A_23 = tpu.matmul %get3A_19, %get3A_22, %dot_general3A {dimension_numbers = #tpu.dot_dimension_numbers<[1], [0], [0], [1], [0, 0, 1, 1], [], []>, transpose_lhs_hint = false} : vector<5056x128xf32>, vector<128x128xf32>, vector<5056x128xf32> -> vector<5056x128xf32>
    %add3A_24 = arith.addf %dot_general3A_23, %mul3A_16 : vector<5056x128xf32>
    %get3A_25 = arith.constant 0 : index
    %get3A_26 = arith.constant 0 : index
    %get3A_27 = vector.load %arg7[%get3A_25, %get3A_26] : memref<1x128xf32, #tpu.memory_space<vmem>>, vector<1x128xf32>
    %add3A_28 = vector.broadcast %get3A_27 : vector<1x128xf32> to vector<5056x128xf32>
    %add3A_29 = arith.addf %add3A_24, %add3A_28 : vector<5056x128xf32>
    %max3A_30 = arith.constant 0.000000e+00 : f32
    %max3A_31 = vector.broadcast %max3A_30 : f32 to vector<5056x128xf32>
    %max3A_32 = arith.maximumf %add3A_29, %max3A_31 : vector<5056x128xf32>
    %swap3A = arith.constant 0 : index
    %swap3A_33 = arith.constant 0 : index
    %swap3A_34 = vector.load %arg9[%swap3A, %swap3A_33] : memref<5056x128xf32, #tpu.memory_space<vmem>>, vector<5056x128xf32>
    tpu.vector_store %arg9[%swap3A, %swap3A_33], %max3A_32 {strides = array<i32>} : memref<5056x128xf32, #tpu.memory_space<vmem>>, vector<5056x128xf32>,
    %get3A_35 = arith.constant 0 : index
    %get3A_36 = arith.constant 0 : index
    %get3A_37 = vector.load %arg8[%get3A_35, %get3A_36] : memref<128x128xf32, #tpu.memory_space<vmem>>, vector<128x128xf32>
    %dot_general3A_38 = arith.constant dense<0.000000e+00> : vector<5056x128xf32>
    %dot_general3A_39 = tpu.matmul %max3A_32, %get3A_37, %dot_general3A_38 {dimension_numbers = #tpu.dot_dimension_numbers<[1], [0], [0], [1], [0, 0, 1, 1], [], []>, transpose_lhs_hint = false} : vector<5056x128xf32>, vector<128x128xf32>, vector<5056x128xf32> -> vector<5056x128xf32>
    %swap3A_40 = arith.constant 0 : index
    %swap3A_41 = arith.constant 0 : index
    %swap3A_42 = vector.load %arg10[%swap3A_40, %swap3A_41] : memref<5056x128xf32, #tpu.memory_space<vmem>>, vector<5056x128xf32>
    tpu.vector_store %arg10[%swap3A_40, %swap3A_41], %dot_general3A_39 {strides = array<i32>} : memref<5056x128xf32, #tpu.memory_space<vmem>>, vector<5056x128xf32>,
    %swap3A_43 = arith.constant 0 : index
    %swap3A_44 = arith.constant 0 : index
    %swap3A_45 = vector.load %arg11[%swap3A_43, %swap3A_44] : memref<5056x1xf32, #tpu.memory_space<vmem>>, vector<5056x1xf32>
    tpu.vector_store %arg11[%swap3A_43, %swap3A_44], %div3A_8 {strides = array<i32>} : memref<5056x1xf32, #tpu.memory_space<vmem>>, vector<5056x1xf32>,
    return
  }
  func.func @transform_0(%arg0: i32) -> (i32, i32) {
    %c0_i32 = arith.constant 0 : i32
    %c0_i32_0 = arith.constant 0 : i32
    return %arg0, %c0_i32 : i32, i32
  }
  func.func @transform_1(%arg0: i32) -> (i32, i32) {
    %c0_i32 = arith.constant 0 : i32
    %c0_i32_0 = arith.constant 0 : i32
    return %arg0, %c0_i32 : i32, i32
  }
  func.func @transform_2(%arg0: i32) -> (i32, i32) {
    %add3A = arith.constant 2 : i32
    %add3A_0 = arith.addi %arg0, %add3A : i32
    %c0_i32 = arith.constant 0 : i32
    %c0_i32_1 = arith.constant 0 : i32
    return %add3A_0, %c0_i32 : i32, i32
  }
  func.func @transform_3(%arg0: i32) -> (i32, i32) {
    %c0_i32 = arith.constant 0 : i32
    %c0_i32_0 = arith.constant 0 : i32
    return %arg0, %c0_i32 : i32, i32
  }
  func.func @transform_4(%arg0: i32) -> (i32, i32) {
    %add3A = arith.constant 2 : i32
    %add3A_0 = arith.addi %arg0, %add3A : i32
    %c0_i32 = arith.constant 0 : i32
    %c0_i32_1 = arith.constant 0 : i32
    return %add3A_0, %c0_i32 : i32, i32
  }
  func.func @transform_5(%arg0: i32) -> (i32, i32) {
    %c0_i32 = arith.constant 0 : i32
    %c0_i32_0 = arith.constant 0 : i32
    %c0_i32_1 = arith.constant 0 : i32
    return %c0_i32, %c0_i32_0 : i32, i32
  }
  func.func @transform_6(%arg0: i32) -> (i32, i32) {
    %c0_i32 = arith.constant 0 : i32
    %c0_i32_0 = arith.constant 0 : i32
    %c0_i32_1 = arith.constant 0 : i32
    return %c0_i32, %c0_i32_0 : i32, i32
  }
  func.func @transform_7(%arg0: i32) -> (i32, i32) {
    %c0_i32 = arith.constant 0 : i32
    %c0_i32_0 = arith.constant 0 : i32
    %c0_i32_1 = arith.constant 0 : i32
    return %c0_i32, %c0_i32_0 : i32, i32
  }
  func.func @transform_8(%arg0: i32) -> (i32, i32) {
    %c0_i32 = arith.constant 0 : i32
    %c0_i32_0 = arith.constant 0 : i32
    return %arg0, %c0_i32 : i32, i32
  }
  func.func @transform_9(%arg0: i32) -> (i32, i32) {
    %c0_i32 = arith.constant 0 : i32
    %c0_i32_0 = arith.constant 0 : i32
    return %arg0, %c0_i32 : i32, i32
  }
  func.func @transform_10(%arg0: i32) -> (i32, i32) {
    %c0_i32 = arith.constant 0 : i32
    %c0_i32_0 = arith.constant 0 : i32
    return %arg0, %c0_i32 : i32, i32
  }
}

module attributes {stable_mosaic.version = 14 : i64} {
  func.func @body(%arg0: i32, %arg1: memref<5056x128xf32, #tpu.memory_space<vmem>>, %arg2: memref<5056x128xf32, #tpu.memory_space<vmem>>, %arg3: memref<5056x128xf32, #tpu.memory_space<vmem>>, %arg4: memref<5056x1xf32, #tpu.memory_space<vmem>>, %arg5: memref<128x128xf32, #tpu.memory_space<vmem>>, %arg6: memref<1x128xf32, #tpu.memory_space<vmem>>, %arg7: memref<128x48xf32, #tpu.memory_space<vmem>>, %arg8: memref<128x40xf32, #tpu.memory_space<vmem>>, %arg9: memref<5056x48xf32, #tpu.memory_space<vmem>>, %arg10: memref<5056x40xf32, #tpu.memory_space<vmem>>) attributes {dimension_semantics = [#tpu.dimension_semantics<arbitrary>], iteration_bounds = array<i64: 2>, scalar_prefetch = 0 : i64, scratch_operands = 0 : i64, tpu.core_type = #tpu.core_type<tc>, window_params = [{transform_indices = @transform_0, window_bounds = array<i64: 5056, 128>}, {transform_indices = @transform_1, window_bounds = array<i64: 5056, 128>}, {transform_indices = @transform_2, window_bounds = array<i64: 5056, 128>}, {transform_indices = @transform_3, window_bounds = array<i64: 5056, 1>}, {pipeline_mode = #tpu.pipeline_mode<synchronous>, transform_indices = @transform_4, window_bounds = array<i64: 128, 128>}, {pipeline_mode = #tpu.pipeline_mode<synchronous>, transform_indices = @transform_5, window_bounds = array<i64: 1, 128>}, {pipeline_mode = #tpu.pipeline_mode<synchronous>, transform_indices = @transform_6, window_bounds = array<i64: 128, 48>}, {pipeline_mode = #tpu.pipeline_mode<synchronous>, transform_indices = @transform_7, window_bounds = array<i64: 128, 40>}, {transform_indices = @transform_8, window_bounds = array<i64: 5056, 48>}, {transform_indices = @transform_9, window_bounds = array<i64: 5056, 40>}]} {
    %get3A = arith.constant 0 : index
    %get3A_0 = arith.constant 0 : index
    %get3A_1 = vector.load %arg2[%get3A, %get3A_0] : memref<5056x128xf32, #tpu.memory_space<vmem>>, vector<5056x128xf32>
    %get3A_2 = arith.constant 0 : index
    %get3A_3 = arith.constant 0 : index
    %get3A_4 = vector.load %arg3[%get3A_2, %get3A_3] : memref<5056x128xf32, #tpu.memory_space<vmem>>, vector<5056x128xf32>
    %add3A = arith.addf %get3A_1, %get3A_4 : vector<5056x128xf32>
    %get3A_5 = arith.constant 0 : index
    %get3A_6 = arith.constant 0 : index
    %get3A_7 = vector.load %arg4[%get3A_5, %get3A_6] : memref<5056x1xf32, #tpu.memory_space<vmem>>, vector<5056x1xf32>
    %mul3A = vector.broadcast %get3A_7 : vector<5056x1xf32> to vector<5056x128xf32>
    %mul3A_8 = arith.mulf %add3A, %mul3A : vector<5056x128xf32>
    %get3A_9 = arith.constant 0 : index
    %get3A_10 = arith.constant 0 : index
    %get3A_11 = vector.load %arg1[%get3A_9, %get3A_10] : memref<5056x128xf32, #tpu.memory_space<vmem>>, vector<5056x128xf32>
    %get3A_12 = arith.constant 0 : index
    %get3A_13 = arith.constant 0 : index
    %get3A_14 = vector.load %arg5[%get3A_12, %get3A_13] : memref<128x128xf32, #tpu.memory_space<vmem>>, vector<128x128xf32>
    %dot_general3A = arith.constant dense<0.000000e+00> : vector<5056x128xf32>
    %dot_general3A_15 = tpu.matmul %get3A_11, %get3A_14, %dot_general3A {dimension_numbers = #tpu.dot_dimension_numbers<[1], [0], [0], [1], [0, 0, 1, 1], [], []>, transpose_lhs_hint = false} : vector<5056x128xf32>, vector<128x128xf32>, vector<5056x128xf32> -> vector<5056x128xf32>
    %add3A_16 = arith.addf %dot_general3A_15, %mul3A_8 : vector<5056x128xf32>
    %get3A_17 = arith.constant 0 : index
    %get3A_18 = arith.constant 0 : index
    %get3A_19 = vector.load %arg6[%get3A_17, %get3A_18] : memref<1x128xf32, #tpu.memory_space<vmem>>, vector<1x128xf32>
    %add3A_20 = vector.broadcast %get3A_19 : vector<1x128xf32> to vector<5056x128xf32>
    %add3A_21 = arith.addf %add3A_16, %add3A_20 : vector<5056x128xf32>
    %max3A = arith.constant 0.000000e+00 : f32
    %max3A_22 = vector.broadcast %max3A : f32 to vector<5056x128xf32>
    %max3A_23 = arith.maximumf %add3A_21, %max3A_22 : vector<5056x128xf32>
    %get3A_24 = arith.constant 0 : index
    %get3A_25 = arith.constant 0 : index
    %get3A_26 = vector.load %arg7[%get3A_24, %get3A_25] : memref<128x48xf32, #tpu.memory_space<vmem>>, vector<128x48xf32>
    %dot_general3A_27 = arith.constant dense<0.000000e+00> : vector<5056x48xf32>
    %dot_general3A_28 = tpu.matmul %max3A_23, %get3A_26, %dot_general3A_27 {dimension_numbers = #tpu.dot_dimension_numbers<[1], [0], [0], [1], [0, 0, 1, 1], [], []>, transpose_lhs_hint = false} : vector<5056x128xf32>, vector<128x48xf32>, vector<5056x48xf32> -> vector<5056x48xf32>
    %swap3A = arith.constant 0 : index
    %swap3A_29 = arith.constant 0 : index
    %swap3A_30 = vector.load %arg9[%swap3A, %swap3A_29] : memref<5056x48xf32, #tpu.memory_space<vmem>>, vector<5056x48xf32>
    tpu.vector_store %arg9[%swap3A, %swap3A_29], %dot_general3A_28 {strides = array<i32>} : memref<5056x48xf32, #tpu.memory_space<vmem>>, vector<5056x48xf32>,
    %get3A_31 = arith.constant 0 : index
    %get3A_32 = arith.constant 0 : index
    %get3A_33 = vector.load %arg8[%get3A_31, %get3A_32] : memref<128x40xf32, #tpu.memory_space<vmem>>, vector<128x40xf32>
    %dot_general3A_34 = arith.constant dense<0.000000e+00> : vector<5056x40xf32>
    %dot_general3A_35 = tpu.matmul %max3A_23, %get3A_33, %dot_general3A_34 {dimension_numbers = #tpu.dot_dimension_numbers<[1], [0], [0], [1], [0, 0, 1, 1], [], []>, transpose_lhs_hint = false} : vector<5056x128xf32>, vector<128x40xf32>, vector<5056x40xf32> -> vector<5056x40xf32>
    %swap3A_36 = arith.constant 0 : index
    %swap3A_37 = arith.constant 0 : index
    %swap3A_38 = vector.load %arg10[%swap3A_36, %swap3A_37] : memref<5056x40xf32, #tpu.memory_space<vmem>>, vector<5056x40xf32>
    tpu.vector_store %arg10[%swap3A_36, %swap3A_37], %dot_general3A_35 {strides = array<i32>} : memref<5056x40xf32, #tpu.memory_space<vmem>>, vector<5056x40xf32>,
    return
  }
  func.func @transform_0(%arg0: i32) -> (i32, i32) {
    %c0_i32 = arith.constant 0 : i32
    %c0_i32_0 = arith.constant 0 : i32
    return %arg0, %c0_i32 : i32, i32
  }
  func.func @transform_1(%arg0: i32) -> (i32, i32) {
    %c0_i32 = arith.constant 0 : i32
    %c0_i32_0 = arith.constant 0 : i32
    return %arg0, %c0_i32 : i32, i32
  }
  func.func @transform_2(%arg0: i32) -> (i32, i32) {
    %add3A = arith.constant 2 : i32
    %add3A_0 = arith.addi %arg0, %add3A : i32
    %c0_i32 = arith.constant 0 : i32
    %c0_i32_1 = arith.constant 0 : i32
    return %add3A_0, %c0_i32 : i32, i32
  }
  func.func @transform_3(%arg0: i32) -> (i32, i32) {
    %c0_i32 = arith.constant 0 : i32
    %c0_i32_0 = arith.constant 0 : i32
    return %arg0, %c0_i32 : i32, i32
  }
  func.func @transform_4(%arg0: i32) -> (i32, i32) {
    %c0_i32 = arith.constant 0 : i32
    %c0_i32_0 = arith.constant 0 : i32
    %c0_i32_1 = arith.constant 0 : i32
    return %c0_i32, %c0_i32_0 : i32, i32
  }
  func.func @transform_5(%arg0: i32) -> (i32, i32) {
    %c0_i32 = arith.constant 0 : i32
    %c0_i32_0 = arith.constant 0 : i32
    %c0_i32_1 = arith.constant 0 : i32
    return %c0_i32, %c0_i32_0 : i32, i32
  }
  func.func @transform_6(%arg0: i32) -> (i32, i32) {
    %c0_i32 = arith.constant 0 : i32
    %c0_i32_0 = arith.constant 0 : i32
    %c0_i32_1 = arith.constant 0 : i32
    return %c0_i32, %c0_i32_0 : i32, i32
  }
  func.func @transform_7(%arg0: i32) -> (i32, i32) {
    %c0_i32 = arith.constant 0 : i32
    %c0_i32_0 = arith.constant 0 : i32
    %c0_i32_1 = arith.constant 0 : i32
    return %c0_i32, %c0_i32_0 : i32, i32
  }
  func.func @transform_8(%arg0: i32) -> (i32, i32) {
    %c0_i32 = arith.constant 0 : i32
    %c0_i32_0 = arith.constant 0 : i32
    return %arg0, %c0_i32 : i32, i32
  }
  func.func @transform_9(%arg0: i32) -> (i32, i32) {
    %c0_i32 = arith.constant 0 : i32
    %c0_i32_0 = arith.constant 0 : i32
    return %arg0, %c0_i32 : i32, i32
  }
}

module attributes {stable_mosaic.version = 14 : i64} {
  func.func @body(%arg0: i32, %arg1: memref<5056x40xf32, #tpu.memory_space<vmem>>, %arg2: memref<5056x48xf32, #tpu.memory_space<vmem>>, %arg3: memref<5056x48xf32, #tpu.memory_space<vmem>>, %arg4: memref<5056x1xf32, #tpu.memory_space<vmem>>, %arg5: memref<1x40xf32, #tpu.memory_space<vmem>>, %arg6: memref<5056x40xf32, #tpu.memory_space<vmem>>) attributes {dimension_semantics = [#tpu.dimension_semantics<arbitrary>], iteration_bounds = array<i64: 2>, scalar_prefetch = 0 : i64, scratch_operands = 0 : i64, tpu.core_type = #tpu.core_type<tc>, window_params = [{transform_indices = @transform_0, window_bounds = array<i64: 5056, 40>}, {transform_indices = @transform_1, window_bounds = array<i64: 5056, 48>}, {transform_indices = @transform_2, window_bounds = array<i64: 5056, 48>}, {transform_indices = @transform_3, window_bounds = array<i64: 5056, 1>}, {pipeline_mode = #tpu.pipeline_mode<synchronous>, transform_indices = @transform_4, window_bounds = array<i64: 1, 40>}, {transform_indices = @transform_5, window_bounds = array<i64: 5056, 40>}]} {
    %get3A = arith.constant 0 : index
    %get3A_0 = arith.constant 0 : index
    %get3A_1 = vector.load %arg2[%get3A, %get3A_0] : memref<5056x48xf32, #tpu.memory_space<vmem>>, vector<5056x48xf32>
    %get3A_2 = arith.constant 0 : index
    %get3A_3 = arith.constant 0 : index
    %get3A_4 = vector.load %arg3[%get3A_2, %get3A_3] : memref<5056x48xf32, #tpu.memory_space<vmem>>, vector<5056x48xf32>
    %add3A = arith.addf %get3A_1, %get3A_4 : vector<5056x48xf32>
    %slice3A = vector.extract_strided_slice %add3A {offsets = [0, 0], sizes = [5056, 40], strides = [1, 1]} : vector<5056x48xf32> to vector<5056x40xf32>
    %get3A_5 = arith.constant 0 : index
    %get3A_6 = arith.constant 0 : index
    %get3A_7 = vector.load %arg1[%get3A_5, %get3A_6] : memref<5056x40xf32, #tpu.memory_space<vmem>>, vector<5056x40xf32>
    %get3A_8 = arith.constant 0 : index
    %get3A_9 = arith.constant 0 : index
    %get3A_10 = vector.load %arg4[%get3A_8, %get3A_9] : memref<5056x1xf32, #tpu.memory_space<vmem>>, vector<5056x1xf32>
    %mul3A = vector.broadcast %get3A_10 : vector<5056x1xf32> to vector<5056x40xf32>
    %mul3A_11 = arith.mulf %slice3A, %mul3A : vector<5056x40xf32>
    %add3A_12 = arith.addf %get3A_7, %mul3A_11 : vector<5056x40xf32>
    %get3A_13 = arith.constant 0 : index
    %get3A_14 = arith.constant 0 : index
    %get3A_15 = vector.load %arg5[%get3A_13, %get3A_14] : memref<1x40xf32, #tpu.memory_space<vmem>>, vector<1x40xf32>
    %add3A_16 = vector.broadcast %get3A_15 : vector<1x40xf32> to vector<5056x40xf32>
    %add3A_17 = arith.addf %add3A_12, %add3A_16 : vector<5056x40xf32>
    %swap3A = arith.constant 0 : index
    %swap3A_18 = arith.constant 0 : index
    %swap3A_19 = vector.load %arg6[%swap3A, %swap3A_18] : memref<5056x40xf32, #tpu.memory_space<vmem>>, vector<5056x40xf32>
    tpu.vector_store %arg6[%swap3A, %swap3A_18], %add3A_17 {strides = array<i32>} : memref<5056x40xf32, #tpu.memory_space<vmem>>, vector<5056x40xf32>,
    return
  }
  func.func @transform_0(%arg0: i32) -> (i32, i32) {
    %c0_i32 = arith.constant 0 : i32
    %c0_i32_0 = arith.constant 0 : i32
    return %arg0, %c0_i32 : i32, i32
  }
  func.func @transform_1(%arg0: i32) -> (i32, i32) {
    %c0_i32 = arith.constant 0 : i32
    %c0_i32_0 = arith.constant 0 : i32
    return %arg0, %c0_i32 : i32, i32
  }
  func.func @transform_2(%arg0: i32) -> (i32, i32) {
    %add3A = arith.constant 2 : i32
    %add3A_0 = arith.addi %arg0, %add3A : i32
    %c0_i32 = arith.constant 0 : i32
    %c0_i32_1 = arith.constant 0 : i32
    return %add3A_0, %c0_i32 : i32, i32
  }
  func.func @transform_3(%arg0: i32) -> (i32, i32) {
    %c0_i32 = arith.constant 0 : i32
    %c0_i32_0 = arith.constant 0 : i32
    return %arg0, %c0_i32 : i32, i32
  }
  func.func @transform_4(%arg0: i32) -> (i32, i32) {
    %c0_i32 = arith.constant 0 : i32
    %c0_i32_0 = arith.constant 0 : i32
    %c0_i32_1 = arith.constant 0 : i32
    return %c0_i32, %c0_i32_0 : i32, i32
  }
  func.func @transform_5(%arg0: i32) -> (i32, i32) {
    %c0_i32 = arith.constant 0 : i32
    %c0_i32_0 = arith.constant 0 : i32
    return %arg0, %c0_i32 : i32, i32
  }
}

</mosaic_0001>

<sc_bundles>
// kernel: kernel.10.cloned.1.call-start
scs
__scs_entry_jumppad:
0x0: {  	(pc) =	sbr.rel $0x88, $3  }
0x1: {  	(tag) =	ssettag $0x0;
	lr =	simm.s32 $0x1  }
0x2: {  	[smem:$0x3F96] =	sst lr;
	_ =	strace $0xD0000000  }
0x3: {  	_ = 	snop  }
0x4: {  	_ = 	snop  }
0x5: {  	_ = 	snop  }
0x6: {  	_ = 	snop  }
0x7: {  	_ = 	snop  }
__scs_overlays_trampoline_lowered:
0x8: {  	[smem:$0x3FA5] =	sst s0  }
0x9: {  	[smem:$0x3FA6] =	sst s1  }
0xa: {  	[smem:$0x3FA7] =	sst s2  }
0xb: {  	[smem:$0x3FA8] =	sst s3  }
0xc: {  	[smem:$0x3FA9] =	sst s4  }
0xd: {  	[smem:$0x3FAA] =	sst s5  }
0xe: {  	[smem:$0x3FAB] =	sst s6  }
0xf: {  	[smem:$0x3FAC] =	sst s7  }
0x10: {  	[smem:$0x3FAD] =	sst s8  }
0x11: {  	[smem:$0x3FAE] =	sst s9;
	s0 =	simm.s32 @!p0 $0x0  }
0x12: {  	s1 =	sld [smem:$0x3F94];
	s0 =	simm.s32 @p0 $0x1  }
0x13: {  	[smem:$0x3FAF] =	sst s0;
	s0 =	simm.s32 @!p1 $0x0  }
0x14: {  	s2 =	sld [smem:$0x3F93];
	s0 =	simm.s32 @p1 $0x1  }
0x15: {  	[smem:$0x3FB0] =	sst s0;
	s0 =	simm.s32 @!p2 $0x0  }
0x16: {  	s3 =	sld [smem:$0x3FDB];
	s0 =	simm.s32 @p2 $0x1  }
0x17: {  	s4 =	simm.s32 $0x1BF5;
	[smem:$0x3FB2] =	sst s0  }
0x18: {  	s0 =	sld [smem:$0x3F95];
	_ =	swait.ge [sflag:s4], $0x0  }
0x19: {  	s7 =	sld [smem:$0x3F96]  }
0x1a: {  	s8 =	sadd.s32 $0xFFFFE003, lr  }
0x1b: {  	s9 =	sadd.s32 $0xFFFFFEF7, lr;
	s5 =	simm.s32 $0xFFFFFFFF;
	p2 =	slt.u32 s8, $0xFFFFF086  }
0x1c: {  	p1 =	slt.u32 s9, $0xF7A;
	s5 =	simm.s32 @!p2 $0x0  }
0x1d: {  	s5 =	simm.s32 @p1 $0x1;
	p0 =	seq.s32 s7, s2  }
0x1e: {  	s7 =	smul.u32 @!p0 $0xF7A, s2;
	p2 =	seq.s32 @!p0 s5, $0x0  }
0x1f: {  	s9 =	smul.u32 $0xF7A, s1;
	s8 =	simm.s32 @!p0 $0x1BF5;
	p2 =	por !p2, p0  }
0x20: {  	[sflag:s8] =	ssyncset.s32 @!p0 $0xFFFFF086;
	s6 =	sadd.s32 @!p0 s3, s7;
	s7 =	simm.s32 @!p0 $0x108  }
0x21: {  	s3 =	sadd.s32 s3, s9;
	s6 =	sadd.s32 @!p0 $0x88, s6;
	s7 =	simm.s32 @p2 $0x1082  }
0x22: {  	[simem:s7], [sflag:s8] =	dma.local @!p0 [hbm:s6], $0xF7A  }
0x23: {  	s9 =	sor.u32 $0xD0000000, s2;
	s6 =	simm.s32 $0x108;
	_ =	swait.ge @!p0 [sflag:s8], $0x0  }
0x24: {  	s3 =	sadd.s32 $0x88, s3;
	s6 =	simm.s32 @!p1 $0x1082;
	[sflag:s4] =	ssyncset.s32 $0xFFFFF086  }
0x25: {  	[simem:s6], [sflag:s4] =	dma.local [hbm:s3], $0xF7A  }
0x26: {  	[smem:$0x3F96] =	sst s1;
	(tag) =	ssettag s2;
	_ =	strace s9  }
0x27: {  	s1 =	sld [smem:$0x3FA6]  }
0x28: {  	s2 =	sld [smem:$0x3FA7]  }
0x29: {  	s4 =	sld [smem:$0x3FA9]  }
0x2a: {  	p0 =	seq.s32 s5, $0x0;
	s5 =	sld [smem:$0x3FAA]  }
0x2b: {  	s6 =	sld [smem:$0x3FAB]  }
0x2c: {  	s7 =	sld [smem:$0x3FAC]  }
0x2d: {  	s3 =	simm.s32 $0x108;
	s8 =	sld [smem:$0x3FAD]  }
0x2e: {  	s3 =	simm.s32 @!p0 $0x1082;
	s9 =	sld [smem:$0x3FAE]  }
0x2f: {  	lr =	sadd.s32 s0, s3;
	s0 =	sld [smem:$0x3FA5]  }
0x30: {  	s3 =	sld [smem:$0x3FA8]  }
0x31: {  	[smem:$0x3FB1] =	sst s10  }
0x32: {  	s10 =	sld [smem:$0x3FAF];
	_ =	sdelay $0x3  }
0x33: {  	p0 =	seq.s32 s10, $0x1;
	s10 =	sld [smem:$0x3FB1];
	_ =	sdelay $0x3  }
0x34: {  	[smem:$0x3FB1] =	sst s10  }
0x35: {  	s10 =	sld [smem:$0x3FB0];
	_ =	sdelay $0x3  }
0x36: {  	p1 =	seq.s32 s10, $0x1;
	s10 =	sld [smem:$0x3FB1];
	_ =	sdelay $0x3  }
0x37: {  	[smem:$0x3FB1] =	sst s10  }
0x38: {  	s10 =	sld [smem:$0x3FB2]  }
0x39: {  	_ = 	snop;
	(pc) =	sbr.ind lr, $3  }
0x3a: {  	_ = 	snop  }
0x3b: {  	_ = 	snop  }
0x3c: {  	p2 =	seq.s32 s10, $0x1;
	s10 =	sld [smem:$0x3FB1]  }
0x3d: {  	_ =	shalt  }
0x3e: {  	_ =	shalt  }
0x3f: {  	_ =	shalt  }
0x40: {  	_ =	shalt  }
0x41: {  	_ =	shalt  }
0x42: {  	_ =	shalt  }
0x43: {  	_ =	shalt  }
0x44: {  	_ =	shalt  }
0x45: {  	_ =	shalt  }
0x46: {  	_ =	shalt  }
0x47: {  	_ =	shalt  }
0x48: {  	_ =	shalt  }
0x49: {  	_ =	shalt  }
0x4a: {  	_ =	shalt  }
0x4b: {  	_ =	shalt  }
0x4c: {  	_ =	shalt  }
0x4d: {  	_ =	shalt  }
0x4e: {  	_ =	shalt  }
0x4f: {  	_ =	shalt  }
0x50: {  	_ =	shalt  }
0x51: {  	_ =	shalt  }
0x52: {  	_ =	shalt  }
0x53: {  	_ =	shalt  }
0x54: {  	_ =	shalt  }
0x55: {  	_ =	shalt  }
0x56: {  	_ =	shalt  }
0x57: {  	_ =	shalt  }
0x58: {  	_ =	shalt  }
0x59: {  	_ =	shalt  }
0x5a: {  	_ =	shalt  }
0x5b: {  	_ =	shalt  }
0x5c: {  	_ =	shalt  }
0x5d: {  	_ =	shalt  }
0x5e: {  	_ =	shalt  }
0x5f: {  	_ =	shalt  }
0x60: {  	_ =	shalt  }
0x61: {  	_ =	shalt  }
0x62: {  	_ =	shalt  }
0x63: {  	_ =	shalt  }
0x64: {  	_ =	shalt  }
0x65: {  	_ =	shalt  }
0x66: {  	_ =	shalt  }
0x67: {  	_ =	shalt  }
0x68: {  	_ =	shalt  }
0x69: {  	_ =	shalt  }
0x6a: {  	_ =	shalt  }
0x6b: {  	_ =	shalt  }
0x6c: {  	_ =	shalt  }
0x6d: {  	_ =	shalt  }
0x6e: {  	_ =	shalt  }
0x6f: {  	_ =	shalt  }
0x70: {  	_ =	shalt  }
0x71: {  	_ =	shalt  }
0x72: {  	_ =	shalt  }
0x73: {  	_ =	shalt  }
0x74: {  	_ =	shalt  }
0x75: {  	_ =	shalt  }
0x76: {  	_ =	shalt  }
0x77: {  	_ =	shalt  }
0x78: {  	_ =	shalt  }
0x79: {  	_ =	shalt  }
0x7a: {  	_ =	shalt  }
0x7b: {  	_ =	shalt  }
0x7c: {  	_ =	shalt  }
0x7d: {  	_ =	shalt  }
0x7e: {  	_ =	shalt  }
0x7f: {  	_ =	shalt  }
0x80: {  	_ =	shalt  }
0x81: {  	_ =	shalt  }
0x82: {  	_ =	shalt  }
0x83: {  	_ =	shalt  }
0x84: {  	_ =	shalt  }
0x85: {  	_ =	shalt  }
0x86: {  	_ =	shalt  }
0x87: {  	_ =	shalt  }
.Lfunc_end0:
.L_simem_size_0:
called_computation_lowered:
.L_overlay_start_0:
0x88: {  	s2 =	sld [smem:$0x3FD9]  }
0x89: {  	s3 =	sld [smem:$0x3FFE];
	_ =	sdelay $0x1  }
0x8a: {  	s1 =	srdreg.scid  }
0x8b: {  	s0 =	sand.u32 $0x1, s1  }
0x8c: {  	s17 =	sshll.u32 s0, $0xA;
	s2 =	sadd.s32 s3, s2  }
0x8d: {  	s2 =	sadd.s32 s2, s17  }
0x8e: {  	[smem:$0x3FBD] =	sst s2  }
0x8f: {  	_ = 	snop  }
0x90: {  	s2 =	sld [smem:$0x3FD0];
	(tm) =	ssettm $0x1  }
0x91: {  	s18 =	sld [smem:$0x3FFB];
	_ =	sdelay $0x3  }
0x92: {  	_ =	strace s18  }
0x93: {  	s3 =	sld [smem:$0x3FFC];
	_ =	sdelay $0x3  }
0x94: {  	_ =	strace s3  }
0x95: {  	s3 =	sld [smem:$0x3FFD];
	_ =	sdelay $0x3  }
0x96: {  	_ =	strace s3  }
0x97: {  	_ =	strace $0x8FFFFFFF  }
0x98: {  	s19 =	sld [smem:$0x3FDB];
	_ =	sdelay $0x1  }
0x99: {  	s4 =	simm.s32 $_scs_section_size  }
0x9a: {  	s5 =	simm.s32 $_size__tile_overlayer_lowered;
	s6 =	simm.s32 $_tile_overlayer_lowered  }
0x9b: {  	s22 =	simm.s32 $0x1BFF;
	s21 =	sshll.u32 s6, $0x1;
	s3 =	sadd.s32 s4, s19  }
0x9c: {  	s7 =	simm.s32 $0x0;
	s20 =	sshll.u32 s5, $0x1;
	s5 =	sadd.s32 s21, s3  }
0x9d: {  	[timem:s7], [sflag:s22] =	dma.local [hbm:s5], s20  }
0x9e: {  	_ =	swait.ge [sflag:s22], s20  }
0x9f: {  	s4 =	ssub.s32 $0x0, s20;
	[sflag:s22] =	ssyncset.done $0x0  }
0xa0: {  	[sflag:s22] =	ssyncadd.s32 s4;
	_ =	sdelay $0x1  }
0xa1: {  	s23 =	simm.s32 $0x1B8B  }
0xa2: {  	_ =	swait.ge [sflag:s23], $0x1  }
0xa3: {  	[sflag:s23] =	ssyncset.done $0x0  }
0xa4: {  	s25 =	simm.s32 $0x1B8E;
	s24 =	sld [smem:$0x3FFE];
	[sflag:s23] =	ssyncadd.s32 $0xFFFFFFFF  }
0xa5: {  	s26 =	simm.s32 $execute0_lowered;
	[smem:$0x3FD2] =	sst s25  }
0xa6: {  	s5 =	sshll.u32 s26, $0x1;
	_ =	strace $0x80000046;
	[dreg:$0x1] =	wrdreg $0xFFFFFFFF  }
0xa7: {  	s28 =	simm.s32 $_size_execute0_lowered;
	s3 =	sadd.s32 s3, s5;
	[dreg:$0x0] =	wrdreg $0x0  }
0xa8: {  	s5 =	sshll.u32 s28, $0x1;
	[dreg:$0x2] =	wrdreg s3  }
0xa9: {  	[dreg:$0x3] =	wrdreg s5  }
0xaa: {  	[dreg:$0x4] =	wrdreg $0xC0  }
0xab: {  	_ =	task [dreg:s7], $0x5FFFF  }
0xac: {  	[dreg:$0x1] =	wrdreg $0xFFFFFFFF  }
0xad: {  	[dreg:$0x0] =	wrdreg $0x60  }
0xae: {  	[dreg:$0x2] =	wrdreg s24  }
0xaf: {  	[dreg:$0x3] =	wrdreg s2  }
0xb0: {  	[dreg:$0x4] =	wrdreg $0x9900  }
0xb1: {  	[dreg:$0x5] =	wrdreg $0x9  }
0xb2: {  	_ =	task.clear_ibuf [dreg:s7], $0x6FFFF;
	_ =	strace $0x90000046  }
0xb3: {  	s29 =	simm.s32 $0x9;
	_ =	strace $0x80000048  }
0xb4: {  	_ =	swait.ge [sflag:s29], $0x1  }
0xb5: {  	[sflag:s29] =	ssyncadd.s32 $0xFFFFFFFF  }
0xb6: {  	_ =	strace $0x90000048  }
0xb7: {  	_ =	sfence  }
0xb8: {  	s30 =	sld [smem:$0x0];
	_ =	sdelay $0x2  }
0xb9: {  	s31 =	sshll.u32 s1, $0xD;
	s1 =	sshrl.u32 s1, $0x2  }
0xba: {  	s3 =	sand.u32 $0x4000, s31;
	s1 =	sadd.s32 s1, s30  }
0xbb: {  	s0 =	sor.u32 s3, s0;
	s1 =	sshll.u32 s1, $0x11  }
0xbc: {  	s0 =	sor.u32 s1, s0  }
0xbd: {  	s0 =	sadd.s32 $0x8F2B, s0  }
0xbe: {  	[sflag:s0] =	ssyncadd.remote.s32 $0x1  }
0xbf: {  	_ =	sfence.sel $0xFFFF  }
0xc0: {  	[dreg:$0x0] =	wrdreg $0xFFFFFFFF;
	(pc) =	sbr.abs _section_cstart, $3  }
0xc1: {  	[dreg:$0x1] =	wrdreg $0xFFFFFFFF  }
0xc2: {  	_ =	task.clear_ibuf [dreg:s7], $0x2FFFF;
	_ =	strace $0x9FFFFFFF  }
0xc3: {  	(tm) =	ssettm $0x7FFFFFFF  }
tec
execute0_lowered:
.L_overlay_start_1:
0x0: {  	(tag) =	ssettag $0x1  }
0x1: {  	s5 =	rddreg [dreg:$0x0]  }
0x2: {  	s10 =	rddreg [dreg:$0x1]  }
0x3: {  	s1 =	rddreg [dreg:$0x2]  }
0x4: {  	s0 =	rddreg [dreg:$0x3];
	s3 =	simm.s32 $0x0  }
0x5: {  	s4 =	srdreg.scid;
	s2 =	stileid.u32;
	s21 =	simm.s32 $0x880  }
0x6: {  	s22 =	simm.s32 $0x1;
	s28 =	simm.s32 $0x10;
	s29 =	simm.s32 $0x0  }
0x7: {  	[smem:$0x7FF] =	sst s3;
	s8 =	sand.u32 $0x1, s4;
	s6 =	smul.u32 $0x2780, s2  }
0x8: {  	s4 =	sadd.s32 $0x1BC00, s5;
	s17 =	sadd.s32 $0x3200, s5;
	s24 =	smul.u32 $0x4F0, s2  }
0x9: {  	s26 =	sshll.u32 s2, $0x6;
	s16 =	smul.u32 $0x2710, s2;
	_ =	strace $0x80000047  }
0xa: {  	s7 =	sshll.u32 s8, $0x4;
	s9 =	ssub.s32 $0x2, s8;
	s30 =	smul.u32 $0x4F00, s8  }
0xb: {  	s15 =	smul.u32 $0x27100, s8;
	s7 =	sor.u32 s2, s7;
	s11 =	sshrl.u32 s6, $0x3  }
0xc: {  	s12 =	sshrl.u32 s9, $0x1;
	s18 =	sadd.s32 s6, s1;
	s6 =	sor.u32 $0x1C03, s26  }
0xd: {  	s26 =	simm.s32 $0x980;
	s7 =	smul.u32 $0x2710, s7;
	s5 =	sadd.s32 s11, s5  }
0xe: {  	s23 =	ssub.s32 s9, s12;
	s12 =	sadd.s32 s24, s30;
	s15 =	sadd.s32 s16, s15  }
0xf: {  	s18 =	sshrl.u32 s18, $0x3;
	s24 =	simm.s32 $0x900;
	s5 =	sadd.s32 $0x16C00, s5  }
0x10: {  	s10 =	sadd.s32 s10, s12;
	s11 =	smax.u32 s23, $0x1;
	s16 =	sadd.s32 $0x4E580, s15  }
0x11: {  	s19 =	sadd.s32 $0x4E500, s15;
	s20 =	sadd.s32 $0x4E480, s15;
	s23 =	simm.s32 $0x80  }
0x12: {  	s25 =	sshrl.u32 s7, $0x3;
	s16 =	sshrl.u32 s16, $0x3;
	s19 =	sshrl.u32 s19, $0x3  }
.Ltmp0:
0x13: {  	s31 =	sshrl.u32 s20, $0x3;
	s20 =	simm.s32 $0x800;
	(pc) =	sbr.rel .LBB2_1-.Ltmp0, $4  }
0x14: {  	s14 =	sadd.s32 s17, s25;
	s15 =	sadd.s32 s16, s17;
	s16 =	sadd.s32 s19, s17  }
0x15: {  	s17 =	sadd.s32 s31, s17;
	s19 =	simm.s32 $0x3;
	s25 =	simm.s32 $0x2  }
0x16: {  	s7 =	sadd.s32 $0x9C40, s14;
	s8 =	sadd.s32 $0x9C50, s14;
	s9 =	sadd.s32 $0xA120, s14  }
0x17: {  	s12 =	sadd.s32 $0x9C60, s14;
	s13 =	sadd.s32 $0x9C70, s14;
	s14 =	sadd.s32 $0x9C80, s14  }
.LBB2_4:
0x18: {  	_ =	swait.ge [sflag:s22], $0x80  }
0x19: {  	[sflag:s22] =	ssyncset.done $0x0  }
0x1a: {  	[sflag:s22] =	ssyncadd.s32 $0xFFFFFF80  }
0x1b: {  	[spmem:s1] =	stream.indirect.scatter.add.f32 [tilespmem:s3], [sflag:$0x2], $0x10, s24, s23, $0xb8;
	[tilespmem:$0x3110] =	vst v63  }
0x1c: {  	_ =	swait.ge [sflag:s25], $0x800  }
0x1d: {  	[sflag:s25] =	ssyncset.done $0x0  }
0x1e: {  	[sflag:s25] =	ssyncadd.s32 $0xFFFFF800  }
0x1f: {  	_ =	swait.ge [sflag:s25], $0x800  }
0x20: {  	[sflag:s25] =	ssyncset.done $0x0  }
0x21: {  	[sflag:s25] =	ssyncadd.s32 $0xFFFFF800  }
0x22: {  	[tilespmem:s26], [sflag:$0x1] =	stream.linear.gather [hbm4b:s9+s3], $0x10, $0x38;
	[tilespmem:$0x3110] =	vst v63  }
0x23: {  	_ =	swait.ge [sflag:s22], $0x10  }
0x24: {  	[sflag:s22] =	ssyncset.done $0x0  }
0x25: {  	[sflag:s22] =	ssyncadd.s32 $0xFFFFFFF0  }
0x26: {  	[spmem:s1] =	stream.indirect.scatter.add.f32 [tilespmem:s3], [sflag:$0x3], $0x10, s26, s28, $0xb8;
	[tilespmem:$0x3110] =	vst v63  }
0x27: {  	_ =	swait.ge [sflag:s19], $0x100  }
0x28: {  	s29 =	sadd.s32 $0x1, s29;
	[sflag:s19] =	ssyncset.done $0x0  }
0x29: {  	p0 =	sne.s32 s29, s11;
	[sflag:s19] =	ssyncadd.s32 $0xFFFFFF00  }
.Ltmp1:
0x2a: {  	[bflag:$0x0] =	sbarrier.arrive $0xFFFF;
	(pc) =	sbr.rel @!p0 .LBB2_5-.Ltmp1, $4  }
0x2b: {  	[hbm:s10], [sflag:s6] =	dma.local [spmem:s18], $0x4F0  }
0x2c: {  	_ =	swait.ge [sflag:s19], $0x4F0  }
0x2d: {  	[sflag:s19] =	ssyncset.done $0x0  }
0x2e: {  	[sflag:s19] =	ssyncadd.s32 $0xFFFFFB10  }
.LBB2_1:
0x2f: {  	[spmem:s18], [sflag:s6] =	dma.local [hbm:s5], $0x4F0  }
0x30: {  	_ =	swait.ge [sflag:s19], $0x4F0  }
0x31: {  	[sflag:s19] =	ssyncset.done $0x0  }
0x32: {  	[sflag:s19] =	ssyncadd.s32 $0xFFFFFB10  }
0x33: {  	[tilespmem:s3], [sflag:$0x3] =	stream.linear.gather [hbm4b:s4+s3], $0x800, $0x38;
	[tilespmem:$0x3110] =	vst v63  }
0x34: {  	_ =	swait.ge [sflag:s19], $0x800  }
0x35: {  	[sflag:s19] =	ssyncset.done $0x0  }
0x36: {  	[sflag:s19] =	ssyncadd.s32 $0xFFFFF800  }
0x37: {  	[bflag:$0x0] =	sbarrier.arrive $0xFFFF  }
0x38: {  	[tilespmem:s20], [sflag:$0x1] =	stream.linear.gather [hbm4b:s7+s3], $0x80, $0x38;
	[tilespmem:$0x3110] =	vst v63  }
0x39: {  	_ = 	snop  }
0x3a: {  	[tilespmem:s21], [sflag:$0x1] =	stream.linear.gather [hbm4b:s8+s3], $0x80, $0x38;
	[tilespmem:$0x3110] =	vst v63  }
0x3b: {  	_ =	swait.ge [sflag:s22], $0x80  }
0x3c: {  	[sflag:s22] =	ssyncset.done $0x0  }
0x3d: {  	[sflag:s22] =	ssyncadd.s32 $0xFFFFFF80  }
0x3e: {  	[spmem:s1] =	stream.indirect.scatter.add.f32 [tilespmem:s3], [sflag:$0x2], $0x10, s20, s23, $0xb8;
	[tilespmem:$0x3110] =	vst v63  }
0x3f: {  	_ = 	snop  }
0x40: {  	[tilespmem:s24], [sflag:$0x1] =	stream.linear.gather [hbm4b:s12+s3], $0x80, $0x38;
	[tilespmem:$0x3110] =	vst v63  }
0x41: {  	_ =	swait.ge [sflag:s22], $0x80  }
0x42: {  	[sflag:s22] =	ssyncset.done $0x0  }
0x43: {  	[sflag:s22] =	ssyncadd.s32 $0xFFFFFF80  }
0x44: {  	[spmem:s1] =	stream.indirect.scatter.add.f32 [tilespmem:s3], [sflag:$0x2], $0x10, s21, s23, $0xb8;
	[tilespmem:$0x3110] =	vst v63  }
0x45: {  	_ =	swait.ge [sflag:s25], $0x800  }
0x46: {  	[sflag:s25] =	ssyncset.done $0x0  }
0x47: {  	[sflag:s25] =	ssyncadd.s32 $0xFFFFF800  }
0x48: {  	[tilespmem:s20], [sflag:$0x1] =	stream.linear.gather [hbm4b:s13+s3], $0x80, $0x38;
	[tilespmem:$0x3110] =	vst v63  }
0x49: {  	_ =	swait.ge [sflag:s22], $0x80  }
0x4a: {  	[sflag:s22] =	ssyncset.done $0x0  }
0x4b: {  	[sflag:s22] =	ssyncadd.s32 $0xFFFFFF80  }
0x4c: {  	[spmem:s1] =	stream.indirect.scatter.add.f32 [tilespmem:s3], [sflag:$0x2], $0x10, s24, s23, $0xb8;
	[tilespmem:$0x3110] =	vst v63  }
0x4d: {  	_ =	swait.ge [sflag:s25], $0x800  }
0x4e: {  	[sflag:s25] =	ssyncset.done $0x0  }
0x4f: {  	s30 =	simm.s32 $0x0;
	[sflag:s25] =	ssyncadd.s32 $0xFFFFF800  }
0x50: {  	[tilespmem:s21], [sflag:$0x1] =	stream.linear.gather [hbm4b:s14+s3], $0x80, $0x38;
	[tilespmem:$0x3110] =	vst v63  }
.LBB2_2:
0x51: {  	_ =	swait.ge [sflag:s22], $0x80  }
0x52: {  	[sflag:s22] =	ssyncset.done $0x0  }
0x53: {  	[sflag:s22] =	ssyncadd.s32 $0xFFFFFF80  }
0x54: {  	[spmem:s1] =	stream.indirect.scatter.add.f32 [tilespmem:s3], [sflag:$0x2], $0x10, s20, s23, $0xb8;
	[tilespmem:$0x3110] =	vst v63  }
0x55: {  	_ =	swait.ge [sflag:s25], $0x800  }
0x56: {  	[sflag:s25] =	ssyncset.done $0x0  }
0x57: {  	s31 =	sadd.s32 s30, s17;
	[sflag:s25] =	ssyncadd.s32 $0xFFFFF800  }
0x58: {  	[tilespmem:s24], [sflag:$0x1] =	stream.linear.gather [hbm4b:s31+s3], $0x80, $0x38;
	[tilespmem:$0x3110] =	vst v63  }
0x59: {  	_ =	swait.ge [sflag:s22], $0x80  }
0x5a: {  	p0 =	seq.s32 s30, $0x480;
	[sflag:s22] =	ssyncset.done $0x0  }
.Ltmp2:
0x5b: {  	[sflag:s22] =	ssyncadd.s32 $0xFFFFFF80;
	(pc) =	sbr.rel @p0 .LBB2_4-.Ltmp2, $4  }
0x5c: {  	[spmem:s1] =	stream.indirect.scatter.add.f32 [tilespmem:s3], [sflag:$0x2], $0x10, s21, s23, $0xb8;
	[tilespmem:$0x3110] =	vst v63  }
0x5d: {  	_ =	swait.ge [sflag:s25], $0x800  }
0x5e: {  	[sflag:s25] =	ssyncset.done $0x0  }
0x5f: {  	[sflag:s25] =	ssyncadd.s32 $0xFFFFF800  }
0x60: {  	s31 =	sadd.s32 s30, s16  }
0x61: {  	[tilespmem:s20], [sflag:$0x1] =	stream.linear.gather [hbm4b:s31+s3], $0x80, $0x38;
	[tilespmem:$0x3110] =	vst v63  }
0x62: {  	_ =	swait.ge [sflag:s22], $0x80  }
0x63: {  	[sflag:s22] =	ssyncset.done $0x0  }
0x64: {  	[sflag:s22] =	ssyncadd.s32 $0xFFFFFF80  }
0x65: {  	[spmem:s1] =	stream.indirect.scatter.add.f32 [tilespmem:s3], [sflag:$0x2], $0x10, s24, s23, $0xb8;
	[tilespmem:$0x3110] =	vst v63  }
.Ltmp3:
0x66: {  	_ = 	snop;
	(pc) =	sbr.rel .LBB2_2-.Ltmp3, $4  }
0x67: {  	_ =	swait.ge [sflag:s25], $0x800  }
0x68: {  	[sflag:s25] =	ssyncset.done $0x0  }
0x69: {  	s31 =	sadd.s32 s30, s15;
	s30 =	sadd.s32 $0x30, s30;
	[sflag:s25] =	ssyncadd.s32 $0xFFFFF800  }
0x6a: {  	[tilespmem:s21], [sflag:$0x1] =	stream.linear.gather [hbm4b:s31+s3], $0x80, $0x38;
	[tilespmem:$0x3110] =	vst v63  }
.LBB2_5:
0x6b: {  	_ =	sfence.sel $0x180000  }
0x6c: {  	[bflag:$0x0] =	sbarrier.arrive $0xFFFF  }
0x6d: {  	p0 =	sne.s32 s2, $0x0;
	_ =	strace $0x90000047  }
0x6e: {  	s0 =	sadd.s32 @!p0 $0x100000, s0;
	[bflag:$0x2] =	sbarrier.arrive $0xFFFF  }
0x6f: {  	[sflag:s0] =	ssyncadd.tile.s32 @!p0 $0x1;
	_ =	shalt  }
.Lfunc_end2:
_tile_overlayer_lowered:
.L_overlay_start_2:
0x70: {  	(tag) =	ssettag $0x2  }
0x71: {  	s0 =	rddreg [dreg:$0x0];
	s2 =	stileid.u32  }
0x72: {  	s1 =	rddreg [dreg:$0x1];
	p0 =	sne.s32 s2, $0x0  }
0x73: {  	s3 =	rddreg [dreg:$0x2];
	[bflag:$0x3] =	sbarrier.arrive $0xFFFF;
	s2 =	simm.s32 @!p0 $0x1C03  }
0x74: {  	[timem:s3], [sflag:s2] =	dma.local @!p0 [hbm:s0], s1  }
0x75: {  	s0 =	simm.s32 @!p0 $0x3  }
0x76: {  	_ =	swait.ge @!p0 [sflag:s0], s1  }
0x77: {  	s1 =	ssub.s32 @!p0 $0x0, s1;
	[sflag:s0] =	ssyncset.done @!p0 $0x0  }
0x78: {  	[sflag:s0] =	ssyncadd.s32 @!p0 s1  }
0x79: {  	[bflag:$0x3] =	sbarrier.arrive $0xFFFF  }
0x7a: {  	_ =	shalt  }

// kernel: kernel.13.cloned.1.call-start
scs
__scs_entry_jumppad:
0x0: {  	(pc) =	sbr.rel $0x88, $3  }
0x1: {  	(tag) =	ssettag $0x0;
	lr =	simm.s32 $0x1  }
0x2: {  	[smem:$0x3F96] =	sst lr;
	_ =	strace $0xD0000000  }
0x3: {  	_ = 	snop  }
0x4: {  	_ = 	snop  }
0x5: {  	_ = 	snop  }
0x6: {  	_ = 	snop  }
0x7: {  	_ = 	snop  }
__scs_overlays_trampoline_lowered:
0x8: {  	[smem:$0x3FA5] =	sst s0  }
0x9: {  	[smem:$0x3FA6] =	sst s1  }
0xa: {  	[smem:$0x3FA7] =	sst s2  }
0xb: {  	[smem:$0x3FA8] =	sst s3  }
0xc: {  	[smem:$0x3FA9] =	sst s4  }
0xd: {  	[smem:$0x3FAA] =	sst s5  }
0xe: {  	[smem:$0x3FAB] =	sst s6  }
0xf: {  	[smem:$0x3FAC] =	sst s7  }
0x10: {  	[smem:$0x3FAD] =	sst s8  }
0x11: {  	[smem:$0x3FAE] =	sst s9;
	s0 =	simm.s32 @!p0 $0x0  }
0x12: {  	s1 =	sld [smem:$0x3F94];
	s0 =	simm.s32 @p0 $0x1  }
0x13: {  	[smem:$0x3FAF] =	sst s0;
	s0 =	simm.s32 @!p1 $0x0  }
0x14: {  	s2 =	sld [smem:$0x3F93];
	s0 =	simm.s32 @p1 $0x1  }
0x15: {  	[smem:$0x3FB0] =	sst s0;
	s0 =	simm.s32 @!p2 $0x0  }
0x16: {  	s3 =	sld [smem:$0x3FDB];
	s0 =	simm.s32 @p2 $0x1  }
0x17: {  	s4 =	simm.s32 $0x1BF5;
	[smem:$0x3FB2] =	sst s0  }
0x18: {  	s0 =	sld [smem:$0x3F95];
	_ =	swait.ge [sflag:s4], $0x0  }
0x19: {  	s7 =	sld [smem:$0x3F96]  }
0x1a: {  	s8 =	sadd.s32 $0xFFFFE003, lr  }
0x1b: {  	s9 =	sadd.s32 $0xFFFFFEF7, lr;
	s5 =	simm.s32 $0xFFFFFFFF;
	p2 =	slt.u32 s8, $0xFFFFF086  }
0x1c: {  	p1 =	slt.u32 s9, $0xF7A;
	s5 =	simm.s32 @!p2 $0x0  }
0x1d: {  	s5 =	simm.s32 @p1 $0x1;
	p0 =	seq.s32 s7, s2  }
0x1e: {  	s7 =	smul.u32 @!p0 $0xF7A, s2;
	p2 =	seq.s32 @!p0 s5, $0x0  }
0x1f: {  	s9 =	smul.u32 $0xF7A, s1;
	s8 =	simm.s32 @!p0 $0x1BF5;
	p2 =	por !p2, p0  }
0x20: {  	[sflag:s8] =	ssyncset.s32 @!p0 $0xFFFFF086;
	s6 =	sadd.s32 @!p0 s3, s7;
	s7 =	simm.s32 @!p0 $0x108  }
0x21: {  	s3 =	sadd.s32 s3, s9;
	s6 =	sadd.s32 @!p0 $0x88, s6;
	s7 =	simm.s32 @p2 $0x1082  }
0x22: {  	[simem:s7], [sflag:s8] =	dma.local @!p0 [hbm:s6], $0xF7A  }
0x23: {  	s9 =	sor.u32 $0xD0000000, s2;
	s6 =	simm.s32 $0x108;
	_ =	swait.ge @!p0 [sflag:s8], $0x0  }
0x24: {  	s3 =	sadd.s32 $0x88, s3;
	s6 =	simm.s32 @!p1 $0x1082;
	[sflag:s4] =	ssyncset.s32 $0xFFFFF086  }
0x25: {  	[simem:s6], [sflag:s4] =	dma.local [hbm:s3], $0xF7A  }
0x26: {  	[smem:$0x3F96] =	sst s1;
	(tag) =	ssettag s2;
	_ =	strace s9  }
0x27: {  	s1 =	sld [smem:$0x3FA6]  }
0x28: {  	s2 =	sld [smem:$0x3FA7]  }
0x29: {  	s4 =	sld [smem:$0x3FA9]  }
0x2a: {  	p0 =	seq.s32 s5, $0x0;
	s5 =	sld [smem:$0x3FAA]  }
0x2b: {  	s6 =	sld [smem:$0x3FAB]  }
0x2c: {  	s7 =	sld [smem:$0x3FAC]  }
0x2d: {  	s3 =	simm.s32 $0x108;
	s8 =	sld [smem:$0x3FAD]  }
0x2e: {  	s3 =	simm.s32 @!p0 $0x1082;
	s9 =	sld [smem:$0x3FAE]  }
0x2f: {  	lr =	sadd.s32 s0, s3;
	s0 =	sld [smem:$0x3FA5]  }
0x30: {  	s3 =	sld [smem:$0x3FA8]  }
0x31: {  	[smem:$0x3FB1] =	sst s10  }
0x32: {  	s10 =	sld [smem:$0x3FAF];
	_ =	sdelay $0x3  }
0x33: {  	p0 =	seq.s32 s10, $0x1;
	s10 =	sld [smem:$0x3FB1];
	_ =	sdelay $0x3  }
0x34: {  	[smem:$0x3FB1] =	sst s10  }
0x35: {  	s10 =	sld [smem:$0x3FB0];
	_ =	sdelay $0x3  }
0x36: {  	p1 =	seq.s32 s10, $0x1;
	s10 =	sld [smem:$0x3FB1];
	_ =	sdelay $0x3  }
0x37: {  	[smem:$0x3FB1] =	sst s10  }
0x38: {  	s10 =	sld [smem:$0x3FB2]  }
0x39: {  	_ = 	snop;
	(pc) =	sbr.ind lr, $3  }
0x3a: {  	_ = 	snop  }
0x3b: {  	_ = 	snop  }
0x3c: {  	p2 =	seq.s32 s10, $0x1;
	s10 =	sld [smem:$0x3FB1]  }
0x3d: {  	_ =	shalt  }
0x3e: {  	_ =	shalt  }
0x3f: {  	_ =	shalt  }
0x40: {  	_ =	shalt  }
0x41: {  	_ =	shalt  }
0x42: {  	_ =	shalt  }
0x43: {  	_ =	shalt  }
0x44: {  	_ =	shalt  }
0x45: {  	_ =	shalt  }
0x46: {  	_ =	shalt  }
0x47: {  	_ =	shalt  }
0x48: {  	_ =	shalt  }
0x49: {  	_ =	shalt  }
0x4a: {  	_ =	shalt  }
0x4b: {  	_ =	shalt  }
0x4c: {  	_ =	shalt  }
0x4d: {  	_ =	shalt  }
0x4e: {  	_ =	shalt  }
0x4f: {  	_ =	shalt  }
0x50: {  	_ =	shalt  }
0x51: {  	_ =	shalt  }
0x52: {  	_ =	shalt  }
0x53: {  	_ =	shalt  }
0x54: {  	_ =	shalt  }
0x55: {  	_ =	shalt  }
0x56: {  	_ =	shalt  }
0x57: {  	_ =	shalt  }
0x58: {  	_ =	shalt  }
0x59: {  	_ =	shalt  }
0x5a: {  	_ =	shalt  }
0x5b: {  	_ =	shalt  }
0x5c: {  	_ =	shalt  }
0x5d: {  	_ =	shalt  }
0x5e: {  	_ =	shalt  }
0x5f: {  	_ =	shalt  }
0x60: {  	_ =	shalt  }
0x61: {  	_ =	shalt  }
0x62: {  	_ =	shalt  }
0x63: {  	_ =	shalt  }
0x64: {  	_ =	shalt  }
0x65: {  	_ =	shalt  }
0x66: {  	_ =	shalt  }
0x67: {  	_ =	shalt  }
0x68: {  	_ =	shalt  }
0x69: {  	_ =	shalt  }
0x6a: {  	_ =	shalt  }
0x6b: {  	_ =	shalt  }
0x6c: {  	_ =	shalt  }
0x6d: {  	_ =	shalt  }
0x6e: {  	_ =	shalt  }
0x6f: {  	_ =	shalt  }
0x70: {  	_ =	shalt  }
0x71: {  	_ =	shalt  }
0x72: {  	_ =	shalt  }
0x73: {  	_ =	shalt  }
0x74: {  	_ =	shalt  }
0x75: {  	_ =	shalt  }
0x76: {  	_ =	shalt  }
0x77: {  	_ =	shalt  }
0x78: {  	_ =	shalt  }
0x79: {  	_ =	shalt  }
0x7a: {  	_ =	shalt  }
0x7b: {  	_ =	shalt  }
0x7c: {  	_ =	shalt  }
0x7d: {  	_ =	shalt  }
0x7e: {  	_ =	shalt  }
0x7f: {  	_ =	shalt  }
0x80: {  	_ =	shalt  }
0x81: {  	_ =	shalt  }
0x82: {  	_ =	shalt  }
0x83: {  	_ =	shalt  }
0x84: {  	_ =	shalt  }
0x85: {  	_ =	shalt  }
0x86: {  	_ =	shalt  }
0x87: {  	_ =	shalt  }
.Lfunc_end0:
.L_simem_size_0:
called_computation.1_lowered:
.L_overlay_start_0:
0x88: {  	s2 =	sld [smem:$0x3FD9]  }
0x89: {  	s3 =	sld [smem:$0x3FFE];
	_ =	sdelay $0x1  }
0x8a: {  	s1 =	srdreg.scid  }
0x8b: {  	s0 =	sand.u32 $0x1, s1  }
0x8c: {  	s17 =	sshll.u32 s0, $0xA;
	s2 =	sadd.s32 s3, s2  }
0x8d: {  	s2 =	sadd.s32 s2, s17  }
0x8e: {  	[smem:$0x3FBD] =	sst s2  }
0x8f: {  	_ = 	snop  }
0x90: {  	(tm) =	ssettm $0x1  }
0x91: {  	s18 =	sld [smem:$0x3FFB];
	_ =	sdelay $0x3  }
0x92: {  	_ =	strace s18  }
0x93: {  	s2 =	sld [smem:$0x3FFC];
	_ =	sdelay $0x3  }
0x94: {  	_ =	strace s2  }
0x95: {  	s2 =	sld [smem:$0x3FFD];
	_ =	sdelay $0x3  }
0x96: {  	_ =	strace s2  }
0x97: {  	_ =	strace $0x8FFFFFFF  }
0x98: {  	s19 =	sld [smem:$0x3FDB];
	_ =	sdelay $0x1  }
0x99: {  	s20 =	simm.s32 $_scs_section_size  }
0x9a: {  	s4 =	simm.s32 $_size__tile_overlayer_lowered;
	s5 =	simm.s32 $_tile_overlayer_lowered  }
0x9b: {  	s6 =	simm.s32 $0x1BFF;
	s21 =	sshll.u32 s5, $0x1;
	s3 =	sadd.s32 s20, s19  }
0x9c: {  	s22 =	simm.s32 $0x0;
	s4 =	sshll.u32 s4, $0x1;
	s5 =	sadd.s32 s21, s3  }
0x9d: {  	[timem:s22], [sflag:s6] =	dma.local [hbm:s5], s4  }
0x9e: {  	_ =	swait.ge [sflag:s6], s4  }
0x9f: {  	s4 =	ssub.s32 $0x0, s4;
	[sflag:s6] =	ssyncset.done $0x0  }
0xa0: {  	[sflag:s6] =	ssyncadd.s32 s4;
	_ =	sdelay $0x1  }
0xa1: {  	s23 =	simm.s32 $0x1B8B  }
0xa2: {  	_ =	swait.ge [sflag:s23], $0x1  }
0xa3: {  	[sflag:s23] =	ssyncset.done $0x0  }
0xa4: {  	[sflag:s23] =	ssyncadd.s32 $0xFFFFFFFF  }
0xa5: {  	s4 =	sld [smem:$0x0]  }
0xa6: {  	s5 =	sand.u32 $0xFFFFFFFE, s1  }
0xa7: {  	p0 =	sne.s32 s1, s5  }
0xa8: {  	s5 =	sshll.u32 @p0 s5, $0xE  }
0xa9: {  	s5 =	sadd.s32 @p0 $0x11B8D, s5;
	s6 =	sshll.u32 @p0 s4, $0x11  }
0xaa: {  	s5 =	sor.u32 @p0 s6, s5  }
0xab: {  	[sflag:s5] =	ssyncadd.remote.s32 @p0 $0x1;
	_ =	sdelay $0x1  }
0xac: {  	s5 =	simm.s32 @p0 $0x1B8D  }
0xad: {  	_ =	swait.eq @p0 [sflag:s5], $0x1  }
0xae: {  	[sflag:s5] =	ssyncadd.s32 @p0 $0xFFFFFFFF  }
0xaf: {  	s6 =	sshll.u32 @!p0 s1, $0xE  }
0xb0: {  	s6 =	sor.u32 @!p0 $0x4000, s6;
	s5 =	simm.s32 @!p0 $0x1B8D  }
0xb1: {  	s4 =	sshll.u32 @!p0 s4, $0x11;
	s6 =	sadd.s32 @!p0 $0x11B8D, s6;
	_ =	swait.eq @!p0 [sflag:s5], $0x1  }
0xb2: {  	s4 =	sor.u32 @!p0 s4, s6;
	[sflag:s5] =	ssyncadd.s32 @!p0 $0xFFFFFFFF  }
0xb3: {  	s25 =	simm.s32 $0x1B8E;
	s24 =	sld [smem:$0x3FFE];
	[sflag:s4] =	ssyncadd.remote.s32 @!p0 $0x1  }
0xb4: {  	s26 =	simm.s32 $execute0_lowered;
	[smem:$0x3FD2] =	sst s25  }
0xb5: {  	s5 =	sshll.u32 s26, $0x1;
	_ =	strace $0x80000049;
	[dreg:$0x1] =	wrdreg $0xFFFFFFFF  }
0xb6: {  	s28 =	simm.s32 $_size_execute0_lowered;
	s3 =	sadd.s32 s3, s5;
	[dreg:$0x0] =	wrdreg $0x0  }
0xb7: {  	s5 =	sshll.u32 s28, $0x1;
	[dreg:$0x2] =	wrdreg s3  }
0xb8: {  	[dreg:$0x3] =	wrdreg s5  }
0xb9: {  	[dreg:$0x4] =	wrdreg $0xC0  }
0xba: {  	_ =	task [dreg:s22], $0x5FFFF  }
0xbb: {  	[dreg:$0x1] =	wrdreg $0xFFFFFFFF  }
0xbc: {  	[dreg:$0x0] =	wrdreg $0x60  }
0xbd: {  	[dreg:$0x2] =	wrdreg s24  }
0xbe: {  	[dreg:$0x3] =	wrdreg $0xC3800  }
0xbf: {  	[dreg:$0x4] =	wrdreg $0xA  }
0xc0: {  	_ =	task.clear_ibuf [dreg:s22], $0x5FFFF;
	_ =	strace $0x90000049  }
0xc1: {  	s29 =	simm.s32 $0xA;
	_ =	strace $0x8000004B  }
0xc2: {  	_ =	swait.ge [sflag:s29], $0x1  }
0xc3: {  	[sflag:s29] =	ssyncadd.s32 $0xFFFFFFFF  }
0xc4: {  	_ =	strace $0x9000004B  }
0xc5: {  	_ =	sfence  }
0xc6: {  	s30 =	sld [smem:$0x0];
	_ =	sdelay $0x2  }
0xc7: {  	s31 =	sshll.u32 s1, $0xD;
	s1 =	sshrl.u32 s1, $0x2  }
0xc8: {  	s4 =	sand.u32 $0x4000, s31;
	s1 =	sadd.s32 s1, s30  }
0xc9: {  	s0 =	sor.u32 s4, s0;
	s1 =	sshll.u32 s1, $0x11  }
0xca: {  	s0 =	sor.u32 s1, s0  }
0xcb: {  	s0 =	sadd.s32 $0x8F2B, s0  }
0xcc: {  	[sflag:s0] =	ssyncadd.remote.s32 $0x1  }
0xcd: {  	_ =	sfence.sel $0xFFFF  }
0xce: {  	[dreg:$0x0] =	wrdreg $0xFFFFFFFF;
	(pc) =	sbr.abs _section_cstart, $3  }
0xcf: {  	[dreg:$0x1] =	wrdreg $0xFFFFFFFF  }
0xd0: {  	_ =	task.clear_ibuf [dreg:s22], $0x2FFFF;
	_ =	strace $0x9FFFFFFF  }
0xd1: {  	(tm) =	ssettm $0x7FFFFFFF  }
tec
execute0_lowered:
.L_overlay_start_1:
0x0: {  	(tag) =	ssettag $0x1  }
0x1: {  	s0 =	rddreg [dreg:$0x0]  }
0x2: {  	s2 =	rddreg [dreg:$0x1];
	s3 =	simm.s32 $0x0;
	s12 =	stileid.u32  }
0x3: {  	s1 =	srdreg.scid;
	s28 =	simm.s32 $0x4;
	s29 =	simm.s32 $0x3  }
0x4: {  	s30 =	simm.s32 $0x300;
	s31 =	simm.s32 $0x4300;
	s6 =	smul.u32 $0x2780, s12  }
0x5: {  	[smem:$0x7FF] =	sst s3;
	s1 =	sand.u32 $0x1, s1;
	s10 =	smul.u32 $0x4F000, s12  }
0x6: {  	s4 =	sadd.s32 $0x1BE00, s0;
	s5 =	sadd.s32 $0x3200, s0;
	s14 =	smul.u32 $0x2710, s12  }
0x7: {  	s13 =	sshll.u32 s12, $0x6;
	_ =	strace $0x8000004A;
	s7 =	smul.u32 $0x27800, s1  }
0x8: {  	s9 =	sshll.u32 s1, $0x4;
	s25 =	ssub.s32 $0x2, s1;
	s1 =	smul.u32 $0x27100, s1  }
0x9: {  	s8 =	sadd.s32 s6, s0;
	s9 =	sor.u32 s12, s9;
	s11 =	sshrl.u32 s25, $0x1  }
0xa: {  	s10 =	sshrl.u32 s10, $0x2;
	s12 =	simm.s32 $0x10;
	s6 =	sadd.s32 s6, s7  }
0xb: {  	s9 =	smul.u32 $0x2710, s9;
	s26 =	ssub.s32 s25, s11;
	s10 =	sadd.s32 s10, s2  }
0xc: {  	s8 =	sadd.s32 $0x43600, s8;
	s1 =	sadd.s32 s14, s1;
	s0 =	sadd.s32 s6, s0  }
0xd: {  	[dreg:$0x3] =	wrdreg s8;
	s8 =	sor.u32 $0x1C05, s13;
	s20 =	sadd.s32 $0x4E380, s1  }
0xe: {  	s6 =	smax.u32 s26, $0x1;
	s21 =	sadd.s32 $0x4E400, s1;
	s22 =	sadd.s32 $0x180, s1  }
0xf: {  	s24 =	sadd.s32 $0x200, s1;
	s25 =	sadd.s32 $0x4E300, s1;
	s1 =	sadd.s32 $0x100, s1  }
0x10: {  	s13 =	simm.s32 $0x0;
	s11 =	sshrl.u32 s9, $0x3;
	[dreg:$0xa] =	wrdreg s6  }
0x11: {  	s0 =	sadd.s32 $0x6AE00, s0;
	[dreg:$0xb] =	wrdreg s22;
	s23 =	sshrl.u32 s21, $0x3  }
0x12: {  	s6 =	sshrl.u32 s25, $0x3;
	s26 =	sshrl.u32 s1, $0x3;
	s22 =	sshrl.u32 s10, $0x3  }
0x13: {  	s25 =	simm.s32 $0x80;
	s1 =	simm.s32 $0x100;
	s9 =	simm.s32 $0x8300  }
0x14: {  	s10 =	simm.s32 $0x2;
	s7 =	sadd.s32 s5, s11;
	[dreg:$0x9] =	wrdreg s0  }
0x15: {  	s0 =	sshrl.u32 s20, $0x3;
	s20 =	sadd.s32 s6, s5;
	s15 =	sadd.s32 $0x9C40, s7  }
0x16: {  	s21 =	sadd.s32 s26, s5;
	s16 =	sadd.s32 $0x10, s7;
	[dreg:$0x4] =	wrdreg s15  }
0x17: {  	s26 =	simm.s32 $0x200;
	s17 =	sadd.s32 $0x9C50, s7;
	[dreg:$0x5] =	wrdreg s16  }
.Ltmp0:
0x18: {  	s18 =	sadd.s32 $0x4E0, s7;
	[dreg:$0x6] =	wrdreg s17;
	(pc) =	sbr.rel .LBB2_1-.Ltmp0, $4  }
0x19: {  	s6 =	simm.s32 $0x280;
	s19 =	sadd.s32 $0xA120, s7;
	[dreg:$0x7] =	wrdreg s18  }
0x1a: {  	s11 =	simm.s32 $0xC300;
	[dreg:$0x8] =	wrdreg s19;
	s16 =	sadd.s32 s0, s5  }
0x1b: {  	s18 =	sadd.s32 s23, s5;
	s0 =	sshrl.u32 s24, $0x3;
	s23 =	simm.s32 $0x5  }
0x1c: {  	s24 =	simm.s32 $0x180;
	s19 =	sadd.s32 s0, s5;
	s0 =	simm.s32 $0x1  }
.LBB2_4:
0x1d: {  	_ =	swait.ge [sflag:s0], $0x4000  }
0x1e: {  	[sflag:s0] =	ssyncset.done $0x0  }
0x1f: {  	[sflag:s0] =	ssyncadd.s32 $0xFFFFC000  }
0x20: {  	[spmem:s2] =	stream.indirect.scatter.add.f32 [tilespmem:s9], [sflag:$0x2], $0x80, s6, s25, $0xb8;
	[tilespmem:$0x1FF80] =	vst v63  }
0x21: {  	_ =	swait.ge [sflag:s10], $0x4000  }
0x22: {  	[sflag:s10] =	ssyncset.done $0x0  }
0x23: {  	[sflag:s10] =	ssyncadd.s32 $0xFFFFC000  }
0x24: {  	_ =	swait.ge [sflag:s10], $0x4000  }
0x25: {  	[sflag:s10] =	ssyncset.done $0x0  }
0x26: {  	s14 =	rddreg [dreg:$0x7];
	[sflag:s10] =	ssyncadd.s32 $0xFFFFC000  }
0x27: {  	[tilespmem:s3], [sflag:$0x4] =	stream.linear.gather [hbm4b:s14+s3], $0x10, $0x38;
	[tilespmem:$0x1FF80] =	vst v63  }
0x28: {  	s17 =	rddreg [dreg:$0x8]  }
0x29: {  	[tilespmem:s11], [sflag:$0x3] =	stream.linear.gather [hbm4b:s17+s3], $0x10, $0x38;
	[tilespmem:$0x1FF80] =	vst v63  }
0x2a: {  	_ =	swait.ge [sflag:s28], $0x10  }
0x2b: {  	[sflag:s28] =	ssyncset.done $0x0  }
0x2c: {  	[sflag:s28] =	ssyncadd.s32 $0xFFFFFFF0  }
0x2d: {  	_ =	swait.ge [sflag:s29], $0x10  }
0x2e: {  	[sflag:s29] =	ssyncset.done $0x0  }
0x2f: {  	[sflag:s29] =	ssyncadd.s32 $0xFFFFFFF0  }
0x30: {  	[tilespmem:s30], [sflag:$0x1] =	stream.indirect.gather [hbm4b:s4+s12], $0x80, s3, s12, $0xb8;
	[tilespmem:$0x1FF80] =	vst v63  }
0x31: {  	_ =	swait.ge [sflag:s0], $0x800  }
0x32: {  	[sflag:s0] =	ssyncset.done $0x0  }
0x33: {  	[sflag:s0] =	ssyncadd.s32 $0xFFFFF800  }
0x34: {  	[spmem:s2] =	stream.indirect.scatter.add.f32 [tilespmem:s30], [sflag:$0x5], $0x80, s11, s12, $0xb8;
	[tilespmem:$0x1FF80] =	vst v63  }
0x35: {  	_ =	swait.ge [sflag:s23], $0x800  }
0x36: {  	[sflag:s23] =	ssyncset.done $0x0  }
0x37: {  	[sflag:s23] =	ssyncadd.s32 $0xFFFFF800  }
0x38: {  	[bflag:$0x0] =	sbarrier.arrive $0xFFFF  }
0x39: {  	s15 =	rddreg [dreg:$0x9]  }
0x3a: {  	[hbm:s15], [sflag:s8] =	dma.local [spmem:s22], $0x2780  }
0x3b: {  	_ =	swait.ge [sflag:s23], $0x2780  }
0x3c: {  	s13 =	sadd.s32 $0x1, s13;
	s17 =	rddreg [dreg:$0xa]  }
0x3d: {  	p0 =	sne.s32 s13, s17  }
.Ltmp1:
0x3e: {  	_ = 	snop;
	(pc) =	sbr.rel @!p0 .LBB2_5-.Ltmp1, $3  }
0x3f: {  	_ =	sdelay $0x1  }
0x40: {  	[sflag:s23] =	ssyncset.done $0x0  }
0x41: {  	[sflag:s23] =	ssyncadd.s32 $0xFFFFD880  }
.LBB2_1:
0x42: {  	s14 =	rddreg [dreg:$0x3]  }
0x43: {  	[spmem:s22], [sflag:s8] =	dma.local [hbm:s14], $0x2780  }
0x44: {  	_ =	swait.ge [sflag:s23], $0x2780  }
0x45: {  	[sflag:s23] =	ssyncset.done $0x0  }
0x46: {  	[sflag:s23] =	ssyncadd.s32 $0xFFFFD880  }
0x47: {  	[bflag:$0x0] =	sbarrier.arrive $0xFFFF  }
0x48: {  	[tilespmem:s3], [sflag:$0x4] =	stream.linear.gather [hbm4b:s7+s3], $0x80, $0x38;
	[tilespmem:$0x1FF80] =	vst v63  }
0x49: {  	s17 =	rddreg [dreg:$0x4]  }
0x4a: {  	[tilespmem:s24], [sflag:$0x3] =	stream.linear.gather [hbm4b:s17+s3], $0x80, $0x38;
	[tilespmem:$0x1FF80] =	vst v63  }
0x4b: {  	s15 =	rddreg [dreg:$0x5]  }
0x4c: {  	[tilespmem:s25], [sflag:$0x4] =	stream.linear.gather [hbm4b:s15+s3], $0x80, $0x38;
	[tilespmem:$0x1FF80] =	vst v63  }
0x4d: {  	s17 =	rddreg [dreg:$0x6]  }
0x4e: {  	[tilespmem:s26], [sflag:$0x3] =	stream.linear.gather [hbm4b:s17+s3], $0x80, $0x38;
	[tilespmem:$0x1FF80] =	vst v63  }
0x4f: {  	_ =	swait.ge [sflag:s28], $0x80  }
0x50: {  	[sflag:s28] =	ssyncset.done $0x0  }
0x51: {  	[sflag:s28] =	ssyncadd.s32 $0xFFFFFF80  }
0x52: {  	_ =	swait.ge [sflag:s29], $0x80  }
0x53: {  	[sflag:s29] =	ssyncset.done $0x0  }
0x54: {  	s15 =	simm.s32 $0x0;
	s17 =	rddreg [dreg:$0xb];
	[sflag:s29] =	ssyncadd.s32 $0xFFFFFF80  }
0x55: {  	[tilespmem:s30], [sflag:$0x1] =	stream.indirect.gather [hbm4b:s4+s25], $0x80, s3, s25, $0xb8;
	[tilespmem:$0x1FF80] =	vst v63  }
.LBB2_2:
0x56: {  	_ =	swait.ge [sflag:s28], $0x80  }
0x57: {  	[sflag:s28] =	ssyncset.done $0x0  }
0x58: {  	[sflag:s28] =	ssyncadd.s32 $0xFFFFFF80  }
0x59: {  	_ =	swait.ge [sflag:s29], $0x80  }
0x5a: {  	[sflag:s29] =	ssyncset.done $0x0  }
0x5b: {  	[sflag:s29] =	ssyncadd.s32 $0xFFFFFF80  }
0x5c: {  	[tilespmem:s31], [sflag:$0x1] =	stream.indirect.gather [hbm4b:s4+s25], $0x80, s25, s25, $0xb8;
	[tilespmem:$0x1FF80] =	vst v63  }
0x5d: {  	_ =	swait.ge [sflag:s0], $0x4000  }
0x5e: {  	p0 =	seq.s32 s15, $0x0;
	[sflag:s0] =	ssyncset.done $0x0  }
0x5f: {  	s14 =	simm.s32 @!p0 $0x2;
	[sflag:s0] =	ssyncadd.s32 $0xFFFFC000  }
0x60: {  	[spmem:s2] =	stream.indirect.scatter.add.f32 [tilespmem:s30], [sflag:$0x2], $0x80, s24, s25, $0xb8;
	[tilespmem:$0x1FF80] =	vst v63  }
0x61: {  	_ =	swait.ge @!p0 [sflag:s14], $0x4000  }
0x62: {  	[sflag:s14] =	ssyncset.done @!p0 $0x0  }
0x63: {  	[sflag:s14] =	ssyncadd.s32 @!p0 $0xFFFFC000;
	s14 =	sadd.s32 s15, s21  }
0x64: {  	[tilespmem:s1], [sflag:$0x4] =	stream.linear.gather [hbm4b:s14+s3], $0x80, $0x38;
	[tilespmem:$0x1FF80] =	vst v63  }
0x65: {  	s14 =	sadd.s32 s15, s20  }
0x66: {  	[tilespmem:s6], [sflag:$0x3] =	stream.linear.gather [hbm4b:s14+s3], $0x80, $0x38;
	[tilespmem:$0x1FF80] =	vst v63  }
0x67: {  	_ =	swait.ge [sflag:s28], $0x80  }
0x68: {  	[sflag:s28] =	ssyncset.done $0x0  }
0x69: {  	[sflag:s28] =	ssyncadd.s32 $0xFFFFFF80  }
0x6a: {  	_ =	swait.ge [sflag:s29], $0x80  }
0x6b: {  	[sflag:s29] =	ssyncset.done $0x0  }
0x6c: {  	[sflag:s29] =	ssyncadd.s32 $0xFFFFFF80  }
0x6d: {  	[tilespmem:s9], [sflag:$0x1] =	stream.indirect.gather [hbm4b:s4+s25], $0x80, s1, s25, $0xb8;
	[tilespmem:$0x1FF80] =	vst v63  }
0x6e: {  	_ =	swait.ge [sflag:s0], $0x4000  }
0x6f: {  	p0 =	seq.s32 s15, $0x4B0;
	[sflag:s0] =	ssyncset.done $0x0  }
.Ltmp2:
0x70: {  	[sflag:s0] =	ssyncadd.s32 $0xFFFFC000;
	(pc) =	sbr.rel @p0 .LBB2_4-.Ltmp2, $4  }
0x71: {  	[spmem:s2] =	stream.indirect.scatter.add.f32 [tilespmem:s31], [sflag:$0x2], $0x80, s26, s25, $0xb8;
	[tilespmem:$0x1FF80] =	vst v63  }
0x72: {  	_ =	swait.ge [sflag:s10], $0x4000  }
0x73: {  	[sflag:s10] =	ssyncset.done $0x0  }
0x74: {  	[sflag:s10] =	ssyncadd.s32 $0xFFFFC000  }
0x75: {  	s14 =	sshrl.u32 s17, $0x3  }
0x76: {  	s14 =	sadd.s32 s5, s14  }
0x77: {  	[tilespmem:s3], [sflag:$0x4] =	stream.linear.gather [hbm4b:s14+s3], $0x80, $0x38;
	[tilespmem:$0x1FF80] =	vst v63  }
0x78: {  	s14 =	sadd.s32 s15, s16  }
0x79: {  	[tilespmem:s24], [sflag:$0x3] =	stream.linear.gather [hbm4b:s14+s3], $0x80, $0x38;
	[tilespmem:$0x1FF80] =	vst v63  }
0x7a: {  	_ =	swait.ge [sflag:s28], $0x80  }
0x7b: {  	[sflag:s28] =	ssyncset.done $0x0  }
0x7c: {  	[sflag:s28] =	ssyncadd.s32 $0xFFFFFF80  }
0x7d: {  	_ =	swait.ge [sflag:s29], $0x80  }
0x7e: {  	[sflag:s29] =	ssyncset.done $0x0  }
0x7f: {  	[sflag:s29] =	ssyncadd.s32 $0xFFFFFF80  }
0x80: {  	[tilespmem:s30], [sflag:$0x1] =	stream.indirect.gather [hbm4b:s4+s25], $0x80, s3, s25, $0xb8;
	[tilespmem:$0x1FF80] =	vst v63  }
0x81: {  	_ =	swait.ge [sflag:s0], $0x4000  }
0x82: {  	[sflag:s0] =	ssyncset.done $0x0  }
0x83: {  	[sflag:s0] =	ssyncadd.s32 $0xFFFFC000  }
0x84: {  	[spmem:s2] =	stream.indirect.scatter.add.f32 [tilespmem:s9], [sflag:$0x2], $0x80, s6, s25, $0xb8;
	[tilespmem:$0x1FF80] =	vst v63  }
0x85: {  	_ =	swait.ge [sflag:s10], $0x4000  }
.Ltmp3:
0x86: {  	[sflag:s10] =	ssyncset.done $0x0;
	(pc) =	sbr.rel .LBB2_2-.Ltmp3, $4  }
0x87: {  	s14 =	sadd.s32 s15, s19;
	[sflag:s10] =	ssyncadd.s32 $0xFFFFC000  }
0x88: {  	[tilespmem:s25], [sflag:$0x4] =	stream.linear.gather [hbm4b:s14+s3], $0x80, $0x38;
	[tilespmem:$0x1FF80] =	vst v63  }
0x89: {  	s17 =	sadd.s32 $0x180, s17;
	s14 =	sadd.s32 s15, s18;
	s15 =	sadd.s32 $0x30, s15  }
0x8a: {  	[tilespmem:s26], [sflag:$0x3] =	stream.linear.gather [hbm4b:s14+s3], $0x80, $0x38;
	[tilespmem:$0x1FF80] =	vst v63  }
.LBB2_5:
0x8b: {  	_ =	sfence.sel $0x180000  }
0x8c: {  	[bflag:$0x0] =	sbarrier.arrive $0xFFFF  }
0x8d: {  	_ =	strace $0x9000004A  }
0x8e: {  	s0 =	stileid.u32;
	[bflag:$0x2] =	sbarrier.arrive $0xFFFF  }
0x8f: {  	p0 =	sne.s32 s0, $0x0;
	s0 =	rddreg [dreg:$0x2]  }
0x90: {  	s0 =	sadd.s32 @!p0 $0x100000, s0  }
0x91: {  	[sflag:s0] =	ssyncadd.tile.s32 @!p0 $0x1;
	_ =	shalt  }
.Lfunc_end2:
_tile_overlayer_lowered:
.L_overlay_start_2:
0x92: {  	(tag) =	ssettag $0x2  }
0x93: {  	s0 =	rddreg [dreg:$0x0];
	s2 =	stileid.u32  }
0x94: {  	s1 =	rddreg [dreg:$0x1];
	p0 =	sne.s32 s2, $0x0  }
0x95: {  	s3 =	rddreg [dreg:$0x2];
	[bflag:$0x3] =	sbarrier.arrive $0xFFFF;
	s2 =	simm.s32 @!p0 $0x1C05  }
0x96: {  	[timem:s3], [sflag:s2] =	dma.local @!p0 [hbm:s0], s1  }
0x97: {  	s0 =	simm.s32 @!p0 $0x5  }
0x98: {  	_ =	swait.ge @!p0 [sflag:s0], s1  }
0x99: {  	s1 =	ssub.s32 @!p0 $0x0, s1;
	[sflag:s0] =	ssyncset.done @!p0 $0x0  }
0x9a: {  	[sflag:s0] =	ssyncadd.s32 @!p0 s1  }
0x9b: {  	[bflag:$0x3] =	sbarrier.arrive $0xFFFF  }
0x9c: {  	_ =	shalt  }

// kernel: kernel.16.cloned.1.call-start
scs
__scs_entry_jumppad:
0x0: {  	(pc) =	sbr.rel $0x88, $3  }
0x1: {  	(tag) =	ssettag $0x0;
	lr =	simm.s32 $0x1  }
0x2: {  	[smem:$0x3F96] =	sst lr;
	_ =	strace $0xD0000000  }
0x3: {  	_ = 	snop  }
0x4: {  	_ = 	snop  }
0x5: {  	_ = 	snop  }
0x6: {  	_ = 	snop  }
0x7: {  	_ = 	snop  }
__scs_overlays_trampoline_lowered:
0x8: {  	[smem:$0x3FA5] =	sst s0  }
0x9: {  	[smem:$0x3FA6] =	sst s1  }
0xa: {  	[smem:$0x3FA7] =	sst s2  }
0xb: {  	[smem:$0x3FA8] =	sst s3  }
0xc: {  	[smem:$0x3FA9] =	sst s4  }
0xd: {  	[smem:$0x3FAA] =	sst s5  }
0xe: {  	[smem:$0x3FAB] =	sst s6  }
0xf: {  	[smem:$0x3FAC] =	sst s7  }
0x10: {  	[smem:$0x3FAD] =	sst s8  }
0x11: {  	[smem:$0x3FAE] =	sst s9;
	s0 =	simm.s32 @!p0 $0x0  }
0x12: {  	s1 =	sld [smem:$0x3F94];
	s0 =	simm.s32 @p0 $0x1  }
0x13: {  	[smem:$0x3FAF] =	sst s0;
	s0 =	simm.s32 @!p1 $0x0  }
0x14: {  	s2 =	sld [smem:$0x3F93];
	s0 =	simm.s32 @p1 $0x1  }
0x15: {  	[smem:$0x3FB0] =	sst s0;
	s0 =	simm.s32 @!p2 $0x0  }
0x16: {  	s3 =	sld [smem:$0x3FDB];
	s0 =	simm.s32 @p2 $0x1  }
0x17: {  	s4 =	simm.s32 $0x1BF5;
	[smem:$0x3FB2] =	sst s0  }
0x18: {  	s0 =	sld [smem:$0x3F95];
	_ =	swait.ge [sflag:s4], $0x0  }
0x19: {  	s7 =	sld [smem:$0x3F96]  }
0x1a: {  	s8 =	sadd.s32 $0xFFFFE003, lr  }
0x1b: {  	s9 =	sadd.s32 $0xFFFFFEF7, lr;
	s5 =	simm.s32 $0xFFFFFFFF;
	p2 =	slt.u32 s8, $0xFFFFF086  }
0x1c: {  	p1 =	slt.u32 s9, $0xF7A;
	s5 =	simm.s32 @!p2 $0x0  }
0x1d: {  	s5 =	simm.s32 @p1 $0x1;
	p0 =	seq.s32 s7, s2  }
0x1e: {  	s7 =	smul.u32 @!p0 $0xF7A, s2;
	p2 =	seq.s32 @!p0 s5, $0x0  }
0x1f: {  	s9 =	smul.u32 $0xF7A, s1;
	s8 =	simm.s32 @!p0 $0x1BF5;
	p2 =	por !p2, p0  }
0x20: {  	[sflag:s8] =	ssyncset.s32 @!p0 $0xFFFFF086;
	s6 =	sadd.s32 @!p0 s3, s7;
	s7 =	simm.s32 @!p0 $0x108  }
0x21: {  	s3 =	sadd.s32 s3, s9;
	s6 =	sadd.s32 @!p0 $0x88, s6;
	s7 =	simm.s32 @p2 $0x1082  }
0x22: {  	[simem:s7], [sflag:s8] =	dma.local @!p0 [hbm:s6], $0xF7A  }
0x23: {  	s9 =	sor.u32 $0xD0000000, s2;
	s6 =	simm.s32 $0x108;
	_ =	swait.ge @!p0 [sflag:s8], $0x0  }
0x24: {  	s3 =	sadd.s32 $0x88, s3;
	s6 =	simm.s32 @!p1 $0x1082;
	[sflag:s4] =	ssyncset.s32 $0xFFFFF086  }
0x25: {  	[simem:s6], [sflag:s4] =	dma.local [hbm:s3], $0xF7A  }
0x26: {  	[smem:$0x3F96] =	sst s1;
	(tag) =	ssettag s2;
	_ =	strace s9  }
0x27: {  	s1 =	sld [smem:$0x3FA6]  }
0x28: {  	s2 =	sld [smem:$0x3FA7]  }
0x29: {  	s4 =	sld [smem:$0x3FA9]  }
0x2a: {  	p0 =	seq.s32 s5, $0x0;
	s5 =	sld [smem:$0x3FAA]  }
0x2b: {  	s6 =	sld [smem:$0x3FAB]  }
0x2c: {  	s7 =	sld [smem:$0x3FAC]  }
0x2d: {  	s3 =	simm.s32 $0x108;
	s8 =	sld [smem:$0x3FAD]  }
0x2e: {  	s3 =	simm.s32 @!p0 $0x1082;
	s9 =	sld [smem:$0x3FAE]  }
0x2f: {  	lr =	sadd.s32 s0, s3;
	s0 =	sld [smem:$0x3FA5]  }
0x30: {  	s3 =	sld [smem:$0x3FA8]  }
0x31: {  	[smem:$0x3FB1] =	sst s10  }
0x32: {  	s10 =	sld [smem:$0x3FAF];
	_ =	sdelay $0x3  }
0x33: {  	p0 =	seq.s32 s10, $0x1;
	s10 =	sld [smem:$0x3FB1];
	_ =	sdelay $0x3  }
0x34: {  	[smem:$0x3FB1] =	sst s10  }
0x35: {  	s10 =	sld [smem:$0x3FB0];
	_ =	sdelay $0x3  }
0x36: {  	p1 =	seq.s32 s10, $0x1;
	s10 =	sld [smem:$0x3FB1];
	_ =	sdelay $0x3  }
0x37: {  	[smem:$0x3FB1] =	sst s10  }
0x38: {  	s10 =	sld [smem:$0x3FB2]  }
0x39: {  	_ = 	snop;
	(pc) =	sbr.ind lr, $3  }
0x3a: {  	_ = 	snop  }
0x3b: {  	_ = 	snop  }
0x3c: {  	p2 =	seq.s32 s10, $0x1;
	s10 =	sld [smem:$0x3FB1]  }
0x3d: {  	_ =	shalt  }
0x3e: {  	_ =	shalt  }
0x3f: {  	_ =	shalt  }
0x40: {  	_ =	shalt  }
0x41: {  	_ =	shalt  }
0x42: {  	_ =	shalt  }
0x43: {  	_ =	shalt  }
0x44: {  	_ =	shalt  }
0x45: {  	_ =	shalt  }
0x46: {  	_ =	shalt  }
0x47: {  	_ =	shalt  }
0x48: {  	_ =	shalt  }
0x49: {  	_ =	shalt  }
0x4a: {  	_ =	shalt  }
0x4b: {  	_ =	shalt  }
0x4c: {  	_ =	shalt  }
0x4d: {  	_ =	shalt  }
0x4e: {  	_ =	shalt  }
0x4f: {  	_ =	shalt  }
0x50: {  	_ =	shalt  }
0x51: {  	_ =	shalt  }
0x52: {  	_ =	shalt  }
0x53: {  	_ =	shalt  }
0x54: {  	_ =	shalt  }
0x55: {  	_ =	shalt  }
0x56: {  	_ =	shalt  }
0x57: {  	_ =	shalt  }
0x58: {  	_ =	shalt  }
0x59: {  	_ =	shalt  }
0x5a: {  	_ =	shalt  }
0x5b: {  	_ =	shalt  }
0x5c: {  	_ =	shalt  }
0x5d: {  	_ =	shalt  }
0x5e: {  	_ =	shalt  }
0x5f: {  	_ =	shalt  }
0x60: {  	_ =	shalt  }
0x61: {  	_ =	shalt  }
0x62: {  	_ =	shalt  }
0x63: {  	_ =	shalt  }
0x64: {  	_ =	shalt  }
0x65: {  	_ =	shalt  }
0x66: {  	_ =	shalt  }
0x67: {  	_ =	shalt  }
0x68: {  	_ =	shalt  }
0x69: {  	_ =	shalt  }
0x6a: {  	_ =	shalt  }
0x6b: {  	_ =	shalt  }
0x6c: {  	_ =	shalt  }
0x6d: {  	_ =	shalt  }
0x6e: {  	_ =	shalt  }
0x6f: {  	_ =	shalt  }
0x70: {  	_ =	shalt  }
0x71: {  	_ =	shalt  }
0x72: {  	_ =	shalt  }
0x73: {  	_ =	shalt  }
0x74: {  	_ =	shalt  }
0x75: {  	_ =	shalt  }
0x76: {  	_ =	shalt  }
0x77: {  	_ =	shalt  }
0x78: {  	_ =	shalt  }
0x79: {  	_ =	shalt  }
0x7a: {  	_ =	shalt  }
0x7b: {  	_ =	shalt  }
0x7c: {  	_ =	shalt  }
0x7d: {  	_ =	shalt  }
0x7e: {  	_ =	shalt  }
0x7f: {  	_ =	shalt  }
0x80: {  	_ =	shalt  }
0x81: {  	_ =	shalt  }
0x82: {  	_ =	shalt  }
0x83: {  	_ =	shalt  }
0x84: {  	_ =	shalt  }
0x85: {  	_ =	shalt  }
0x86: {  	_ =	shalt  }
0x87: {  	_ =	shalt  }
.Lfunc_end0:
.L_simem_size_0:
called_computation.2_lowered:
.L_overlay_start_0:
0x88: {  	s2 =	sld [smem:$0x3FD9]  }
0x89: {  	s3 =	sld [smem:$0x3FFE];
	_ =	sdelay $0x1  }
0x8a: {  	s1 =	srdreg.scid  }
0x8b: {  	s0 =	sand.u32 $0x1, s1  }
0x8c: {  	s16 =	sshll.u32 s0, $0xA;
	s2 =	sadd.s32 s3, s2  }
0x8d: {  	s2 =	sadd.s32 s2, s16  }
0x8e: {  	[smem:$0x3FBD] =	sst s2  }
0x8f: {  	_ = 	snop  }
0x90: {  	(tm) =	ssettm $0x1  }
0x91: {  	s17 =	sld [smem:$0x3FFB];
	_ =	sdelay $0x3  }
0x92: {  	_ =	strace s17  }
0x93: {  	s2 =	sld [smem:$0x3FFC];
	_ =	sdelay $0x3  }
0x94: {  	_ =	strace s2  }
0x95: {  	s2 =	sld [smem:$0x3FFD];
	_ =	sdelay $0x3  }
0x96: {  	_ =	strace s2  }
0x97: {  	_ =	strace $0x8FFFFFFF  }
0x98: {  	s18 =	sld [smem:$0x3FDB];
	_ =	sdelay $0x1  }
0x99: {  	s19 =	simm.s32 $_scs_section_size  }
0x9a: {  	s4 =	simm.s32 $_size__tile_overlayer_lowered;
	s5 =	simm.s32 $_tile_overlayer_lowered  }
0x9b: {  	s22 =	simm.s32 $0x1BFF;
	s21 =	sshll.u32 s5, $0x1;
	s2 =	sadd.s32 s19, s18  }
0x9c: {  	s6 =	simm.s32 $0x0;
	s20 =	sshll.u32 s4, $0x1;
	s4 =	sadd.s32 s21, s2  }
0x9d: {  	[timem:s6], [sflag:s22] =	dma.local [hbm:s4], s20  }
0x9e: {  	_ =	swait.ge [sflag:s22], s20  }
0x9f: {  	s3 =	ssub.s32 $0x0, s20;
	[sflag:s22] =	ssyncset.done $0x0  }
0xa0: {  	[sflag:s22] =	ssyncadd.s32 s3;
	_ =	sdelay $0x1  }
0xa1: {  	s23 =	simm.s32 $0x1B8B  }
0xa2: {  	_ =	swait.ge [sflag:s23], $0x1  }
0xa3: {  	[sflag:s23] =	ssyncset.done $0x0  }
0xa4: {  	s25 =	simm.s32 $0x1B8E;
	s24 =	sld [smem:$0x3FFE];
	[sflag:s23] =	ssyncadd.s32 $0xFFFFFFFF  }
0xa5: {  	s26 =	simm.s32 $execute0_lowered;
	[smem:$0x3FD2] =	sst s25  }
0xa6: {  	s4 =	sshll.u32 s26, $0x1;
	_ =	strace $0x8000004C;
	[dreg:$0x1] =	wrdreg $0xFFFFFFFF  }
0xa7: {  	s28 =	simm.s32 $_size_execute0_lowered;
	s2 =	sadd.s32 s2, s4;
	[dreg:$0x0] =	wrdreg $0x0  }
0xa8: {  	s4 =	sshll.u32 s28, $0x1;
	[dreg:$0x2] =	wrdreg s2  }
0xa9: {  	[dreg:$0x3] =	wrdreg s4  }
0xaa: {  	[dreg:$0x4] =	wrdreg $0xC0  }
0xab: {  	_ =	task [dreg:s6], $0x5FFFF  }
0xac: {  	[dreg:$0x1] =	wrdreg $0xFFFFFFFF  }
0xad: {  	[dreg:$0x0] =	wrdreg $0x60  }
0xae: {  	[dreg:$0x2] =	wrdreg s24  }
0xaf: {  	[dreg:$0x3] =	wrdreg $0xC3800  }
0xb0: {  	[dreg:$0x4] =	wrdreg $0x9  }
0xb1: {  	_ =	task.clear_ibuf [dreg:s6], $0x5FFFF;
	_ =	strace $0x9000004C  }
0xb2: {  	s29 =	simm.s32 $0x9;
	_ =	strace $0x8000004E  }
0xb3: {  	_ =	swait.ge [sflag:s29], $0x1  }
0xb4: {  	[sflag:s29] =	ssyncadd.s32 $0xFFFFFFFF  }
0xb5: {  	_ =	strace $0x9000004E  }
0xb6: {  	_ =	sfence  }
0xb7: {  	s30 =	sld [smem:$0x0];
	_ =	sdelay $0x2  }
0xb8: {  	s31 =	sshll.u32 s1, $0xD;
	s1 =	sshrl.u32 s1, $0x2  }
0xb9: {  	s3 =	sand.u32 $0x4000, s31;
	s1 =	sadd.s32 s1, s30  }
0xba: {  	s0 =	sor.u32 s3, s0;
	s1 =	sshll.u32 s1, $0x11  }
0xbb: {  	s0 =	sor.u32 s1, s0  }
0xbc: {  	s0 =	sadd.s32 $0x8F2B, s0  }
0xbd: {  	[sflag:s0] =	ssyncadd.remote.s32 $0x1  }
0xbe: {  	_ =	sfence.sel $0xFFFF  }
0xbf: {  	[dreg:$0x0] =	wrdreg $0xFFFFFFFF;
	(pc) =	sbr.abs _section_cstart, $3  }
0xc0: {  	[dreg:$0x1] =	wrdreg $0xFFFFFFFF  }
0xc1: {  	_ =	task.clear_ibuf [dreg:s6], $0x2FFFF;
	_ =	strace $0x9FFFFFFF  }
0xc2: {  	(tm) =	ssettm $0x7FFFFFFF  }
0xc3: {  	_ =	shalt  }
tec
execute0_lowered:
.L_overlay_start_1:
0x0: {  	(tag) =	ssettag $0x1  }
0x1: {  	s0 =	rddreg [dreg:$0x0]  }
0x2: {  	s2 =	rddreg [dreg:$0x1];
	s3 =	simm.s32 $0x0;
	s12 =	stileid.u32  }
0x3: {  	s1 =	srdreg.scid;
	s28 =	simm.s32 $0x4;
	s29 =	simm.s32 $0x3  }
0x4: {  	s30 =	simm.s32 $0x300;
	s31 =	simm.s32 $0x4300;
	s6 =	smul.u32 $0x2780, s12  }
0x5: {  	[smem:$0x7FF] =	sst s3;
	s1 =	sand.u32 $0x1, s1;
	s10 =	smul.u32 $0x4F000, s12  }
0x6: {  	s4 =	sadd.s32 $0x16C00, s0;
	s5 =	sadd.s32 $0x3200, s0;
	s14 =	smul.u32 $0x2710, s12  }
0x7: {  	s13 =	sshll.u32 s12, $0x6;
	_ =	strace $0x8000004D;
	s7 =	smul.u32 $0x27800, s1  }
0x8: {  	s9 =	sshll.u32 s1, $0x4;
	s25 =	ssub.s32 $0x2, s1;
	s1 =	smul.u32 $0x27100, s1  }
0x9: {  	s8 =	sadd.s32 s6, s0;
	s9 =	sor.u32 s12, s9;
	s11 =	sshrl.u32 s25, $0x1  }
0xa: {  	s10 =	sshrl.u32 s10, $0x2;
	s12 =	simm.s32 $0x10;
	s6 =	sadd.s32 s6, s7  }
0xb: {  	s9 =	smul.u32 $0x2710, s9;
	s26 =	ssub.s32 s25, s11;
	s10 =	sadd.s32 s10, s2  }
0xc: {  	s8 =	sadd.s32 $0x43600, s8;
	s1 =	sadd.s32 s14, s1;
	s0 =	sadd.s32 s6, s0  }
0xd: {  	[dreg:$0x3] =	wrdreg s8;
	s8 =	sor.u32 $0x1C05, s13;
	s20 =	sadd.s32 $0x4E380, s1  }
0xe: {  	s6 =	smax.u32 s26, $0x1;
	s21 =	sadd.s32 $0x4E400, s1;
	s22 =	sadd.s32 $0x180, s1  }
0xf: {  	s24 =	sadd.s32 $0x200, s1;
	s25 =	sadd.s32 $0x4E300, s1;
	s1 =	sadd.s32 $0x100, s1  }
0x10: {  	s13 =	simm.s32 $0x0;
	s11 =	sshrl.u32 s9, $0x3;
	[dreg:$0xa] =	wrdreg s6  }
0x11: {  	s0 =	sadd.s32 $0x6AE00, s0;
	[dreg:$0xb] =	wrdreg s22;
	s23 =	sshrl.u32 s21, $0x3  }
0x12: {  	s6 =	sshrl.u32 s25, $0x3;
	s26 =	sshrl.u32 s1, $0x3;
	s22 =	sshrl.u32 s10, $0x3  }
0x13: {  	s25 =	simm.s32 $0x80;
	s1 =	simm.s32 $0x100;
	s9 =	simm.s32 $0x8300  }
0x14: {  	s10 =	simm.s32 $0x2;
	s7 =	sadd.s32 s5, s11;
	[dreg:$0x9] =	wrdreg s0  }
0x15: {  	s0 =	sshrl.u32 s20, $0x3;
	s20 =	sadd.s32 s6, s5;
	s15 =	sadd.s32 $0x9C40, s7  }
0x16: {  	s21 =	sadd.s32 s26, s5;
	s16 =	sadd.s32 $0x10, s7;
	[dreg:$0x4] =	wrdreg s15  }
0x17: {  	s26 =	simm.s32 $0x200;
	s17 =	sadd.s32 $0x9C50, s7;
	[dreg:$0x5] =	wrdreg s16  }
.Ltmp0:
0x18: {  	s18 =	sadd.s32 $0x4E0, s7;
	[dreg:$0x6] =	wrdreg s17;
	(pc) =	sbr.rel .LBB2_1-.Ltmp0, $4  }
0x19: {  	s6 =	simm.s32 $0x280;
	s19 =	sadd.s32 $0xA120, s7;
	[dreg:$0x7] =	wrdreg s18  }
0x1a: {  	s11 =	simm.s32 $0xC300;
	[dreg:$0x8] =	wrdreg s19;
	s16 =	sadd.s32 s0, s5  }
0x1b: {  	s18 =	sadd.s32 s23, s5;
	s0 =	sshrl.u32 s24, $0x3;
	s23 =	simm.s32 $0x5  }
0x1c: {  	s24 =	simm.s32 $0x180;
	s19 =	sadd.s32 s0, s5;
	s0 =	simm.s32 $0x1  }
.LBB2_4:
0x1d: {  	_ =	swait.ge [sflag:s0], $0x4000  }
0x1e: {  	[sflag:s0] =	ssyncset.done $0x0  }
0x1f: {  	[sflag:s0] =	ssyncadd.s32 $0xFFFFC000  }
0x20: {  	[spmem:s2] =	stream.indirect.scatter.add.f32 [tilespmem:s9], [sflag:$0x2], $0x80, s6, s25, $0xb8;
	[tilespmem:$0x1FF80] =	vst v63  }
0x21: {  	_ =	swait.ge [sflag:s10], $0x4000  }
0x22: {  	[sflag:s10] =	ssyncset.done $0x0  }
0x23: {  	[sflag:s10] =	ssyncadd.s32 $0xFFFFC000  }
0x24: {  	_ =	swait.ge [sflag:s10], $0x4000  }
0x25: {  	[sflag:s10] =	ssyncset.done $0x0  }
0x26: {  	s14 =	rddreg [dreg:$0x7];
	[sflag:s10] =	ssyncadd.s32 $0xFFFFC000  }
0x27: {  	[tilespmem:s3], [sflag:$0x4] =	stream.linear.gather [hbm4b:s14+s3], $0x10, $0x38;
	[tilespmem:$0x1FF80] =	vst v63  }
0x28: {  	s17 =	rddreg [dreg:$0x8]  }
0x29: {  	[tilespmem:s11], [sflag:$0x3] =	stream.linear.gather [hbm4b:s17+s3], $0x10, $0x38;
	[tilespmem:$0x1FF80] =	vst v63  }
0x2a: {  	_ =	swait.ge [sflag:s28], $0x10  }
0x2b: {  	[sflag:s28] =	ssyncset.done $0x0  }
0x2c: {  	[sflag:s28] =	ssyncadd.s32 $0xFFFFFFF0  }
0x2d: {  	_ =	swait.ge [sflag:s29], $0x10  }
0x2e: {  	[sflag:s29] =	ssyncset.done $0x0  }
0x2f: {  	[sflag:s29] =	ssyncadd.s32 $0xFFFFFFF0  }
0x30: {  	[tilespmem:s30], [sflag:$0x1] =	stream.indirect.gather [hbm4b:s4+s12], $0x80, s3, s12, $0xb8;
	[tilespmem:$0x1FF80] =	vst v63  }
0x31: {  	_ =	swait.ge [sflag:s0], $0x800  }
0x32: {  	[sflag:s0] =	ssyncset.done $0x0  }
0x33: {  	[sflag:s0] =	ssyncadd.s32 $0xFFFFF800  }
0x34: {  	[spmem:s2] =	stream.indirect.scatter.add.f32 [tilespmem:s30], [sflag:$0x5], $0x80, s11, s12, $0xb8;
	[tilespmem:$0x1FF80] =	vst v63  }
0x35: {  	_ =	swait.ge [sflag:s23], $0x800  }
0x36: {  	[sflag:s23] =	ssyncset.done $0x0  }
0x37: {  	[sflag:s23] =	ssyncadd.s32 $0xFFFFF800  }
0x38: {  	[bflag:$0x0] =	sbarrier.arrive $0xFFFF  }
0x39: {  	s15 =	rddreg [dreg:$0x9]  }
0x3a: {  	[hbm:s15], [sflag:s8] =	dma.local [spmem:s22], $0x2780  }
0x3b: {  	_ =	swait.ge [sflag:s23], $0x2780  }
0x3c: {  	s13 =	sadd.s32 $0x1, s13;
	s17 =	rddreg [dreg:$0xa]  }
0x3d: {  	p0 =	sne.s32 s13, s17  }
.Ltmp1:
0x3e: {  	_ = 	snop;
	(pc) =	sbr.rel @!p0 .LBB2_5-.Ltmp1, $3  }
0x3f: {  	_ =	sdelay $0x1  }
0x40: {  	[sflag:s23] =	ssyncset.done $0x0  }
0x41: {  	[sflag:s23] =	ssyncadd.s32 $0xFFFFD880  }
.LBB2_1:
0x42: {  	s14 =	rddreg [dreg:$0x3]  }
0x43: {  	[spmem:s22], [sflag:s8] =	dma.local [hbm:s14], $0x2780  }
0x44: {  	_ =	swait.ge [sflag:s23], $0x2780  }
0x45: {  	[sflag:s23] =	ssyncset.done $0x0  }
0x46: {  	[sflag:s23] =	ssyncadd.s32 $0xFFFFD880  }
0x47: {  	[bflag:$0x0] =	sbarrier.arrive $0xFFFF  }
0x48: {  	[tilespmem:s3], [sflag:$0x4] =	stream.linear.gather [hbm4b:s7+s3], $0x80, $0x38;
	[tilespmem:$0x1FF80] =	vst v63  }
0x49: {  	s17 =	rddreg [dreg:$0x4]  }
0x4a: {  	[tilespmem:s24], [sflag:$0x3] =	stream.linear.gather [hbm4b:s17+s3], $0x80, $0x38;
	[tilespmem:$0x1FF80] =	vst v63  }
0x4b: {  	s15 =	rddreg [dreg:$0x5]  }
0x4c: {  	[tilespmem:s25], [sflag:$0x4] =	stream.linear.gather [hbm4b:s15+s3], $0x80, $0x38;
	[tilespmem:$0x1FF80] =	vst v63  }
0x4d: {  	s17 =	rddreg [dreg:$0x6]  }
0x4e: {  	[tilespmem:s26], [sflag:$0x3] =	stream.linear.gather [hbm4b:s17+s3], $0x80, $0x38;
	[tilespmem:$0x1FF80] =	vst v63  }
0x4f: {  	_ =	swait.ge [sflag:s28], $0x80  }
0x50: {  	[sflag:s28] =	ssyncset.done $0x0  }
0x51: {  	[sflag:s28] =	ssyncadd.s32 $0xFFFFFF80  }
0x52: {  	_ =	swait.ge [sflag:s29], $0x80  }
0x53: {  	[sflag:s29] =	ssyncset.done $0x0  }
0x54: {  	s15 =	simm.s32 $0x0;
	s17 =	rddreg [dreg:$0xb];
	[sflag:s29] =	ssyncadd.s32 $0xFFFFFF80  }
0x55: {  	[tilespmem:s30], [sflag:$0x1] =	stream.indirect.gather [hbm4b:s4+s25], $0x80, s3, s25, $0xb8;
	[tilespmem:$0x1FF80] =	vst v63  }
.LBB2_2:
0x56: {  	_ =	swait.ge [sflag:s28], $0x80  }
0x57: {  	[sflag:s28] =	ssyncset.done $0x0  }
0x58: {  	[sflag:s28] =	ssyncadd.s32 $0xFFFFFF80  }
0x59: {  	_ =	swait.ge [sflag:s29], $0x80  }
0x5a: {  	[sflag:s29] =	ssyncset.done $0x0  }
0x5b: {  	[sflag:s29] =	ssyncadd.s32 $0xFFFFFF80  }
0x5c: {  	[tilespmem:s31], [sflag:$0x1] =	stream.indirect.gather [hbm4b:s4+s25], $0x80, s25, s25, $0xb8;
	[tilespmem:$0x1FF80] =	vst v63  }
0x5d: {  	_ =	swait.ge [sflag:s0], $0x4000  }
0x5e: {  	p0 =	seq.s32 s15, $0x0;
	[sflag:s0] =	ssyncset.done $0x0  }
0x5f: {  	s14 =	simm.s32 @!p0 $0x2;
	[sflag:s0] =	ssyncadd.s32 $0xFFFFC000  }
0x60: {  	[spmem:s2] =	stream.indirect.scatter.add.f32 [tilespmem:s30], [sflag:$0x2], $0x80, s24, s25, $0xb8;
	[tilespmem:$0x1FF80] =	vst v63  }
0x61: {  	_ =	swait.ge @!p0 [sflag:s14], $0x4000  }
0x62: {  	[sflag:s14] =	ssyncset.done @!p0 $0x0  }
0x63: {  	[sflag:s14] =	ssyncadd.s32 @!p0 $0xFFFFC000;
	s14 =	sadd.s32 s15, s21  }
0x64: {  	[tilespmem:s1], [sflag:$0x4] =	stream.linear.gather [hbm4b:s14+s3], $0x80, $0x38;
	[tilespmem:$0x1FF80] =	vst v63  }
0x65: {  	s14 =	sadd.s32 s15, s20  }
0x66: {  	[tilespmem:s6], [sflag:$0x3] =	stream.linear.gather [hbm4b:s14+s3], $0x80, $0x38;
	[tilespmem:$0x1FF80] =	vst v63  }
0x67: {  	_ =	swait.ge [sflag:s28], $0x80  }
0x68: {  	[sflag:s28] =	ssyncset.done $0x0  }
0x69: {  	[sflag:s28] =	ssyncadd.s32 $0xFFFFFF80  }
0x6a: {  	_ =	swait.ge [sflag:s29], $0x80  }
0x6b: {  	[sflag:s29] =	ssyncset.done $0x0  }
0x6c: {  	[sflag:s29] =	ssyncadd.s32 $0xFFFFFF80  }
0x6d: {  	[tilespmem:s9], [sflag:$0x1] =	stream.indirect.gather [hbm4b:s4+s25], $0x80, s1, s25, $0xb8;
	[tilespmem:$0x1FF80] =	vst v63  }
0x6e: {  	_ =	swait.ge [sflag:s0], $0x4000  }
0x6f: {  	p0 =	seq.s32 s15, $0x4B0;
	[sflag:s0] =	ssyncset.done $0x0  }
.Ltmp2:
0x70: {  	[sflag:s0] =	ssyncadd.s32 $0xFFFFC000;
	(pc) =	sbr.rel @p0 .LBB2_4-.Ltmp2, $4  }
0x71: {  	[spmem:s2] =	stream.indirect.scatter.add.f32 [tilespmem:s31], [sflag:$0x2], $0x80, s26, s25, $0xb8;
	[tilespmem:$0x1FF80] =	vst v63  }
0x72: {  	_ =	swait.ge [sflag:s10], $0x4000  }
0x73: {  	[sflag:s10] =	ssyncset.done $0x0  }
0x74: {  	[sflag:s10] =	ssyncadd.s32 $0xFFFFC000  }
0x75: {  	s14 =	sshrl.u32 s17, $0x3  }
0x76: {  	s14 =	sadd.s32 s5, s14  }
0x77: {  	[tilespmem:s3], [sflag:$0x4] =	stream.linear.gather [hbm4b:s14+s3], $0x80, $0x38;
	[tilespmem:$0x1FF80] =	vst v63  }
0x78: {  	s14 =	sadd.s32 s15, s16  }
0x79: {  	[tilespmem:s24], [sflag:$0x3] =	stream.linear.gather [hbm4b:s14+s3], $0x80, $0x38;
	[tilespmem:$0x1FF80] =	vst v63  }
0x7a: {  	_ =	swait.ge [sflag:s28], $0x80  }
0x7b: {  	[sflag:s28] =	ssyncset.done $0x0  }
0x7c: {  	[sflag:s28] =	ssyncadd.s32 $0xFFFFFF80  }
0x7d: {  	_ =	swait.ge [sflag:s29], $0x80  }
0x7e: {  	[sflag:s29] =	ssyncset.done $0x0  }
0x7f: {  	[sflag:s29] =	ssyncadd.s32 $0xFFFFFF80  }
0x80: {  	[tilespmem:s30], [sflag:$0x1] =	stream.indirect.gather [hbm4b:s4+s25], $0x80, s3, s25, $0xb8;
	[tilespmem:$0x1FF80] =	vst v63  }
0x81: {  	_ =	swait.ge [sflag:s0], $0x4000  }
0x82: {  	[sflag:s0] =	ssyncset.done $0x0  }
0x83: {  	[sflag:s0] =	ssyncadd.s32 $0xFFFFC000  }
0x84: {  	[spmem:s2] =	stream.indirect.scatter.add.f32 [tilespmem:s9], [sflag:$0x2], $0x80, s6, s25, $0xb8;
	[tilespmem:$0x1FF80] =	vst v63  }
0x85: {  	_ =	swait.ge [sflag:s10], $0x4000  }
.Ltmp3:
0x86: {  	[sflag:s10] =	ssyncset.done $0x0;
	(pc) =	sbr.rel .LBB2_2-.Ltmp3, $4  }
0x87: {  	s14 =	sadd.s32 s15, s19;
	[sflag:s10] =	ssyncadd.s32 $0xFFFFC000  }
0x88: {  	[tilespmem:s25], [sflag:$0x4] =	stream.linear.gather [hbm4b:s14+s3], $0x80, $0x38;
	[tilespmem:$0x1FF80] =	vst v63  }
0x89: {  	s17 =	sadd.s32 $0x180, s17;
	s14 =	sadd.s32 s15, s18;
	s15 =	sadd.s32 $0x30, s15  }
0x8a: {  	[tilespmem:s26], [sflag:$0x3] =	stream.linear.gather [hbm4b:s14+s3], $0x80, $0x38;
	[tilespmem:$0x1FF80] =	vst v63  }
.LBB2_5:
0x8b: {  	_ =	sfence.sel $0x180000  }
0x8c: {  	[bflag:$0x0] =	sbarrier.arrive $0xFFFF  }
0x8d: {  	_ =	strace $0x9000004D  }
0x8e: {  	s0 =	stileid.u32;
	[bflag:$0x2] =	sbarrier.arrive $0xFFFF  }
0x8f: {  	p0 =	sne.s32 s0, $0x0;
	s0 =	rddreg [dreg:$0x2]  }
0x90: {  	s0 =	sadd.s32 @!p0 $0x100000, s0  }
0x91: {  	[sflag:s0] =	ssyncadd.tile.s32 @!p0 $0x1;
	_ =	shalt  }
.Lfunc_end2:
_tile_overlayer_lowered:
.L_overlay_start_2:
0x92: {  	(tag) =	ssettag $0x2  }
0x93: {  	s0 =	rddreg [dreg:$0x0];
	s2 =	stileid.u32  }
0x94: {  	s1 =	rddreg [dreg:$0x1];
	p0 =	sne.s32 s2, $0x0  }
0x95: {  	s3 =	rddreg [dreg:$0x2];
	[bflag:$0x3] =	sbarrier.arrive $0xFFFF;
	s2 =	simm.s32 @!p0 $0x1C05  }
0x96: {  	[timem:s3], [sflag:s2] =	dma.local @!p0 [hbm:s0], s1  }
0x97: {  	s0 =	simm.s32 @!p0 $0x5  }
0x98: {  	_ =	swait.ge @!p0 [sflag:s0], s1  }
0x99: {  	s1 =	ssub.s32 @!p0 $0x0, s1;
	[sflag:s0] =	ssyncset.done @!p0 $0x0  }
0x9a: {  	[sflag:s0] =	ssyncadd.s32 @!p0 s1  }
0x9b: {  	[bflag:$0x3] =	sbarrier.arrive $0xFFFF  }
0x9c: {  	_ =	shalt  }

// kernel: kernel.19.cloned.1.call-start
scs
__scs_entry_jumppad:
0x0: {  	(pc) =	sbr.rel $0x88, $3  }
0x1: {  	(tag) =	ssettag $0x0;
	lr =	simm.s32 $0x1  }
0x2: {  	[smem:$0x3F96] =	sst lr;
	_ =	strace $0xD0000000  }
0x3: {  	_ = 	snop  }
0x4: {  	_ = 	snop  }
0x5: {  	_ = 	snop  }
0x6: {  	_ = 	snop  }
0x7: {  	_ = 	snop  }
__scs_overlays_trampoline_lowered:
0x8: {  	[smem:$0x3FA5] =	sst s0  }
0x9: {  	[smem:$0x3FA6] =	sst s1  }
0xa: {  	[smem:$0x3FA7] =	sst s2  }
0xb: {  	[smem:$0x3FA8] =	sst s3  }
0xc: {  	[smem:$0x3FA9] =	sst s4  }
0xd: {  	[smem:$0x3FAA] =	sst s5  }
0xe: {  	[smem:$0x3FAB] =	sst s6  }
0xf: {  	[smem:$0x3FAC] =	sst s7  }
0x10: {  	[smem:$0x3FAD] =	sst s8  }
0x11: {  	[smem:$0x3FAE] =	sst s9;
	s0 =	simm.s32 @!p0 $0x0  }
0x12: {  	s1 =	sld [smem:$0x3F94];
	s0 =	simm.s32 @p0 $0x1  }
0x13: {  	[smem:$0x3FAF] =	sst s0;
	s0 =	simm.s32 @!p1 $0x0  }
0x14: {  	s2 =	sld [smem:$0x3F93];
	s0 =	simm.s32 @p1 $0x1  }
0x15: {  	[smem:$0x3FB0] =	sst s0;
	s0 =	simm.s32 @!p2 $0x0  }
0x16: {  	s3 =	sld [smem:$0x3FDB];
	s0 =	simm.s32 @p2 $0x1  }
0x17: {  	s4 =	simm.s32 $0x1BF5;
	[smem:$0x3FB2] =	sst s0  }
0x18: {  	s0 =	sld [smem:$0x3F95];
	_ =	swait.ge [sflag:s4], $0x0  }
0x19: {  	s7 =	sld [smem:$0x3F96]  }
0x1a: {  	s8 =	sadd.s32 $0xFFFFE003, lr  }
0x1b: {  	s9 =	sadd.s32 $0xFFFFFEF7, lr;
	s5 =	simm.s32 $0xFFFFFFFF;
	p2 =	slt.u32 s8, $0xFFFFF086  }
0x1c: {  	p1 =	slt.u32 s9, $0xF7A;
	s5 =	simm.s32 @!p2 $0x0  }
0x1d: {  	s5 =	simm.s32 @p1 $0x1;
	p0 =	seq.s32 s7, s2  }
0x1e: {  	s7 =	smul.u32 @!p0 $0xF7A, s2;
	p2 =	seq.s32 @!p0 s5, $0x0  }
0x1f: {  	s9 =	smul.u32 $0xF7A, s1;
	s8 =	simm.s32 @!p0 $0x1BF5;
	p2 =	por !p2, p0  }
0x20: {  	[sflag:s8] =	ssyncset.s32 @!p0 $0xFFFFF086;
	s6 =	sadd.s32 @!p0 s3, s7;
	s7 =	simm.s32 @!p0 $0x108  }
0x21: {  	s3 =	sadd.s32 s3, s9;
	s6 =	sadd.s32 @!p0 $0x88, s6;
	s7 =	simm.s32 @p2 $0x1082  }
0x22: {  	[simem:s7], [sflag:s8] =	dma.local @!p0 [hbm:s6], $0xF7A  }
0x23: {  	s9 =	sor.u32 $0xD0000000, s2;
	s6 =	simm.s32 $0x108;
	_ =	swait.ge @!p0 [sflag:s8], $0x0  }
0x24: {  	s3 =	sadd.s32 $0x88, s3;
	s6 =	simm.s32 @!p1 $0x1082;
	[sflag:s4] =	ssyncset.s32 $0xFFFFF086  }
0x25: {  	[simem:s6], [sflag:s4] =	dma.local [hbm:s3], $0xF7A  }
0x26: {  	[smem:$0x3F96] =	sst s1;
	(tag) =	ssettag s2;
	_ =	strace s9  }
0x27: {  	s1 =	sld [smem:$0x3FA6]  }
0x28: {  	s2 =	sld [smem:$0x3FA7]  }
0x29: {  	s4 =	sld [smem:$0x3FA9]  }
0x2a: {  	p0 =	seq.s32 s5, $0x0;
	s5 =	sld [smem:$0x3FAA]  }
0x2b: {  	s6 =	sld [smem:$0x3FAB]  }
0x2c: {  	s7 =	sld [smem:$0x3FAC]  }
0x2d: {  	s3 =	simm.s32 $0x108;
	s8 =	sld [smem:$0x3FAD]  }
0x2e: {  	s3 =	simm.s32 @!p0 $0x1082;
	s9 =	sld [smem:$0x3FAE]  }
0x2f: {  	lr =	sadd.s32 s0, s3;
	s0 =	sld [smem:$0x3FA5]  }
0x30: {  	s3 =	sld [smem:$0x3FA8]  }
0x31: {  	[smem:$0x3FB1] =	sst s10  }
0x32: {  	s10 =	sld [smem:$0x3FAF];
	_ =	sdelay $0x3  }
0x33: {  	p0 =	seq.s32 s10, $0x1;
	s10 =	sld [smem:$0x3FB1];
	_ =	sdelay $0x3  }
0x34: {  	[smem:$0x3FB1] =	sst s10  }
0x35: {  	s10 =	sld [smem:$0x3FB0];
	_ =	sdelay $0x3  }
0x36: {  	p1 =	seq.s32 s10, $0x1;
	s10 =	sld [smem:$0x3FB1];
	_ =	sdelay $0x3  }
0x37: {  	[smem:$0x3FB1] =	sst s10  }
0x38: {  	s10 =	sld [smem:$0x3FB2]  }
0x39: {  	_ = 	snop;
	(pc) =	sbr.ind lr, $3  }
0x3a: {  	_ = 	snop  }
0x3b: {  	_ = 	snop  }
0x3c: {  	p2 =	seq.s32 s10, $0x1;
	s10 =	sld [smem:$0x3FB1]  }
0x3d: {  	_ =	shalt  }
0x3e: {  	_ =	shalt  }
0x3f: {  	_ =	shalt  }
0x40: {  	_ =	shalt  }
0x41: {  	_ =	shalt  }
0x42: {  	_ =	shalt  }
0x43: {  	_ =	shalt  }
0x44: {  	_ =	shalt  }
0x45: {  	_ =	shalt  }
0x46: {  	_ =	shalt  }
0x47: {  	_ =	shalt  }
0x48: {  	_ =	shalt  }
0x49: {  	_ =	shalt  }
0x4a: {  	_ =	shalt  }
0x4b: {  	_ =	shalt  }
0x4c: {  	_ =	shalt  }
0x4d: {  	_ =	shalt  }
0x4e: {  	_ =	shalt  }
0x4f: {  	_ =	shalt  }
0x50: {  	_ =	shalt  }
0x51: {  	_ =	shalt  }
0x52: {  	_ =	shalt  }
0x53: {  	_ =	shalt  }
0x54: {  	_ =	shalt  }
0x55: {  	_ =	shalt  }
0x56: {  	_ =	shalt  }
0x57: {  	_ =	shalt  }
0x58: {  	_ =	shalt  }
0x59: {  	_ =	shalt  }
0x5a: {  	_ =	shalt  }
0x5b: {  	_ =	shalt  }
0x5c: {  	_ =	shalt  }
0x5d: {  	_ =	shalt  }
0x5e: {  	_ =	shalt  }
0x5f: {  	_ =	shalt  }
0x60: {  	_ =	shalt  }
0x61: {  	_ =	shalt  }
0x62: {  	_ =	shalt  }
0x63: {  	_ =	shalt  }
0x64: {  	_ =	shalt  }
0x65: {  	_ =	shalt  }
0x66: {  	_ =	shalt  }
0x67: {  	_ =	shalt  }
0x68: {  	_ =	shalt  }
0x69: {  	_ =	shalt  }
0x6a: {  	_ =	shalt  }
0x6b: {  	_ =	shalt  }
0x6c: {  	_ =	shalt  }
0x6d: {  	_ =	shalt  }
0x6e: {  	_ =	shalt  }
0x6f: {  	_ =	shalt  }
0x70: {  	_ =	shalt  }
0x71: {  	_ =	shalt  }
0x72: {  	_ =	shalt  }
0x73: {  	_ =	shalt  }
0x74: {  	_ =	shalt  }
0x75: {  	_ =	shalt  }
0x76: {  	_ =	shalt  }
0x77: {  	_ =	shalt  }
0x78: {  	_ =	shalt  }
0x79: {  	_ =	shalt  }
0x7a: {  	_ =	shalt  }
0x7b: {  	_ =	shalt  }
0x7c: {  	_ =	shalt  }
0x7d: {  	_ =	shalt  }
0x7e: {  	_ =	shalt  }
0x7f: {  	_ =	shalt  }
0x80: {  	_ =	shalt  }
0x81: {  	_ =	shalt  }
0x82: {  	_ =	shalt  }
0x83: {  	_ =	shalt  }
0x84: {  	_ =	shalt  }
0x85: {  	_ =	shalt  }
0x86: {  	_ =	shalt  }
0x87: {  	_ =	shalt  }
.Lfunc_end0:
.L_simem_size_0:
called_computation.3_lowered:
.L_overlay_start_0:
0x88: {  	s2 =	sld [smem:$0x3FD9]  }
0x89: {  	s3 =	sld [smem:$0x3FFE];
	_ =	sdelay $0x1  }
0x8a: {  	s1 =	srdreg.scid  }
0x8b: {  	s0 =	sand.u32 $0x1, s1  }
0x8c: {  	s16 =	sshll.u32 s0, $0xA;
	s2 =	sadd.s32 s3, s2  }
0x8d: {  	s2 =	sadd.s32 s2, s16  }
0x8e: {  	[smem:$0x3FBD] =	sst s2  }
0x8f: {  	_ = 	snop  }
0x90: {  	(tm) =	ssettm $0x1  }
0x91: {  	s17 =	sld [smem:$0x3FFB];
	_ =	sdelay $0x3  }
0x92: {  	_ =	strace s17  }
0x93: {  	s2 =	sld [smem:$0x3FFC];
	_ =	sdelay $0x3  }
0x94: {  	_ =	strace s2  }
0x95: {  	s2 =	sld [smem:$0x3FFD];
	_ =	sdelay $0x3  }
0x96: {  	_ =	strace s2  }
0x97: {  	_ =	strace $0x8FFFFFFF  }
0x98: {  	s18 =	sld [smem:$0x3FDB];
	_ =	sdelay $0x1  }
0x99: {  	s19 =	simm.s32 $_scs_section_size  }
0x9a: {  	s4 =	simm.s32 $_size__tile_overlayer_lowered;
	s5 =	simm.s32 $_tile_overlayer_lowered  }
0x9b: {  	s22 =	simm.s32 $0x1BFF;
	s21 =	sshll.u32 s5, $0x1;
	s2 =	sadd.s32 s19, s18  }
0x9c: {  	s6 =	simm.s32 $0x0;
	s20 =	sshll.u32 s4, $0x1;
	s4 =	sadd.s32 s21, s2  }
0x9d: {  	[timem:s6], [sflag:s22] =	dma.local [hbm:s4], s20  }
0x9e: {  	_ =	swait.ge [sflag:s22], s20  }
0x9f: {  	s3 =	ssub.s32 $0x0, s20;
	[sflag:s22] =	ssyncset.done $0x0  }
0xa0: {  	[sflag:s22] =	ssyncadd.s32 s3;
	_ =	sdelay $0x1  }
0xa1: {  	s23 =	simm.s32 $0x1B8B  }
0xa2: {  	_ =	swait.ge [sflag:s23], $0x1  }
0xa3: {  	[sflag:s23] =	ssyncset.done $0x0  }
0xa4: {  	s25 =	simm.s32 $0x1B8E;
	s24 =	sld [smem:$0x3FFE];
	[sflag:s23] =	ssyncadd.s32 $0xFFFFFFFF  }
0xa5: {  	s26 =	simm.s32 $execute0_lowered;
	[smem:$0x3FD2] =	sst s25  }
0xa6: {  	s4 =	sshll.u32 s26, $0x1;
	_ =	strace $0x8000004F;
	[dreg:$0x1] =	wrdreg $0xFFFFFFFF  }
0xa7: {  	s28 =	simm.s32 $_size_execute0_lowered;
	s2 =	sadd.s32 s2, s4;
	[dreg:$0x0] =	wrdreg $0x0  }
0xa8: {  	s4 =	sshll.u32 s28, $0x1;
	[dreg:$0x2] =	wrdreg s2  }
0xa9: {  	[dreg:$0x3] =	wrdreg s4  }
0xaa: {  	[dreg:$0x4] =	wrdreg $0xC0  }
0xab: {  	_ =	task [dreg:s6], $0x5FFFF  }
0xac: {  	[dreg:$0x1] =	wrdreg $0xFFFFFFFF  }
0xad: {  	[dreg:$0x0] =	wrdreg $0x60  }
0xae: {  	[dreg:$0x2] =	wrdreg s24  }
0xaf: {  	[dreg:$0x3] =	wrdreg $0x4B100  }
0xb0: {  	[dreg:$0x4] =	wrdreg $0x9  }
0xb1: {  	_ =	task.clear_ibuf [dreg:s6], $0x5FFFF;
	_ =	strace $0x9000004F  }
0xb2: {  	s29 =	simm.s32 $0x9;
	_ =	strace $0x80000051  }
0xb3: {  	_ =	swait.ge [sflag:s29], $0x1  }
0xb4: {  	[sflag:s29] =	ssyncadd.s32 $0xFFFFFFFF  }
0xb5: {  	_ =	strace $0x90000051  }
0xb6: {  	_ =	sfence  }
0xb7: {  	s30 =	sld [smem:$0x0];
	_ =	sdelay $0x2  }
0xb8: {  	s31 =	sshll.u32 s1, $0xD;
	s1 =	sshrl.u32 s1, $0x2  }
0xb9: {  	s3 =	sand.u32 $0x4000, s31;
	s1 =	sadd.s32 s1, s30  }
0xba: {  	s0 =	sor.u32 s3, s0;
	s1 =	sshll.u32 s1, $0x11  }
0xbb: {  	s0 =	sor.u32 s1, s0  }
0xbc: {  	s0 =	sadd.s32 $0x8F2B, s0  }
0xbd: {  	[sflag:s0] =	ssyncadd.remote.s32 $0x1  }
0xbe: {  	_ =	sfence.sel $0xFFFF  }
0xbf: {  	[dreg:$0x0] =	wrdreg $0xFFFFFFFF;
	(pc) =	sbr.abs _section_cstart, $3  }
0xc0: {  	[dreg:$0x1] =	wrdreg $0xFFFFFFFF  }
0xc1: {  	_ =	task.clear_ibuf [dreg:s6], $0x2FFFF;
	_ =	strace $0x9FFFFFFF  }
0xc2: {  	(tm) =	ssettm $0x7FFFFFFF  }
0xc3: {  	_ =	shalt  }
tec
execute0_lowered:
.L_overlay_start_1:
0x0: {  	(tag) =	ssettag $0x1  }
0x1: {  	s0 =	rddreg [dreg:$0x0]  }
0x2: {  	s1 =	rddreg [dreg:$0x1];
	s3 =	simm.s32 $0x0;
	s12 =	stileid.u32  }
0x3: {  	s6 =	srdreg.scid;
	s28 =	simm.s32 $0x4;
	s29 =	simm.s32 $0x3  }
0x4: {  	s30 =	simm.s32 $0x300;
	s31 =	simm.s32 $0x1B00;
	s2 =	smul.u32 $0x7680, s12  }
0x5: {  	[smem:$0x7FF] =	sst s3;
	s4 =	sadd.s32 $0x16C00, s0;
	s7 =	smul.u32 $0xED0, s12  }
0x6: {  	s5 =	sadd.s32 $0x3200, s0;
	s6 =	sand.u32 $0x1, s6;
	s14 =	smul.u32 $0x2710, s12  }
0x7: {  	s13 =	sshll.u32 s12, $0x6;
	_ =	strace $0x80000050;
	s9 =	smul.u32 $0xED00, s6  }
0x8: {  	s10 =	sshll.u32 s6, $0x4;
	s11 =	ssub.s32 $0x2, s6;
	s6 =	smul.u32 $0x27100, s6  }
0x9: {  	s8 =	sshrl.u32 s2, $0x3;
	s10 =	sor.u32 s12, s10;
	s26 =	sshrl.u32 s11, $0x1  }
0xa: {  	s2 =	sadd.s32 s2, s1;
	s12 =	simm.s32 $0x10;
	s8 =	sadd.s32 s8, s0  }
0xb: {  	s7 =	sadd.s32 s7, s9;
	s10 =	smul.u32 $0x2710, s10;
	s9 =	ssub.s32 s11, s26  }
0xc: {  	s6 =	sadd.s32 s14, s6;
	s0 =	sadd.s32 s7, s0;
	s8 =	sadd.s32 $0x25A00, s8  }
0xd: {  	s20 =	sadd.s32 $0x4E380, s6;
	s9 =	smax.u32 s9, $0x1;
	s21 =	sadd.s32 $0x4E400, s6  }
0xe: {  	s22 =	sadd.s32 $0x180, s6;
	s24 =	sadd.s32 $0x200, s6;
	s25 =	sadd.s32 $0x4E300, s6  }
0xf: {  	s6 =	sadd.s32 $0x100, s6;
	[dreg:$0x3] =	wrdreg s8;
	s11 =	sshrl.u32 s10, $0x3  }
0x10: {  	s8 =	sor.u32 $0x1C05, s13;
	s0 =	sadd.s32 $0x34800, s0;
	[dreg:$0xa] =	wrdreg s9  }
0x11: {  	[dreg:$0xb] =	wrdreg s22;
	s23 =	sshrl.u32 s21, $0x3;
	s9 =	sshrl.u32 s25, $0x3  }
0x12: {  	s26 =	sshrl.u32 s6, $0x3;
	s22 =	sshrl.u32 s2, $0x3;
	s25 =	simm.s32 $0x80  }
0x13: {  	s2 =	simm.s32 $0x100;
	s6 =	simm.s32 $0x280;
	s10 =	simm.s32 $0x2  }
0x14: {  	s13 =	simm.s32 $0x0;
	s7 =	sadd.s32 s5, s11;
	[dreg:$0x9] =	wrdreg s0  }
0x15: {  	s0 =	sshrl.u32 s20, $0x3;
	s20 =	sadd.s32 s9, s5;
	s15 =	sadd.s32 $0x9C40, s7  }
0x16: {  	s21 =	sadd.s32 s26, s5;
	s16 =	sadd.s32 $0x10, s7;
	[dreg:$0x4] =	wrdreg s15  }
0x17: {  	s26 =	simm.s32 $0x200;
	s17 =	sadd.s32 $0x9C50, s7;
	[dreg:$0x5] =	wrdreg s16  }
.Ltmp0:
0x18: {  	s18 =	sadd.s32 $0x4E0, s7;
	[dreg:$0x6] =	wrdreg s17;
	(pc) =	sbr.rel .LBB2_1-.Ltmp0, $4  }
0x19: {  	s9 =	simm.s32 $0x3300;
	s19 =	sadd.s32 $0xA120, s7;
	[dreg:$0x7] =	wrdreg s18  }
0x1a: {  	s11 =	simm.s32 $0x4B00;
	[dreg:$0x8] =	wrdreg s19;
	s16 =	sadd.s32 s0, s5  }
0x1b: {  	s18 =	sadd.s32 s23, s5;
	s0 =	sshrl.u32 s24, $0x3;
	s23 =	simm.s32 $0x5  }
0x1c: {  	s24 =	simm.s32 $0x180;
	s19 =	sadd.s32 s0, s5;
	s0 =	simm.s32 $0x1  }
.LBB2_4:
0x1d: {  	_ =	swait.ge [sflag:s0], $0x1800  }
0x1e: {  	[sflag:s0] =	ssyncset.done $0x0  }
0x1f: {  	[sflag:s0] =	ssyncadd.s32 $0xFFFFE800  }
0x20: {  	[spmem:s1] =	stream.indirect.scatter.add.f32 [tilespmem:s9], [sflag:$0x2], $0x30, s6, s25, $0xb8;
	[tilespmem:$0xC190] =	vst v63  }
0x21: {  	_ =	swait.ge [sflag:s10], $0x1800  }
0x22: {  	[sflag:s10] =	ssyncset.done $0x0  }
0x23: {  	[sflag:s10] =	ssyncadd.s32 $0xFFFFE800  }
0x24: {  	_ =	swait.ge [sflag:s10], $0x1800  }
0x25: {  	[sflag:s10] =	ssyncset.done $0x0  }
0x26: {  	s14 =	rddreg [dreg:$0x7];
	[sflag:s10] =	ssyncadd.s32 $0xFFFFE800  }
0x27: {  	[tilespmem:s3], [sflag:$0x4] =	stream.linear.gather [hbm4b:s14+s3], $0x10, $0x38;
	[tilespmem:$0xC190] =	vst v63  }
0x28: {  	s17 =	rddreg [dreg:$0x8]  }
0x29: {  	[tilespmem:s11], [sflag:$0x3] =	stream.linear.gather [hbm4b:s17+s3], $0x10, $0x38;
	[tilespmem:$0xC190] =	vst v63  }
0x2a: {  	_ =	swait.ge [sflag:s28], $0x10  }
0x2b: {  	[sflag:s28] =	ssyncset.done $0x0  }
0x2c: {  	[sflag:s28] =	ssyncadd.s32 $0xFFFFFFF0  }
0x2d: {  	_ =	swait.ge [sflag:s29], $0x10  }
0x2e: {  	[sflag:s29] =	ssyncset.done $0x0  }
0x2f: {  	[sflag:s29] =	ssyncadd.s32 $0xFFFFFFF0  }
0x30: {  	[tilespmem:s30], [sflag:$0x1] =	stream.indirect.gather [hbm4b:s4+s12], $0x30, s3, s12, $0xb8;
	[tilespmem:$0xC190] =	vst v63  }
0x31: {  	_ =	swait.ge [sflag:s0], $0x300  }
0x32: {  	[sflag:s0] =	ssyncset.done $0x0  }
0x33: {  	[sflag:s0] =	ssyncadd.s32 $0xFFFFFD00  }
0x34: {  	[spmem:s1] =	stream.indirect.scatter.add.f32 [tilespmem:s30], [sflag:$0x5], $0x30, s11, s12, $0xb8;
	[tilespmem:$0xC190] =	vst v63  }
0x35: {  	_ =	swait.ge [sflag:s23], $0x300  }
0x36: {  	[sflag:s23] =	ssyncset.done $0x0  }
0x37: {  	[sflag:s23] =	ssyncadd.s32 $0xFFFFFD00  }
0x38: {  	[bflag:$0x0] =	sbarrier.arrive $0xFFFF  }
0x39: {  	s15 =	rddreg [dreg:$0x9]  }
0x3a: {  	[hbm:s15], [sflag:s8] =	dma.local [spmem:s22], $0xED0  }
0x3b: {  	_ =	swait.ge [sflag:s23], $0xED0  }
0x3c: {  	s13 =	sadd.s32 $0x1, s13;
	s17 =	rddreg [dreg:$0xa]  }
0x3d: {  	p0 =	sne.s32 s13, s17  }
.Ltmp1:
0x3e: {  	_ = 	snop;
	(pc) =	sbr.rel @!p0 .LBB2_5-.Ltmp1, $3  }
0x3f: {  	_ =	sdelay $0x1  }
0x40: {  	[sflag:s23] =	ssyncset.done $0x0  }
0x41: {  	[sflag:s23] =	ssyncadd.s32 $0xFFFFF130  }
.LBB2_1:
0x42: {  	s14 =	rddreg [dreg:$0x3]  }
0x43: {  	[spmem:s22], [sflag:s8] =	dma.local [hbm:s14], $0xED0  }
0x44: {  	_ =	swait.ge [sflag:s23], $0xED0  }
0x45: {  	[sflag:s23] =	ssyncset.done $0x0  }
0x46: {  	[sflag:s23] =	ssyncadd.s32 $0xFFFFF130  }
0x47: {  	[bflag:$0x0] =	sbarrier.arrive $0xFFFF  }
0x48: {  	[tilespmem:s3], [sflag:$0x4] =	stream.linear.gather [hbm4b:s7+s3], $0x80, $0x38;
	[tilespmem:$0xC190] =	vst v63  }
0x49: {  	s17 =	rddreg [dreg:$0x4]  }
0x4a: {  	[tilespmem:s24], [sflag:$0x3] =	stream.linear.gather [hbm4b:s17+s3], $0x80, $0x38;
	[tilespmem:$0xC190] =	vst v63  }
0x4b: {  	s15 =	rddreg [dreg:$0x5]  }
0x4c: {  	[tilespmem:s25], [sflag:$0x4] =	stream.linear.gather [hbm4b:s15+s3], $0x80, $0x38;
	[tilespmem:$0xC190] =	vst v63  }
0x4d: {  	s17 =	rddreg [dreg:$0x6]  }
0x4e: {  	[tilespmem:s26], [sflag:$0x3] =	stream.linear.gather [hbm4b:s17+s3], $0x80, $0x38;
	[tilespmem:$0xC190] =	vst v63  }
0x4f: {  	_ =	swait.ge [sflag:s28], $0x80  }
0x50: {  	[sflag:s28] =	ssyncset.done $0x0  }
0x51: {  	[sflag:s28] =	ssyncadd.s32 $0xFFFFFF80  }
0x52: {  	_ =	swait.ge [sflag:s29], $0x80  }
0x53: {  	[sflag:s29] =	ssyncset.done $0x0  }
0x54: {  	s15 =	simm.s32 $0x0;
	s17 =	rddreg [dreg:$0xb];
	[sflag:s29] =	ssyncadd.s32 $0xFFFFFF80  }
0x55: {  	[tilespmem:s30], [sflag:$0x1] =	stream.indirect.gather [hbm4b:s4+s25], $0x30, s3, s25, $0xb8;
	[tilespmem:$0xC190] =	vst v63  }
.LBB2_2:
0x56: {  	_ =	swait.ge [sflag:s28], $0x80  }
0x57: {  	[sflag:s28] =	ssyncset.done $0x0  }
0x58: {  	[sflag:s28] =	ssyncadd.s32 $0xFFFFFF80  }
0x59: {  	_ =	swait.ge [sflag:s29], $0x80  }
0x5a: {  	[sflag:s29] =	ssyncset.done $0x0  }
0x5b: {  	[sflag:s29] =	ssyncadd.s32 $0xFFFFFF80  }
0x5c: {  	[tilespmem:s31], [sflag:$0x1] =	stream.indirect.gather [hbm4b:s4+s25], $0x30, s25, s25, $0xb8;
	[tilespmem:$0xC190] =	vst v63  }
0x5d: {  	_ =	swait.ge [sflag:s0], $0x1800  }
0x5e: {  	p0 =	seq.s32 s15, $0x0;
	[sflag:s0] =	ssyncset.done $0x0  }
0x5f: {  	s14 =	simm.s32 @!p0 $0x2;
	[sflag:s0] =	ssyncadd.s32 $0xFFFFE800  }
0x60: {  	[spmem:s1] =	stream.indirect.scatter.add.f32 [tilespmem:s30], [sflag:$0x2], $0x30, s24, s25, $0xb8;
	[tilespmem:$0xC190] =	vst v63  }
0x61: {  	_ =	swait.ge @!p0 [sflag:s14], $0x1800  }
0x62: {  	[sflag:s14] =	ssyncset.done @!p0 $0x0  }
0x63: {  	[sflag:s14] =	ssyncadd.s32 @!p0 $0xFFFFE800;
	s14 =	sadd.s32 s15, s21  }
0x64: {  	[tilespmem:s2], [sflag:$0x4] =	stream.linear.gather [hbm4b:s14+s3], $0x80, $0x38;
	[tilespmem:$0xC190] =	vst v63  }
0x65: {  	s14 =	sadd.s32 s15, s20  }
0x66: {  	[tilespmem:s6], [sflag:$0x3] =	stream.linear.gather [hbm4b:s14+s3], $0x80, $0x38;
	[tilespmem:$0xC190] =	vst v63  }
0x67: {  	_ =	swait.ge [sflag:s28], $0x80  }
0x68: {  	[sflag:s28] =	ssyncset.done $0x0  }
0x69: {  	[sflag:s28] =	ssyncadd.s32 $0xFFFFFF80  }
0x6a: {  	_ =	swait.ge [sflag:s29], $0x80  }
0x6b: {  	[sflag:s29] =	ssyncset.done $0x0  }
0x6c: {  	[sflag:s29] =	ssyncadd.s32 $0xFFFFFF80  }
0x6d: {  	[tilespmem:s9], [sflag:$0x1] =	stream.indirect.gather [hbm4b:s4+s25], $0x30, s2, s25, $0xb8;
	[tilespmem:$0xC190] =	vst v63  }
0x6e: {  	_ =	swait.ge [sflag:s0], $0x1800  }
0x6f: {  	p0 =	seq.s32 s15, $0x4B0;
	[sflag:s0] =	ssyncset.done $0x0  }
.Ltmp2:
0x70: {  	[sflag:s0] =	ssyncadd.s32 $0xFFFFE800;
	(pc) =	sbr.rel @p0 .LBB2_4-.Ltmp2, $4  }
0x71: {  	[spmem:s1] =	stream.indirect.scatter.add.f32 [tilespmem:s31], [sflag:$0x2], $0x30, s26, s25, $0xb8;
	[tilespmem:$0xC190] =	vst v63  }
0x72: {  	_ =	swait.ge [sflag:s10], $0x1800  }
0x73: {  	[sflag:s10] =	ssyncset.done $0x0  }
0x74: {  	[sflag:s10] =	ssyncadd.s32 $0xFFFFE800  }
0x75: {  	s14 =	sshrl.u32 s17, $0x3  }
0x76: {  	s14 =	sadd.s32 s5, s14  }
0x77: {  	[tilespmem:s3], [sflag:$0x4] =	stream.linear.gather [hbm4b:s14+s3], $0x80, $0x38;
	[tilespmem:$0xC190] =	vst v63  }
0x78: {  	s14 =	sadd.s32 s15, s16  }
0x79: {  	[tilespmem:s24], [sflag:$0x3] =	stream.linear.gather [hbm4b:s14+s3], $0x80, $0x38;
	[tilespmem:$0xC190] =	vst v63  }
0x7a: {  	_ =	swait.ge [sflag:s28], $0x80  }
0x7b: {  	[sflag:s28] =	ssyncset.done $0x0  }
0x7c: {  	[sflag:s28] =	ssyncadd.s32 $0xFFFFFF80  }
0x7d: {  	_ =	swait.ge [sflag:s29], $0x80  }
0x7e: {  	[sflag:s29] =	ssyncset.done $0x0  }
0x7f: {  	[sflag:s29] =	ssyncadd.s32 $0xFFFFFF80  }
0x80: {  	[tilespmem:s30], [sflag:$0x1] =	stream.indirect.gather [hbm4b:s4+s25], $0x30, s3, s25, $0xb8;
	[tilespmem:$0xC190] =	vst v63  }
0x81: {  	_ =	swait.ge [sflag:s0], $0x1800  }
0x82: {  	[sflag:s0] =	ssyncset.done $0x0  }
0x83: {  	[sflag:s0] =	ssyncadd.s32 $0xFFFFE800  }
0x84: {  	[spmem:s1] =	stream.indirect.scatter.add.f32 [tilespmem:s9], [sflag:$0x2], $0x30, s6, s25, $0xb8;
	[tilespmem:$0xC190] =	vst v63  }
0x85: {  	_ =	swait.ge [sflag:s10], $0x1800  }
.Ltmp3:
0x86: {  	[sflag:s10] =	ssyncset.done $0x0;
	(pc) =	sbr.rel .LBB2_2-.Ltmp3, $4  }
0x87: {  	s14 =	sadd.s32 s15, s19;
	[sflag:s10] =	ssyncadd.s32 $0xFFFFE800  }
0x88: {  	[tilespmem:s25], [sflag:$0x4] =	stream.linear.gather [hbm4b:s14+s3], $0x80, $0x38;
	[tilespmem:$0xC190] =	vst v63  }
0x89: {  	s17 =	sadd.s32 $0x180, s17;
	s14 =	sadd.s32 s15, s18;
	s15 =	sadd.s32 $0x30, s15  }
0x8a: {  	[tilespmem:s26], [sflag:$0x3] =	stream.linear.gather [hbm4b:s14+s3], $0x80, $0x38;
	[tilespmem:$0xC190] =	vst v63  }
.LBB2_5:
0x8b: {  	_ =	sfence.sel $0x180000  }
0x8c: {  	[bflag:$0x0] =	sbarrier.arrive $0xFFFF  }
0x8d: {  	_ =	strace $0x90000050  }
0x8e: {  	s0 =	stileid.u32;
	[bflag:$0x2] =	sbarrier.arrive $0xFFFF  }
0x8f: {  	p0 =	sne.s32 s0, $0x0;
	s0 =	rddreg [dreg:$0x2]  }
0x90: {  	s0 =	sadd.s32 @!p0 $0x100000, s0  }
0x91: {  	[sflag:s0] =	ssyncadd.tile.s32 @!p0 $0x1;
	_ =	shalt  }
.Lfunc_end2:
_tile_overlayer_lowered:
.L_overlay_start_2:
0x92: {  	(tag) =	ssettag $0x2  }
0x93: {  	s0 =	rddreg [dreg:$0x0];
	s2 =	stileid.u32  }
0x94: {  	s1 =	rddreg [dreg:$0x1];
	p0 =	sne.s32 s2, $0x0  }
0x95: {  	s3 =	rddreg [dreg:$0x2];
	[bflag:$0x3] =	sbarrier.arrive $0xFFFF;
	s2 =	simm.s32 @!p0 $0x1C05  }
0x96: {  	[timem:s3], [sflag:s2] =	dma.local @!p0 [hbm:s0], s1  }
0x97: {  	s0 =	simm.s32 @!p0 $0x5  }
0x98: {  	_ =	swait.ge @!p0 [sflag:s0], s1  }
0x99: {  	s1 =	ssub.s32 @!p0 $0x0, s1;
	[sflag:s0] =	ssyncset.done @!p0 $0x0  }
0x9a: {  	[sflag:s0] =	ssyncadd.s32 @!p0 s1  }
0x9b: {  	[bflag:$0x3] =	sbarrier.arrive $0xFFFF  }
0x9c: {  	_ =	shalt  }

</sc_bundles>
